<compile_context>
chip_gen: v7x
topology: tpu7x:2x2x1
jax: 0.10.2.dev20260603
libtpu: 0.0.44.dev20260713+nightly
codegen_flags: <defaults>
</compile_context>

<pallas_src>
import functools

import jax
import jax.numpy as jnp
from jax import lax
from jax.experimental import pallas as pl
from jax.experimental.pallas import tpu as pltpu
from jax.experimental.pallas import tpu_sc as plsc

_N = 10000
_E = 320000
_D = 128
_H = 20
_C = 10

_NTILES = 32
_NSUB = 16
_NP = 10112
_RPT = _NP // _NSUB
_CH = 128
_EP = 327680
_CPT = _EP // (_NTILES * _CH)
_NBUF = 4


def _make_edge_pass(P):
  mesh = plsc.VectorSubcoreMesh(core_axis_name="c", subcore_axis_name="s")

  @functools.partial(
      pl.kernel,
      out_type=jax.ShapeDtypeStruct((2, _NP, P), jnp.float32),
      mesh=mesh,
      scratch_types=[
          pltpu.VMEM((_CPT, _CH), jnp.int32),
          pltpu.VMEM((_CPT, _CH), jnp.int32),
          [pltpu.VMEM((_CH, P), jnp.float32)] * _NBUF,
          pltpu.VMEM_SHARED((_NP, P), jnp.float32),
          [pltpu.SemaphoreType.DMA] * _NBUF,
          [pltpu.SemaphoreType.DMA] * _NBUF,
      ],
      compiler_params=pltpu.CompilerParams(use_tc_tiling_on_sc=False),
  )
  def edge_pass(table_hbm, sidx_hbm, didx_hbm, zeros_hbm, out_hbm,
                sidx_v, didx_v, rows, acc, gsem, ssem):
    c = lax.axis_index("c")
    s = lax.axis_index("s")
    wid = c * _NSUB + s
    pltpu.sync_copy(zeros_hbm.at[pl.ds(s * _RPT, _RPT)],
                    acc.at[pl.ds(s * _RPT, _RPT)])
    pltpu.sync_copy(sidx_hbm.at[pl.ds(wid * _CPT, _CPT)], sidx_v)
    pltpu.sync_copy(didx_hbm.at[pl.ds(wid * _CPT, _CPT)], didx_v)
    plsc.subcore_barrier()

    nq = _CPT // _NBUF
    for b in range(_NBUF):
      pltpu.async_copy(table_hbm.at[sidx_v.at[b]], rows[b], gsem[b])

    def body(i, carry):
      base = i * _NBUF
      for b in range(_NBUF):
        pltpu.make_async_copy(table_hbm.at[sidx_v.at[0]], rows[b],
                              gsem[b]).wait()
        pltpu.async_copy(rows[b], acc.at[didx_v.at[base + b]], ssem[b],
                         add=True)

      @pl.when(i < nq - 1)
      def _():
        for b in range(_NBUF):
          pltpu.make_async_copy(rows[b], acc.at[didx_v.at[0]],
                                ssem[b]).wait()
          pltpu.async_copy(table_hbm.at[sidx_v.at[base + _NBUF + b]],
                           rows[b], gsem[b])

      return carry

    lax.fori_loop(0, nq, body, 0)
    for b in range(_NBUF):
      pltpu.make_async_copy(rows[b], acc.at[didx_v.at[0]], ssem[b]).wait()
    plsc.subcore_barrier()
    pltpu.sync_copy(acc.at[pl.ds(s * _RPT, _RPT)],
                    out_hbm.at[c].at[pl.ds(s * _RPT, _RPT)])

  return edge_pass


_edge_pass16 = _make_edge_pass(16)
_edge_pass32 = _make_edge_pass(32)


def _dinv_col(deg2_ref):
  d = deg2_ref[0] + deg2_ref[1]
  deg = d[:, 0:1]
  return jnp.where(deg > 0, lax.rsqrt(jnp.maximum(deg, 1e-12)), 0.0)


def _mm_body(a_ref, w_ref, o_ref):
  o_ref[...] = jnp.dot(a_ref[...], w_ref[...],
                       preferred_element_type=jnp.float32)


def _mm(a, w):
  return pl.pallas_call(
      _mm_body,
      out_shape=jax.ShapeDtypeStruct((a.shape[0], w.shape[1]), jnp.float32),
  )(a, w)


def _scale_body(deg2_ref, h_ref, o_ref):
  o_ref[...] = _dinv_col(deg2_ref) * h_ref[...]


def _scale(deg2, h):
  return pl.pallas_call(
      _scale_body,
      out_shape=jax.ShapeDtypeStruct(h.shape, jnp.float32),
  )(deg2, h)


def _layer_body(deg2_ref, acc_ref, b_ref, w_ref, h_ref, g_ref):
  dinv = _dinv_col(deg2_ref)
  su = acc_ref[0] + acc_ref[1]
  h = jnp.maximum(dinv * su + b_ref[...], 0.0)
  h_ref[...] = h
  g_ref[...] = dinv * jnp.dot(h, w_ref[...],
                              preferred_element_type=jnp.float32)


def _layer(deg2, acc, b, w):
  return pl.pallas_call(
      _layer_body,
      out_shape=(jax.ShapeDtypeStruct((_NP, 32), jnp.float32),
                 jax.ShapeDtypeStruct((_NP, 32), jnp.float32)),
  )(deg2, acc, b, w)


def _final_body(deg2_ref, acc_ref, b_ref, h1_ref, h2_ref, wp_ref, bp_ref,
                o_ref):
  dinv = _dinv_col(deg2_ref)
  su = acc_ref[0] + acc_ref[1]
  h3 = jnp.maximum(dinv * su + b_ref[...], 0.0)
  hcat = jnp.concatenate([h1_ref[...], h2_ref[...], h3], axis=1)
  logits = jnp.dot(hcat, wp_ref[...],
                   preferred_element_type=jnp.float32) + bp_ref[...]
  m = jnp.max(logits, axis=1, keepdims=True)
  lse = jnp.log(jnp.sum(jnp.exp(logits - m), axis=1, keepdims=True))
  o_ref[...] = logits - m - lse


def _final(deg2, acc, b, h1, h2, wp, bp):
  return pl.pallas_call(
      _final_body,
      out_shape=jax.ShapeDtypeStruct((_NP, 16), jnp.float32),
  )(deg2, acc, b, h1, h2, wp, bp)


def kernel(x, edge_index, W1, b1, W2, b2, W3, b3, Wp, bp):
  f32 = jnp.float32
  src = edge_index[0]
  dst = edge_index[1]
  pad = jnp.full((_EP - _E,), _N, jnp.int32)
  srcp = jnp.concatenate([src, pad]).reshape(_EP // _CH, _CH)
  dstp = jnp.concatenate([dst, pad]).reshape(_EP // _CH, _CH)

  xp = jnp.pad(x, ((0, _NP - _N), (0, 0)))
  W1p = jnp.pad(W1, ((0, 0), (0, 32 - _H)))
  W2p = jnp.pad(W2, ((0, 32 - _H), (0, 32 - _H)))
  W3p = jnp.pad(W3, ((0, 32 - _H), (0, 32 - _H)))
  b1p = jnp.pad(b1, (0, 32 - _H)).reshape(1, 32)
  b2p = jnp.pad(b2, (0, 32 - _H)).reshape(1, 32)
  b3p = jnp.pad(b3, (0, 32 - _H)).reshape(1, 32)
  wpp = (jnp.zeros((96, 16), f32)
         .at[0:_H, 0:_C].set(Wp[0:_H])
         .at[32:32 + _H, 0:_C].set(Wp[_H:2 * _H])
         .at[64:64 + _H, 0:_C].set(Wp[2 * _H:3 * _H]))
  bpp = jnp.full((1, 16), -1e30, f32).at[0, 0:_C].set(bp)

  zeros16 = jnp.zeros((_NP, 16), f32)
  zeros32 = jnp.zeros((_NP, 32), f32)
  ones16 = jnp.ones((_NP, 16), f32)

  deg2 = _edge_pass16(ones16, srcp, dstp, zeros16)
  h1p = _mm(xp, W1p)
  g1 = _scale(deg2, h1p)
  a1 = _edge_pass32(g1, srcp, dstp, zeros32)
  h1, g2 = _layer(deg2, a1, b1p, W2p)
  a2 = _edge_pass32(g2, srcp, dstp, zeros32)
  h2, g3 = _layer(deg2, a2, b2p, W3p)
  a3 = _edge_pass32(g3, srcp, dstp, zeros32)
  out = _final(deg2, a3, b3p, h1, h2, wpp, bpp)
  return out[:_N, :_C]

# --- scband reference (transcript-rebuilt; emitter-appended) ---
"""Pipeline reference for scband-gcn-syn2-3375844295347 (READ-ONLY COPY).

The authoritative reference and input builder live on the scoring server;
editing this copy changes nothing except your own understanding.
"""

import jax, jax.numpy as jnp
import numpy as np

N = 10000
E = 320000
D = 128
H = 20
C = 10


def setup_inputs(seed: int = 0) -> dict:
    key = jax.random.key(seed)
    ks = jax.random.split(key, 12)
    x = jax.random.normal(ks[0], (N, D), dtype=jnp.float32)
    edge_index = jax.random.randint(ks[1], (2, E), 0, N, dtype=jnp.int32)
    W1 = jax.random.normal(ks[2], (D, H), dtype=jnp.float32) * (1.0 / np.sqrt(D))
    b1 = jnp.zeros((H,), dtype=jnp.float32)
    W2 = jax.random.normal(ks[3], (H, H), dtype=jnp.float32) * (1.0 / np.sqrt(H))
    b2 = jnp.zeros((H,), dtype=jnp.float32)
    W3 = jax.random.normal(ks[4], (H, H), dtype=jnp.float32) * (1.0 / np.sqrt(H))
    b3 = jnp.zeros((H,), dtype=jnp.float32)
    Wp = jax.random.normal(ks[5], (3 * H, C), dtype=jnp.float32) * (1.0 / np.sqrt(3 * H))
    bp = jnp.zeros((C,), dtype=jnp.float32)
    return {"x": x, "edge_index": edge_index, "W1": W1, "b1": b1, "W2": W2, "b2": b2, "W3": W3, "b3": b3, "Wp": Wp, "bp": bp}


def _gcn_conv(x, src, dst, W, b):
    # GCNConv with add_self_loops=False: symmetric normalization D^{-1/2} A D^{-1/2}
    h = x @ W
    n = x.shape[0]
    deg = jnp.zeros((n,), dtype=h.dtype).at[dst].add(1.0)
    dinv = jnp.where(deg > 0, jax.lax.rsqrt(jnp.maximum(deg, 1e-12)), 0.0)
    norm = dinv[src] * dinv[dst]
    msgs = h[src] * norm[:, None]
    out = jnp.zeros_like(h).at[dst].add(msgs)
    return out + b


def reference(x, edge_index, W1, b1, W2, b2, W3, b3, Wp, bp):
    src = edge_index[0]
    dst = edge_index[1]
    h1 = jax.nn.relu(_gcn_conv(x, src, dst, W1, b1))
    h2 = jax.nn.relu(_gcn_conv(h1, src, dst, W2, b2))
    h3 = jax.nn.relu(_gcn_conv(h2, src, dst, W3, b3))
    hcat = jnp.concatenate([h1, h2, h3], axis=1)
    logits = hcat @ Wp + bp
    return jax.nn.log_softmax(logits, axis=1)

if __name__ == "__main__":
    import jax
    _d = setup_inputs()
    print(jax.jit(kernel)(*tuple(_d.values())))

</pallas_src>

<mosaic_0001>
#map = affine_map<(d0, d1) -> (0, 0)>
#map1 = affine_map<(d0, d1) -> (0, 0, 0)>
module attributes {stable_mosaic.version = 14 : i64} {
  func.func @edge_pass(%arg0: i32, %arg1: i32, %arg2: memref<10112x32xf32, #tpu.memory_space<hbm>>, %arg3: memref<2560x128xi32, #tpu.memory_space<hbm>>, %arg4: memref<2560x128xi32, #tpu.memory_space<hbm>>, %arg5: memref<10112x32xf32, #tpu.memory_space<hbm>>, %arg6: memref<2x10112x32xf32, #tpu.memory_space<hbm>>, %arg7: memref<80x128xi32, #tpu.memory_space<vmem>>, %arg8: memref<80x128xi32, #tpu.memory_space<vmem>>, %arg9: memref<128x32xf32, #tpu.memory_space<vmem>>, %arg10: memref<128x32xf32, #tpu.memory_space<vmem>>, %arg11: memref<128x32xf32, #tpu.memory_space<vmem>>, %arg12: memref<128x32xf32, #tpu.memory_space<vmem>>, %arg13: memref<10112x32xf32, #tpu.memory_space<vmem_shared>>, %arg14: memref<!tpu.dma_semaphore, #tpu.memory_space<semaphore_mem>>, %arg15: memref<!tpu.dma_semaphore, #tpu.memory_space<semaphore_mem>>, %arg16: memref<!tpu.dma_semaphore, #tpu.memory_space<semaphore_mem>>, %arg17: memref<!tpu.dma_semaphore, #tpu.memory_space<semaphore_mem>>, %arg18: memref<!tpu.dma_semaphore, #tpu.memory_space<semaphore_mem>>, %arg19: memref<!tpu.dma_semaphore, #tpu.memory_space<semaphore_mem>>, %arg20: memref<!tpu.dma_semaphore, #tpu.memory_space<semaphore_mem>>, %arg21: memref<!tpu.dma_semaphore, #tpu.memory_space<semaphore_mem>>) attributes {dimension_semantics = [#tpu.dimension_semantics<core_parallel>, #tpu.dimension_semantics<subcore_parallel>], iteration_bounds = array<i64: 2, 16>, scalar_prefetch = 0 : i64, scratch_operands = 15 : i64, tpu.core_type = #tpu.core_type<sc_vector_subcore>, window_params = [{transform_indices = #map}, {transform_indices = #map}, {transform_indices = #map}, {transform_indices = #map}, {transform_indices = #map1}]} {
    %mul3A = arith.constant 16 : i32
    %mul3A_0 = arith.muli %arg0, %mul3A : i32
    %add3A = arith.addi %mul3A_0, %arg1 : i32
    %mul3A_1 = arith.constant 632 : i32
    %mul3A_2 = arith.muli %arg1, %mul3A_1 : i32
    %mul3A_3 = arith.constant 632 : i32
    %mul3A_4 = arith.muli %arg1, %mul3A_3 : i32
    "tpu.region"() ({
      %run_scoped3A = tpu.sem_alloc : memref<!tpu.dma_semaphore, #tpu.memory_space<semaphore_mem>>
      %dma_start3A_73 = arith.constant 0 : i32
      %dma_start3A_74 = tpu.memref_slice %arg13[%mul3A_4, %dma_start3A_73] : memref<10112x32xf32, #tpu.memory_space<vmem_shared>> -> memref<632x32xf32, #tpu.memory_space<vmem_shared>>
      %dma_start3A_75 = arith.constant 0 : i32
      %dma_start3A_76 = tpu.memref_slice %arg5[%mul3A_2, %dma_start3A_75] : memref<10112x32xf32, #tpu.memory_space<hbm>> -> memref<632x32xf32, #tpu.memory_space<hbm>>
      tpu.enqueue_dma source(%dma_start3A_76 : memref<632x32xf32, #tpu.memory_space<hbm>>) target(%dma_start3A_74 : memref<632x32xf32, #tpu.memory_space<vmem_shared>>) target_semaphore(%run_scoped3A : memref<!tpu.dma_semaphore, #tpu.memory_space<semaphore_mem>>)
      %dma_wait3A_77 = arith.constant 0 : i32
      %dma_wait3A_78 = tpu.memref_slice %arg13[%mul3A_4, %dma_wait3A_77] : memref<10112x32xf32, #tpu.memory_space<vmem_shared>> -> memref<632x32xf32, #tpu.memory_space<vmem_shared>>
      %dma_wait3A_79 = arith.constant 0 : i32
      %dma_wait3A_80 = tpu.memref_slice %arg5[%mul3A_2, %dma_wait3A_79] : memref<10112x32xf32, #tpu.memory_space<hbm>> -> memref<632x32xf32, #tpu.memory_space<hbm>>
      tpu.wait_dma2 semaphore(%run_scoped3A : memref<!tpu.dma_semaphore, #tpu.memory_space<semaphore_mem>>) src(%dma_wait3A_80 : memref<632x32xf32, #tpu.memory_space<hbm>>) dst(%dma_wait3A_78 : memref<632x32xf32, #tpu.memory_space<vmem_shared>>)
      tpu.yield
    }) : () -> ()
    %mul3A_5 = arith.constant 80 : i32
    %mul3A_6 = arith.muli %add3A, %mul3A_5 : i32
    "tpu.region"() ({
      %run_scoped3A = tpu.sem_alloc : memref<!tpu.dma_semaphore, #tpu.memory_space<semaphore_mem>>
      %dma_start3A_73 = arith.constant 0 : i32
      %dma_start3A_74 = tpu.memref_slice %arg3[%mul3A_6, %dma_start3A_73] : memref<2560x128xi32, #tpu.memory_space<hbm>> -> memref<80x128xi32, #tpu.memory_space<hbm>>
      %dma_start3A_75 = arith.constant 0 : i32
      %dma_start3A_76 = tpu.memref_slice %arg3[%mul3A_6, %dma_start3A_75] : memref<2560x128xi32, #tpu.memory_space<hbm>> -> memref<80x128xi32, #tpu.memory_space<hbm>>
      tpu.enqueue_dma source(%dma_start3A_76 : memref<80x128xi32, #tpu.memory_space<hbm>>) target(%arg7 : memref<80x128xi32, #tpu.memory_space<vmem>>) target_semaphore(%run_scoped3A : memref<!tpu.dma_semaphore, #tpu.memory_space<semaphore_mem>>)
      %dma_wait3A_77 = arith.constant 0 : i32
      %dma_wait3A_78 = tpu.memref_slice %arg3[%mul3A_6, %dma_wait3A_77] : memref<2560x128xi32, #tpu.memory_space<hbm>> -> memref<80x128xi32, #tpu.memory_space<hbm>>
      %dma_wait3A_79 = arith.constant 0 : i32
      %dma_wait3A_80 = tpu.memref_slice %arg3[%mul3A_6, %dma_wait3A_79] : memref<2560x128xi32, #tpu.memory_space<hbm>> -> memref<80x128xi32, #tpu.memory_space<hbm>>
      tpu.wait_dma2 semaphore(%run_scoped3A : memref<!tpu.dma_semaphore, #tpu.memory_space<semaphore_mem>>) src(%dma_wait3A_80 : memref<80x128xi32, #tpu.memory_space<hbm>>) dst(%arg7 : memref<80x128xi32, #tpu.memory_space<vmem>>)
      tpu.yield
    }) : () -> ()
    %mul3A_7 = arith.constant 80 : i32
    %mul3A_8 = arith.muli %add3A, %mul3A_7 : i32
    "tpu.region"() ({
      %run_scoped3A = tpu.sem_alloc : memref<!tpu.dma_semaphore, #tpu.memory_space<semaphore_mem>>
      %dma_start3A_73 = arith.constant 0 : i32
      %dma_start3A_74 = tpu.memref_slice %arg4[%mul3A_8, %dma_start3A_73] : memref<2560x128xi32, #tpu.memory_space<hbm>> -> memref<80x128xi32, #tpu.memory_space<hbm>>
      %dma_start3A_75 = arith.constant 0 : i32
      %dma_start3A_76 = tpu.memref_slice %arg4[%mul3A_8, %dma_start3A_75] : memref<2560x128xi32, #tpu.memory_space<hbm>> -> memref<80x128xi32, #tpu.memory_space<hbm>>
      tpu.enqueue_dma source(%dma_start3A_76 : memref<80x128xi32, #tpu.memory_space<hbm>>) target(%arg8 : memref<80x128xi32, #tpu.memory_space<vmem>>) target_semaphore(%run_scoped3A : memref<!tpu.dma_semaphore, #tpu.memory_space<semaphore_mem>>)
      %dma_wait3A_77 = arith.constant 0 : i32
      %dma_wait3A_78 = tpu.memref_slice %arg4[%mul3A_8, %dma_wait3A_77] : memref<2560x128xi32, #tpu.memory_space<hbm>> -> memref<80x128xi32, #tpu.memory_space<hbm>>
      %dma_wait3A_79 = arith.constant 0 : i32
      %dma_wait3A_80 = tpu.memref_slice %arg4[%mul3A_8, %dma_wait3A_79] : memref<2560x128xi32, #tpu.memory_space<hbm>> -> memref<80x128xi32, #tpu.memory_space<hbm>>
      tpu.wait_dma2 semaphore(%run_scoped3A : memref<!tpu.dma_semaphore, #tpu.memory_space<semaphore_mem>>) src(%dma_wait3A_80 : memref<80x128xi32, #tpu.memory_space<hbm>>) dst(%arg8 : memref<80x128xi32, #tpu.memory_space<vmem>>)
      tpu.yield
    }) : () -> ()
    %barrier3A = arith.constant 0 : index
    tpu.barrier barrier_id(%barrier3A)
    %dma_start3A = arith.constant 0 : i32
    %dma_start3A_9 = arith.constant 0 : i32
    %dma_start3A_10 = tpu.memref_slice %arg7[%dma_start3A, %dma_start3A_9] : memref<80x128xi32, #tpu.memory_space<vmem>> -> memref<1x128xi32, #tpu.memory_space<vmem>>
    %dma_start3A_11 = tpu.memref_squeeze %dma_start3A_10 : memref<1x128xi32, #tpu.memory_space<vmem>> -> memref<128xi32, #tpu.memory_space<vmem>>
    %dma_start3A_12 = arith.constant 0 : i32
    %dma_start3A_13 = arith.constant 0 : i32
    %dma_start3A_14 = tpu.memref_slice %arg2[%dma_start3A_12, %dma_start3A_13] : memref<10112x32xf32, #tpu.memory_space<hbm>> -> memref<10112x32xf32, #tpu.memory_space<hbm>>
    tpu.enqueue_indirect_dma source(%dma_start3A_14 : memref<10112x32xf32, #tpu.memory_space<hbm>>) target(%arg9 : memref<128x32xf32, #tpu.memory_space<vmem>>) offsets(%dma_start3A_11 : memref<128xi32, #tpu.memory_space<vmem>>) semaphore(%arg14 : memref<!tpu.dma_semaphore, #tpu.memory_space<semaphore_mem>>)
    %dma_start3A_15 = arith.constant 1 : i32
    %dma_start3A_16 = arith.constant 0 : i32
    %dma_start3A_17 = tpu.memref_slice %arg7[%dma_start3A_15, %dma_start3A_16] : memref<80x128xi32, #tpu.memory_space<vmem>> -> memref<1x128xi32, #tpu.memory_space<vmem>>
    %dma_start3A_18 = tpu.memref_squeeze %dma_start3A_17 : memref<1x128xi32, #tpu.memory_space<vmem>> -> memref<128xi32, #tpu.memory_space<vmem>>
    %dma_start3A_19 = arith.constant 0 : i32
    %dma_start3A_20 = arith.constant 0 : i32
    %dma_start3A_21 = tpu.memref_slice %arg2[%dma_start3A_19, %dma_start3A_20] : memref<10112x32xf32, #tpu.memory_space<hbm>> -> memref<10112x32xf32, #tpu.memory_space<hbm>>
    tpu.enqueue_indirect_dma source(%dma_start3A_21 : memref<10112x32xf32, #tpu.memory_space<hbm>>) target(%arg10 : memref<128x32xf32, #tpu.memory_space<vmem>>) offsets(%dma_start3A_18 : memref<128xi32, #tpu.memory_space<vmem>>) semaphore(%arg15 : memref<!tpu.dma_semaphore, #tpu.memory_space<semaphore_mem>>)
    %dma_start3A_22 = arith.constant 2 : i32
    %dma_start3A_23 = arith.constant 0 : i32
    %dma_start3A_24 = tpu.memref_slice %arg7[%dma_start3A_22, %dma_start3A_23] : memref<80x128xi32, #tpu.memory_space<vmem>> -> memref<1x128xi32, #tpu.memory_space<vmem>>
    %dma_start3A_25 = tpu.memref_squeeze %dma_start3A_24 : memref<1x128xi32, #tpu.memory_space<vmem>> -> memref<128xi32, #tpu.memory_space<vmem>>
    %dma_start3A_26 = arith.constant 0 : i32
    %dma_start3A_27 = arith.constant 0 : i32
    %dma_start3A_28 = tpu.memref_slice %arg2[%dma_start3A_26, %dma_start3A_27] : memref<10112x32xf32, #tpu.memory_space<hbm>> -> memref<10112x32xf32, #tpu.memory_space<hbm>>
    tpu.enqueue_indirect_dma source(%dma_start3A_28 : memref<10112x32xf32, #tpu.memory_space<hbm>>) target(%arg11 : memref<128x32xf32, #tpu.memory_space<vmem>>) offsets(%dma_start3A_25 : memref<128xi32, #tpu.memory_space<vmem>>) semaphore(%arg16 : memref<!tpu.dma_semaphore, #tpu.memory_space<semaphore_mem>>)
    %dma_start3A_29 = arith.constant 3 : i32
    %dma_start3A_30 = arith.constant 0 : i32
    %dma_start3A_31 = tpu.memref_slice %arg7[%dma_start3A_29, %dma_start3A_30] : memref<80x128xi32, #tpu.memory_space<vmem>> -> memref<1x128xi32, #tpu.memory_space<vmem>>
    %dma_start3A_32 = tpu.memref_squeeze %dma_start3A_31 : memref<1x128xi32, #tpu.memory_space<vmem>> -> memref<128xi32, #tpu.memory_space<vmem>>
    %dma_start3A_33 = arith.constant 0 : i32
    %dma_start3A_34 = arith.constant 0 : i32
    %dma_start3A_35 = tpu.memref_slice %arg2[%dma_start3A_33, %dma_start3A_34] : memref<10112x32xf32, #tpu.memory_space<hbm>> -> memref<10112x32xf32, #tpu.memory_space<hbm>>
    tpu.enqueue_indirect_dma source(%dma_start3A_35 : memref<10112x32xf32, #tpu.memory_space<hbm>>) target(%arg12 : memref<128x32xf32, #tpu.memory_space<vmem>>) offsets(%dma_start3A_32 : memref<128xi32, #tpu.memory_space<vmem>>) semaphore(%arg17 : memref<!tpu.dma_semaphore, #tpu.memory_space<semaphore_mem>>)
    %scan3A = arith.constant 0 : i32
    %scan3A_36 = arith.constant 0 : i32
    %scan3A_37 = arith.constant 20 : i32
    %scan3A_38 = arith.addi %scan3A_36, %scan3A_37 : i32
    %scan3A_39 = arith.constant 1 : i32
    scf.for %scan3A_73 = %scan3A_36 to %scan3A_38 step %scan3A_39  : i32 {
      %mul3A_74 = arith.constant 4 : i32
      %mul3A_75 = arith.muli %scan3A_73, %mul3A_74 : i32
      %dma_wait3A_76 = arith.constant 0 : i32
      %dma_wait3A_77 = arith.constant 0 : i32
      %dma_wait3A_78 = tpu.memref_slice %arg7[%dma_wait3A_76, %dma_wait3A_77] : memref<80x128xi32, #tpu.memory_space<vmem>> -> memref<1x128xi32, #tpu.memory_space<vmem>>
      %dma_wait3A_79 = tpu.memref_squeeze %dma_wait3A_78 : memref<1x128xi32, #tpu.memory_space<vmem>> -> memref<128xi32, #tpu.memory_space<vmem>>
      %dma_wait3A_80 = arith.constant 0 : i32
      %dma_wait3A_81 = arith.constant 0 : i32
      %dma_wait3A_82 = tpu.memref_slice %arg2[%dma_wait3A_80, %dma_wait3A_81] : memref<10112x32xf32, #tpu.memory_space<hbm>> -> memref<10112x32xf32, #tpu.memory_space<hbm>>
      tpu.wait_indirect_dma semaphore(%arg14 : memref<!tpu.dma_semaphore, #tpu.memory_space<semaphore_mem>>) src(%dma_wait3A_82 : memref<10112x32xf32, #tpu.memory_space<hbm>>) dst(%arg9 : memref<128x32xf32, #tpu.memory_space<vmem>>)
      %add3A_83 = arith.constant 0 : i32
      %add3A_84 = arith.addi %mul3A_75, %add3A_83 : i32
      %dma_start3A_85 = arith.constant 0 : i32
      %dma_start3A_86 = tpu.memref_slice %arg8[%add3A_84, %dma_start3A_85] : memref<80x128xi32, #tpu.memory_space<vmem>> -> memref<1x128xi32, #tpu.memory_space<vmem>>
      %dma_start3A_87 = tpu.memref_squeeze %dma_start3A_86 : memref<1x128xi32, #tpu.memory_space<vmem>> -> memref<128xi32, #tpu.memory_space<vmem>>
      %dma_start3A_88 = arith.constant 0 : i32
      %dma_start3A_89 = arith.constant 0 : i32
      %dma_start3A_90 = tpu.memref_slice %arg13[%dma_start3A_88, %dma_start3A_89] : memref<10112x32xf32, #tpu.memory_space<vmem_shared>> -> memref<10112x32xf32, #tpu.memory_space<vmem_shared>>
      tpu.enqueue_indirect_dma source(%arg9 : memref<128x32xf32, #tpu.memory_space<vmem>>) target(%dma_start3A_90 : memref<10112x32xf32, #tpu.memory_space<vmem_shared>>) offsets(%dma_start3A_87 : memref<128xi32, #tpu.memory_space<vmem>>) semaphore(%arg18 : memref<!tpu.dma_semaphore, #tpu.memory_space<semaphore_mem>>) {add = true}
      %dma_wait3A_91 = arith.constant 0 : i32
      %dma_wait3A_92 = arith.constant 0 : i32
      %dma_wait3A_93 = tpu.memref_slice %arg7[%dma_wait3A_91, %dma_wait3A_92] : memref<80x128xi32, #tpu.memory_space<vmem>> -> memref<1x128xi32, #tpu.memory_space<vmem>>
      %dma_wait3A_94 = tpu.memref_squeeze %dma_wait3A_93 : memref<1x128xi32, #tpu.memory_space<vmem>> -> memref<128xi32, #tpu.memory_space<vmem>>
      %dma_wait3A_95 = arith.constant 0 : i32
      %dma_wait3A_96 = arith.constant 0 : i32
      %dma_wait3A_97 = tpu.memref_slice %arg2[%dma_wait3A_95, %dma_wait3A_96] : memref<10112x32xf32, #tpu.memory_space<hbm>> -> memref<10112x32xf32, #tpu.memory_space<hbm>>
      tpu.wait_indirect_dma semaphore(%arg15 : memref<!tpu.dma_semaphore, #tpu.memory_space<semaphore_mem>>) src(%dma_wait3A_97 : memref<10112x32xf32, #tpu.memory_space<hbm>>) dst(%arg10 : memref<128x32xf32, #tpu.memory_space<vmem>>)
      %add3A_98 = arith.constant 1 : i32
      %add3A_99 = arith.addi %mul3A_75, %add3A_98 : i32
      %dma_start3A_100 = arith.constant 0 : i32
      %dma_start3A_101 = tpu.memref_slice %arg8[%add3A_99, %dma_start3A_100] : memref<80x128xi32, #tpu.memory_space<vmem>> -> memref<1x128xi32, #tpu.memory_space<vmem>>
      %dma_start3A_102 = tpu.memref_squeeze %dma_start3A_101 : memref<1x128xi32, #tpu.memory_space<vmem>> -> memref<128xi32, #tpu.memory_space<vmem>>
      %dma_start3A_103 = arith.constant 0 : i32
      %dma_start3A_104 = arith.constant 0 : i32
      %dma_start3A_105 = tpu.memref_slice %arg13[%dma_start3A_103, %dma_start3A_104] : memref<10112x32xf32, #tpu.memory_space<vmem_shared>> -> memref<10112x32xf32, #tpu.memory_space<vmem_shared>>
      tpu.enqueue_indirect_dma source(%arg10 : memref<128x32xf32, #tpu.memory_space<vmem>>) target(%dma_start3A_105 : memref<10112x32xf32, #tpu.memory_space<vmem_shared>>) offsets(%dma_start3A_102 : memref<128xi32, #tpu.memory_space<vmem>>) semaphore(%arg19 : memref<!tpu.dma_semaphore, #tpu.memory_space<semaphore_mem>>) {add = true}
      %dma_wait3A_106 = arith.constant 0 : i32
      %dma_wait3A_107 = arith.constant 0 : i32
      %dma_wait3A_108 = tpu.memref_slice %arg7[%dma_wait3A_106, %dma_wait3A_107] : memref<80x128xi32, #tpu.memory_space<vmem>> -> memref<1x128xi32, #tpu.memory_space<vmem>>
      %dma_wait3A_109 = tpu.memref_squeeze %dma_wait3A_108 : memref<1x128xi32, #tpu.memory_space<vmem>> -> memref<128xi32, #tpu.memory_space<vmem>>
      %dma_wait3A_110 = arith.constant 0 : i32
      %dma_wait3A_111 = arith.constant 0 : i32
      %dma_wait3A_112 = tpu.memref_slice %arg2[%dma_wait3A_110, %dma_wait3A_111] : memref<10112x32xf32, #tpu.memory_space<hbm>> -> memref<10112x32xf32, #tpu.memory_space<hbm>>
      tpu.wait_indirect_dma semaphore(%arg16 : memref<!tpu.dma_semaphore, #tpu.memory_space<semaphore_mem>>) src(%dma_wait3A_112 : memref<10112x32xf32, #tpu.memory_space<hbm>>) dst(%arg11 : memref<128x32xf32, #tpu.memory_space<vmem>>)
      %add3A_113 = arith.constant 2 : i32
      %add3A_114 = arith.addi %mul3A_75, %add3A_113 : i32
      %dma_start3A_115 = arith.constant 0 : i32
      %dma_start3A_116 = tpu.memref_slice %arg8[%add3A_114, %dma_start3A_115] : memref<80x128xi32, #tpu.memory_space<vmem>> -> memref<1x128xi32, #tpu.memory_space<vmem>>
      %dma_start3A_117 = tpu.memref_squeeze %dma_start3A_116 : memref<1x128xi32, #tpu.memory_space<vmem>> -> memref<128xi32, #tpu.memory_space<vmem>>
      %dma_start3A_118 = arith.constant 0 : i32
      %dma_start3A_119 = arith.constant 0 : i32
      %dma_start3A_120 = tpu.memref_slice %arg13[%dma_start3A_118, %dma_start3A_119] : memref<10112x32xf32, #tpu.memory_space<vmem_shared>> -> memref<10112x32xf32, #tpu.memory_space<vmem_shared>>
      tpu.enqueue_indirect_dma source(%arg11 : memref<128x32xf32, #tpu.memory_space<vmem>>) target(%dma_start3A_120 : memref<10112x32xf32, #tpu.memory_space<vmem_shared>>) offsets(%dma_start3A_117 : memref<128xi32, #tpu.memory_space<vmem>>) semaphore(%arg20 : memref<!tpu.dma_semaphore, #tpu.memory_space<semaphore_mem>>) {add = true}
      %dma_wait3A_121 = arith.constant 0 : i32
      %dma_wait3A_122 = arith.constant 0 : i32
      %dma_wait3A_123 = tpu.memref_slice %arg7[%dma_wait3A_121, %dma_wait3A_122] : memref<80x128xi32, #tpu.memory_space<vmem>> -> memref<1x128xi32, #tpu.memory_space<vmem>>
      %dma_wait3A_124 = tpu.memref_squeeze %dma_wait3A_123 : memref<1x128xi32, #tpu.memory_space<vmem>> -> memref<128xi32, #tpu.memory_space<vmem>>
      %dma_wait3A_125 = arith.constant 0 : i32
      %dma_wait3A_126 = arith.constant 0 : i32
      %dma_wait3A_127 = tpu.memref_slice %arg2[%dma_wait3A_125, %dma_wait3A_126] : memref<10112x32xf32, #tpu.memory_space<hbm>> -> memref<10112x32xf32, #tpu.memory_space<hbm>>
      tpu.wait_indirect_dma semaphore(%arg17 : memref<!tpu.dma_semaphore, #tpu.memory_space<semaphore_mem>>) src(%dma_wait3A_127 : memref<10112x32xf32, #tpu.memory_space<hbm>>) dst(%arg12 : memref<128x32xf32, #tpu.memory_space<vmem>>)
      %add3A_128 = arith.constant 3 : i32
      %add3A_129 = arith.addi %mul3A_75, %add3A_128 : i32
      %dma_start3A_130 = arith.constant 0 : i32
      %dma_start3A_131 = tpu.memref_slice %arg8[%add3A_129, %dma_start3A_130] : memref<80x128xi32, #tpu.memory_space<vmem>> -> memref<1x128xi32, #tpu.memory_space<vmem>>
      %dma_start3A_132 = tpu.memref_squeeze %dma_start3A_131 : memref<1x128xi32, #tpu.memory_space<vmem>> -> memref<128xi32, #tpu.memory_space<vmem>>
      %dma_start3A_133 = arith.constant 0 : i32
      %dma_start3A_134 = arith.constant 0 : i32
      %dma_start3A_135 = tpu.memref_slice %arg13[%dma_start3A_133, %dma_start3A_134] : memref<10112x32xf32, #tpu.memory_space<vmem_shared>> -> memref<10112x32xf32, #tpu.memory_space<vmem_shared>>
      tpu.enqueue_indirect_dma source(%arg12 : memref<128x32xf32, #tpu.memory_space<vmem>>) target(%dma_start3A_135 : memref<10112x32xf32, #tpu.memory_space<vmem_shared>>) offsets(%dma_start3A_132 : memref<128xi32, #tpu.memory_space<vmem>>) semaphore(%arg21 : memref<!tpu.dma_semaphore, #tpu.memory_space<semaphore_mem>>) {add = true}
      %lt3A = arith.constant 19 : i32
      %lt3A_136 = arith.cmpi slt, %scan3A_73, %lt3A : i32
      %convert_element_type3A = arith.extui %lt3A_136 : i1 to i32
      %cond3A = arith.constant 0 : i32
      %cond3A_137 = arith.cmpi ne, %convert_element_type3A, %cond3A : i32
      scf.if %cond3A_137 {
        %dma_wait3A_138 = arith.constant 0 : i32
        %dma_wait3A_139 = arith.constant 0 : i32
        %dma_wait3A_140 = tpu.memref_slice %arg8[%dma_wait3A_138, %dma_wait3A_139] : memref<80x128xi32, #tpu.memory_space<vmem>> -> memref<1x128xi32, #tpu.memory_space<vmem>>
        %dma_wait3A_141 = tpu.memref_squeeze %dma_wait3A_140 : memref<1x128xi32, #tpu.memory_space<vmem>> -> memref<128xi32, #tpu.memory_space<vmem>>
        %dma_wait3A_142 = arith.constant 0 : i32
        %dma_wait3A_143 = arith.constant 0 : i32
        %dma_wait3A_144 = tpu.memref_slice %arg13[%dma_wait3A_142, %dma_wait3A_143] : memref<10112x32xf32, #tpu.memory_space<vmem_shared>> -> memref<10112x32xf32, #tpu.memory_space<vmem_shared>>
        tpu.wait_indirect_dma semaphore(%arg18 : memref<!tpu.dma_semaphore, #tpu.memory_space<semaphore_mem>>) src(%arg9 : memref<128x32xf32, #tpu.memory_space<vmem>>) dst(%dma_wait3A_144 : memref<10112x32xf32, #tpu.memory_space<vmem_shared>>)
        %add3A_145 = arith.constant 4 : i32
        %add3A_146 = arith.addi %mul3A_75, %add3A_145 : i32
        %add3A_147 = arith.constant 0 : i32
        %add3A_148 = arith.addi %add3A_146, %add3A_147 : i32
        %dma_start3A_149 = arith.constant 0 : i32
        %dma_start3A_150 = tpu.memref_slice %arg7[%add3A_148, %dma_start3A_149] : memref<80x128xi32, #tpu.memory_space<vmem>> -> memref<1x128xi32, #tpu.memory_space<vmem>>
        %dma_start3A_151 = tpu.memref_squeeze %dma_start3A_150 : memref<1x128xi32, #tpu.memory_space<vmem>> -> memref<128xi32, #tpu.memory_space<vmem>>
        %dma_start3A_152 = arith.constant 0 : i32
        %dma_start3A_153 = arith.constant 0 : i32
        %dma_start3A_154 = tpu.memref_slice %arg2[%dma_start3A_152, %dma_start3A_153] : memref<10112x32xf32, #tpu.memory_space<hbm>> -> memref<10112x32xf32, #tpu.memory_space<hbm>>
        tpu.enqueue_indirect_dma source(%dma_start3A_154 : memref<10112x32xf32, #tpu.memory_space<hbm>>) target(%arg9 : memref<128x32xf32, #tpu.memory_space<vmem>>) offsets(%dma_start3A_151 : memref<128xi32, #tpu.memory_space<vmem>>) semaphore(%arg14 : memref<!tpu.dma_semaphore, #tpu.memory_space<semaphore_mem>>)
        %dma_wait3A_155 = arith.constant 0 : i32
        %dma_wait3A_156 = arith.constant 0 : i32
        %dma_wait3A_157 = tpu.memref_slice %arg8[%dma_wait3A_155, %dma_wait3A_156] : memref<80x128xi32, #tpu.memory_space<vmem>> -> memref<1x128xi32, #tpu.memory_space<vmem>>
        %dma_wait3A_158 = tpu.memref_squeeze %dma_wait3A_157 : memref<1x128xi32, #tpu.memory_space<vmem>> -> memref<128xi32, #tpu.memory_space<vmem>>
        %dma_wait3A_159 = arith.constant 0 : i32
        %dma_wait3A_160 = arith.constant 0 : i32
        %dma_wait3A_161 = tpu.memref_slice %arg13[%dma_wait3A_159, %dma_wait3A_160] : memref<10112x32xf32, #tpu.memory_space<vmem_shared>> -> memref<10112x32xf32, #tpu.memory_space<vmem_shared>>
        tpu.wait_indirect_dma semaphore(%arg19 : memref<!tpu.dma_semaphore, #tpu.memory_space<semaphore_mem>>) src(%arg10 : memref<128x32xf32, #tpu.memory_space<vmem>>) dst(%dma_wait3A_161 : memref<10112x32xf32, #tpu.memory_space<vmem_shared>>)
        %add3A_162 = arith.constant 4 : i32
        %add3A_163 = arith.addi %mul3A_75, %add3A_162 : i32
        %add3A_164 = arith.constant 1 : i32
        %add3A_165 = arith.addi %add3A_163, %add3A_164 : i32
        %dma_start3A_166 = arith.constant 0 : i32
        %dma_start3A_167 = tpu.memref_slice %arg7[%add3A_165, %dma_start3A_166] : memref<80x128xi32, #tpu.memory_space<vmem>> -> memref<1x128xi32, #tpu.memory_space<vmem>>
        %dma_start3A_168 = tpu.memref_squeeze %dma_start3A_167 : memref<1x128xi32, #tpu.memory_space<vmem>> -> memref<128xi32, #tpu.memory_space<vmem>>
        %dma_start3A_169 = arith.constant 0 : i32
        %dma_start3A_170 = arith.constant 0 : i32
        %dma_start3A_171 = tpu.memref_slice %arg2[%dma_start3A_169, %dma_start3A_170] : memref<10112x32xf32, #tpu.memory_space<hbm>> -> memref<10112x32xf32, #tpu.memory_space<hbm>>
        tpu.enqueue_indirect_dma source(%dma_start3A_171 : memref<10112x32xf32, #tpu.memory_space<hbm>>) target(%arg10 : memref<128x32xf32, #tpu.memory_space<vmem>>) offsets(%dma_start3A_168 : memref<128xi32, #tpu.memory_space<vmem>>) semaphore(%arg15 : memref<!tpu.dma_semaphore, #tpu.memory_space<semaphore_mem>>)
        %dma_wait3A_172 = arith.constant 0 : i32
        %dma_wait3A_173 = arith.constant 0 : i32
        %dma_wait3A_174 = tpu.memref_slice %arg8[%dma_wait3A_172, %dma_wait3A_173] : memref<80x128xi32, #tpu.memory_space<vmem>> -> memref<1x128xi32, #tpu.memory_space<vmem>>
        %dma_wait3A_175 = tpu.memref_squeeze %dma_wait3A_174 : memref<1x128xi32, #tpu.memory_space<vmem>> -> memref<128xi32, #tpu.memory_space<vmem>>
        %dma_wait3A_176 = arith.constant 0 : i32
        %dma_wait3A_177 = arith.constant 0 : i32
        %dma_wait3A_178 = tpu.memref_slice %arg13[%dma_wait3A_176, %dma_wait3A_177] : memref<10112x32xf32, #tpu.memory_space<vmem_shared>> -> memref<10112x32xf32, #tpu.memory_space<vmem_shared>>
        tpu.wait_indirect_dma semaphore(%arg20 : memref<!tpu.dma_semaphore, #tpu.memory_space<semaphore_mem>>) src(%arg11 : memref<128x32xf32, #tpu.memory_space<vmem>>) dst(%dma_wait3A_178 : memref<10112x32xf32, #tpu.memory_space<vmem_shared>>)
        %add3A_179 = arith.constant 4 : i32
        %add3A_180 = arith.addi %mul3A_75, %add3A_179 : i32
        %add3A_181 = arith.constant 2 : i32
        %add3A_182 = arith.addi %add3A_180, %add3A_181 : i32
        %dma_start3A_183 = arith.constant 0 : i32
        %dma_start3A_184 = tpu.memref_slice %arg7[%add3A_182, %dma_start3A_183] : memref<80x128xi32, #tpu.memory_space<vmem>> -> memref<1x128xi32, #tpu.memory_space<vmem>>
        %dma_start3A_185 = tpu.memref_squeeze %dma_start3A_184 : memref<1x128xi32, #tpu.memory_space<vmem>> -> memref<128xi32, #tpu.memory_space<vmem>>
        %dma_start3A_186 = arith.constant 0 : i32
        %dma_start3A_187 = arith.constant 0 : i32
        %dma_start3A_188 = tpu.memref_slice %arg2[%dma_start3A_186, %dma_start3A_187] : memref<10112x32xf32, #tpu.memory_space<hbm>> -> memref<10112x32xf32, #tpu.memory_space<hbm>>
        tpu.enqueue_indirect_dma source(%dma_start3A_188 : memref<10112x32xf32, #tpu.memory_space<hbm>>) target(%arg11 : memref<128x32xf32, #tpu.memory_space<vmem>>) offsets(%dma_start3A_185 : memref<128xi32, #tpu.memory_space<vmem>>) semaphore(%arg16 : memref<!tpu.dma_semaphore, #tpu.memory_space<semaphore_mem>>)
        %dma_wait3A_189 = arith.constant 0 : i32
        %dma_wait3A_190 = arith.constant 0 : i32
        %dma_wait3A_191 = tpu.memref_slice %arg8[%dma_wait3A_189, %dma_wait3A_190] : memref<80x128xi32, #tpu.memory_space<vmem>> -> memref<1x128xi32, #tpu.memory_space<vmem>>
        %dma_wait3A_192 = tpu.memref_squeeze %dma_wait3A_191 : memref<1x128xi32, #tpu.memory_space<vmem>> -> memref<128xi32, #tpu.memory_space<vmem>>
        %dma_wait3A_193 = arith.constant 0 : i32
        %dma_wait3A_194 = arith.constant 0 : i32
        %dma_wait3A_195 = tpu.memref_slice %arg13[%dma_wait3A_193, %dma_wait3A_194] : memref<10112x32xf32, #tpu.memory_space<vmem_shared>> -> memref<10112x32xf32, #tpu.memory_space<vmem_shared>>
        tpu.wait_indirect_dma semaphore(%arg21 : memref<!tpu.dma_semaphore, #tpu.memory_space<semaphore_mem>>) src(%arg12 : memref<128x32xf32, #tpu.memory_space<vmem>>) dst(%dma_wait3A_195 : memref<10112x32xf32, #tpu.memory_space<vmem_shared>>)
        %add3A_196 = arith.constant 4 : i32
        %add3A_197 = arith.addi %mul3A_75, %add3A_196 : i32
        %add3A_198 = arith.constant 3 : i32
        %add3A_199 = arith.addi %add3A_197, %add3A_198 : i32
        %dma_start3A_200 = arith.constant 0 : i32
        %dma_start3A_201 = tpu.memref_slice %arg7[%add3A_199, %dma_start3A_200] : memref<80x128xi32, #tpu.memory_space<vmem>> -> memref<1x128xi32, #tpu.memory_space<vmem>>
        %dma_start3A_202 = tpu.memref_squeeze %dma_start3A_201 : memref<1x128xi32, #tpu.memory_space<vmem>> -> memref<128xi32, #tpu.memory_space<vmem>>
        %dma_start3A_203 = arith.constant 0 : i32
        %dma_start3A_204 = arith.constant 0 : i32
        %dma_start3A_205 = tpu.memref_slice %arg2[%dma_start3A_203, %dma_start3A_204] : memref<10112x32xf32, #tpu.memory_space<hbm>> -> memref<10112x32xf32, #tpu.memory_space<hbm>>
        tpu.enqueue_indirect_dma source(%dma_start3A_205 : memref<10112x32xf32, #tpu.memory_space<hbm>>) target(%arg12 : memref<128x32xf32, #tpu.memory_space<vmem>>) offsets(%dma_start3A_202 : memref<128xi32, #tpu.memory_space<vmem>>) semaphore(%arg17 : memref<!tpu.dma_semaphore, #tpu.memory_space<semaphore_mem>>)
      } else {
      }
    }
    %scan3A_40 = arith.constant 20 : i32
    %dma_wait3A = arith.constant 0 : i32
    %dma_wait3A_41 = arith.constant 0 : i32
    %dma_wait3A_42 = tpu.memref_slice %arg8[%dma_wait3A, %dma_wait3A_41] : memref<80x128xi32, #tpu.memory_space<vmem>> -> memref<1x128xi32, #tpu.memory_space<vmem>>
    %dma_wait3A_43 = tpu.memref_squeeze %dma_wait3A_42 : memref<1x128xi32, #tpu.memory_space<vmem>> -> memref<128xi32, #tpu.memory_space<vmem>>
    %dma_wait3A_44 = arith.constant 0 : i32
    %dma_wait3A_45 = arith.constant 0 : i32
    %dma_wait3A_46 = tpu.memref_slice %arg13[%dma_wait3A_44, %dma_wait3A_45] : memref<10112x32xf32, #tpu.memory_space<vmem_shared>> -> memref<10112x32xf32, #tpu.memory_space<vmem_shared>>
    tpu.wait_indirect_dma semaphore(%arg18 : memref<!tpu.dma_semaphore, #tpu.memory_space<semaphore_mem>>) src(%arg9 : memref<128x32xf32, #tpu.memory_space<vmem>>) dst(%dma_wait3A_46 : memref<10112x32xf32, #tpu.memory_space<vmem_shared>>)
    %dma_wait3A_47 = arith.constant 0 : i32
    %dma_wait3A_48 = arith.constant 0 : i32
    %dma_wait3A_49 = tpu.memref_slice %arg8[%dma_wait3A_47, %dma_wait3A_48] : memref<80x128xi32, #tpu.memory_space<vmem>> -> memref<1x128xi32, #tpu.memory_space<vmem>>
    %dma_wait3A_50 = tpu.memref_squeeze %dma_wait3A_49 : memref<1x128xi32, #tpu.memory_space<vmem>> -> memref<128xi32, #tpu.memory_space<vmem>>
    %dma_wait3A_51 = arith.constant 0 : i32
    %dma_wait3A_52 = arith.constant 0 : i32
    %dma_wait3A_53 = tpu.memref_slice %arg13[%dma_wait3A_51, %dma_wait3A_52] : memref<10112x32xf32, #tpu.memory_space<vmem_shared>> -> memref<10112x32xf32, #tpu.memory_space<vmem_shared>>
    tpu.wait_indirect_dma semaphore(%arg19 : memref<!tpu.dma_semaphore, #tpu.memory_space<semaphore_mem>>) src(%arg10 : memref<128x32xf32, #tpu.memory_space<vmem>>) dst(%dma_wait3A_53 : memref<10112x32xf32, #tpu.memory_space<vmem_shared>>)
    %dma_wait3A_54 = arith.constant 0 : i32
    %dma_wait3A_55 = arith.constant 0 : i32
    %dma_wait3A_56 = tpu.memref_slice %arg8[%dma_wait3A_54, %dma_wait3A_55] : memref<80x128xi32, #tpu.memory_space<vmem>> -> memref<1x128xi32, #tpu.memory_space<vmem>>
    %dma_wait3A_57 = tpu.memref_squeeze %dma_wait3A_56 : memref<1x128xi32, #tpu.memory_space<vmem>> -> memref<128xi32, #tpu.memory_space<vmem>>
    %dma_wait3A_58 = arith.constant 0 : i32
    %dma_wait3A_59 = arith.constant 0 : i32
    %dma_wait3A_60 = tpu.memref_slice %arg13[%dma_wait3A_58, %dma_wait3A_59] : memref<10112x32xf32, #tpu.memory_space<vmem_shared>> -> memref<10112x32xf32, #tpu.memory_space<vmem_shared>>
    tpu.wait_indirect_dma semaphore(%arg20 : memref<!tpu.dma_semaphore, #tpu.memory_space<semaphore_mem>>) src(%arg11 : memref<128x32xf32, #tpu.memory_space<vmem>>) dst(%dma_wait3A_60 : memref<10112x32xf32, #tpu.memory_space<vmem_shared>>)
    %dma_wait3A_61 = arith.constant 0 : i32
    %dma_wait3A_62 = arith.constant 0 : i32
    %dma_wait3A_63 = tpu.memref_slice %arg8[%dma_wait3A_61, %dma_wait3A_62] : memref<80x128xi32, #tpu.memory_space<vmem>> -> memref<1x128xi32, #tpu.memory_space<vmem>>
    %dma_wait3A_64 = tpu.memref_squeeze %dma_wait3A_63 : memref<1x128xi32, #tpu.memory_space<vmem>> -> memref<128xi32, #tpu.memory_space<vmem>>
    %dma_wait3A_65 = arith.constant 0 : i32
    %dma_wait3A_66 = arith.constant 0 : i32
    %dma_wait3A_67 = tpu.memref_slice %arg13[%dma_wait3A_65, %dma_wait3A_66] : memref<10112x32xf32, #tpu.memory_space<vmem_shared>> -> memref<10112x32xf32, #tpu.memory_space<vmem_shared>>
    tpu.wait_indirect_dma semaphore(%arg21 : memref<!tpu.dma_semaphore, #tpu.memory_space<semaphore_mem>>) src(%arg12 : memref<128x32xf32, #tpu.memory_space<vmem>>) dst(%dma_wait3A_67 : memref<10112x32xf32, #tpu.memory_space<vmem_shared>>)
    %barrier3A_68 = arith.constant 0 : index
    tpu.barrier barrier_id(%barrier3A_68)
    %mul3A_69 = arith.constant 632 : i32
    %mul3A_70 = arith.muli %arg1, %mul3A_69 : i32
    %mul3A_71 = arith.constant 632 : i32
    %mul3A_72 = arith.muli %arg1, %mul3A_71 : i32
    "tpu.region"() ({
      %run_scoped3A = tpu.sem_alloc : memref<!tpu.dma_semaphore, #tpu.memory_space<semaphore_mem>>
      %dma_start3A_73 = arith.constant 0 : i32
      %dma_start3A_74 = arith.constant 0 : i32
      %dma_start3A_75 = tpu.memref_slice %arg6[%arg0, %dma_start3A_73, %dma_start3A_74] : memref<2x10112x32xf32, #tpu.memory_space<hbm>> -> memref<1x10112x32xf32, #tpu.memory_space<hbm>>
      %dma_start3A_76 = tpu.memref_squeeze %dma_start3A_75 : memref<1x10112x32xf32, #tpu.memory_space<hbm>> -> memref<10112x32xf32, #tpu.memory_space<hbm>>
      %dma_start3A_77 = arith.constant 0 : i32
      %dma_start3A_78 = tpu.memref_slice %dma_start3A_76[%mul3A_72, %dma_start3A_77] : memref<10112x32xf32, #tpu.memory_space<hbm>> -> memref<632x32xf32, #tpu.memory_space<hbm>>
      %dma_start3A_79 = arith.constant 0 : i32
      %dma_start3A_80 = tpu.memref_slice %arg13[%mul3A_70, %dma_start3A_79] : memref<10112x32xf32, #tpu.memory_space<vmem_shared>> -> memref<632x32xf32, #tpu.memory_space<vmem_shared>>
      tpu.enqueue_dma source(%dma_start3A_80 : memref<632x32xf32, #tpu.memory_space<vmem_shared>>) target(%dma_start3A_78 : memref<632x32xf32, #tpu.memory_space<hbm>>) target_semaphore(%run_scoped3A : memref<!tpu.dma_semaphore, #tpu.memory_space<semaphore_mem>>)
      %dma_wait3A_81 = arith.constant 0 : i32
      %dma_wait3A_82 = arith.constant 0 : i32
      %dma_wait3A_83 = tpu.memref_slice %arg6[%arg0, %dma_wait3A_81, %dma_wait3A_82] : memref<2x10112x32xf32, #tpu.memory_space<hbm>> -> memref<1x10112x32xf32, #tpu.memory_space<hbm>>
      %dma_wait3A_84 = tpu.memref_squeeze %dma_wait3A_83 : memref<1x10112x32xf32, #tpu.memory_space<hbm>> -> memref<10112x32xf32, #tpu.memory_space<hbm>>
      %dma_wait3A_85 = arith.constant 0 : i32
      %dma_wait3A_86 = tpu.memref_slice %dma_wait3A_84[%mul3A_72, %dma_wait3A_85] : memref<10112x32xf32, #tpu.memory_space<hbm>> -> memref<632x32xf32, #tpu.memory_space<hbm>>
      %dma_wait3A_87 = arith.constant 0 : i32
      %dma_wait3A_88 = tpu.memref_slice %arg13[%mul3A_70, %dma_wait3A_87] : memref<10112x32xf32, #tpu.memory_space<vmem_shared>> -> memref<632x32xf32, #tpu.memory_space<vmem_shared>>
      tpu.wait_dma2 semaphore(%run_scoped3A : memref<!tpu.dma_semaphore, #tpu.memory_space<semaphore_mem>>) src(%dma_wait3A_88 : memref<632x32xf32, #tpu.memory_space<vmem_shared>>) dst(%dma_wait3A_86 : memref<632x32xf32, #tpu.memory_space<hbm>>)
      tpu.yield
    }) : () -> ()
    return
  }
}

#map = affine_map<(d0, d1) -> (0, 0)>
#map1 = affine_map<(d0, d1) -> (0, 0, 0)>
module attributes {stable_mosaic.version = 14 : i64} {
  func.func @edge_pass(%arg0: i32, %arg1: i32, %arg2: memref<10112x16xf32, #tpu.memory_space<hbm>>, %arg3: memref<2560x128xi32, #tpu.memory_space<hbm>>, %arg4: memref<2560x128xi32, #tpu.memory_space<hbm>>, %arg5: memref<10112x16xf32, #tpu.memory_space<hbm>>, %arg6: memref<2x10112x16xf32, #tpu.memory_space<hbm>>, %arg7: memref<80x128xi32, #tpu.memory_space<vmem>>, %arg8: memref<80x128xi32, #tpu.memory_space<vmem>>, %arg9: memref<128x16xf32, #tpu.memory_space<vmem>>, %arg10: memref<128x16xf32, #tpu.memory_space<vmem>>, %arg11: memref<128x16xf32, #tpu.memory_space<vmem>>, %arg12: memref<128x16xf32, #tpu.memory_space<vmem>>, %arg13: memref<10112x16xf32, #tpu.memory_space<vmem_shared>>, %arg14: memref<!tpu.dma_semaphore, #tpu.memory_space<semaphore_mem>>, %arg15: memref<!tpu.dma_semaphore, #tpu.memory_space<semaphore_mem>>, %arg16: memref<!tpu.dma_semaphore, #tpu.memory_space<semaphore_mem>>, %arg17: memref<!tpu.dma_semaphore, #tpu.memory_space<semaphore_mem>>, %arg18: memref<!tpu.dma_semaphore, #tpu.memory_space<semaphore_mem>>, %arg19: memref<!tpu.dma_semaphore, #tpu.memory_space<semaphore_mem>>, %arg20: memref<!tpu.dma_semaphore, #tpu.memory_space<semaphore_mem>>, %arg21: memref<!tpu.dma_semaphore, #tpu.memory_space<semaphore_mem>>) attributes {dimension_semantics = [#tpu.dimension_semantics<core_parallel>, #tpu.dimension_semantics<subcore_parallel>], iteration_bounds = array<i64: 2, 16>, scalar_prefetch = 0 : i64, scratch_operands = 15 : i64, tpu.core_type = #tpu.core_type<sc_vector_subcore>, window_params = [{transform_indices = #map}, {transform_indices = #map}, {transform_indices = #map}, {transform_indices = #map}, {transform_indices = #map1}]} {
    %mul3A = arith.constant 16 : i32
    %mul3A_0 = arith.muli %arg0, %mul3A : i32
    %add3A = arith.addi %mul3A_0, %arg1 : i32
    %mul3A_1 = arith.constant 632 : i32
    %mul3A_2 = arith.muli %arg1, %mul3A_1 : i32
    %mul3A_3 = arith.constant 632 : i32
    %mul3A_4 = arith.muli %arg1, %mul3A_3 : i32
    "tpu.region"() ({
      %run_scoped3A = tpu.sem_alloc : memref<!tpu.dma_semaphore, #tpu.memory_space<semaphore_mem>>
      %dma_start3A_73 = arith.constant 0 : i32
      %dma_start3A_74 = tpu.memref_slice %arg13[%mul3A_4, %dma_start3A_73] : memref<10112x16xf32, #tpu.memory_space<vmem_shared>> -> memref<632x16xf32, #tpu.memory_space<vmem_shared>>
      %dma_start3A_75 = arith.constant 0 : i32
      %dma_start3A_76 = tpu.memref_slice %arg5[%mul3A_2, %dma_start3A_75] : memref<10112x16xf32, #tpu.memory_space<hbm>> -> memref<632x16xf32, #tpu.memory_space<hbm>>
      tpu.enqueue_dma source(%dma_start3A_76 : memref<632x16xf32, #tpu.memory_space<hbm>>) target(%dma_start3A_74 : memref<632x16xf32, #tpu.memory_space<vmem_shared>>) target_semaphore(%run_scoped3A : memref<!tpu.dma_semaphore, #tpu.memory_space<semaphore_mem>>)
      %dma_wait3A_77 = arith.constant 0 : i32
      %dma_wait3A_78 = tpu.memref_slice %arg13[%mul3A_4, %dma_wait3A_77] : memref<10112x16xf32, #tpu.memory_space<vmem_shared>> -> memref<632x16xf32, #tpu.memory_space<vmem_shared>>
      %dma_wait3A_79 = arith.constant 0 : i32
      %dma_wait3A_80 = tpu.memref_slice %arg5[%mul3A_2, %dma_wait3A_79] : memref<10112x16xf32, #tpu.memory_space<hbm>> -> memref<632x16xf32, #tpu.memory_space<hbm>>
      tpu.wait_dma2 semaphore(%run_scoped3A : memref<!tpu.dma_semaphore, #tpu.memory_space<semaphore_mem>>) src(%dma_wait3A_80 : memref<632x16xf32, #tpu.memory_space<hbm>>) dst(%dma_wait3A_78 : memref<632x16xf32, #tpu.memory_space<vmem_shared>>)
      tpu.yield
    }) : () -> ()
    %mul3A_5 = arith.constant 80 : i32
    %mul3A_6 = arith.muli %add3A, %mul3A_5 : i32
    "tpu.region"() ({
      %run_scoped3A = tpu.sem_alloc : memref<!tpu.dma_semaphore, #tpu.memory_space<semaphore_mem>>
      %dma_start3A_73 = arith.constant 0 : i32
      %dma_start3A_74 = tpu.memref_slice %arg3[%mul3A_6, %dma_start3A_73] : memref<2560x128xi32, #tpu.memory_space<hbm>> -> memref<80x128xi32, #tpu.memory_space<hbm>>
      %dma_start3A_75 = arith.constant 0 : i32
      %dma_start3A_76 = tpu.memref_slice %arg3[%mul3A_6, %dma_start3A_75] : memref<2560x128xi32, #tpu.memory_space<hbm>> -> memref<80x128xi32, #tpu.memory_space<hbm>>
      tpu.enqueue_dma source(%dma_start3A_76 : memref<80x128xi32, #tpu.memory_space<hbm>>) target(%arg7 : memref<80x128xi32, #tpu.memory_space<vmem>>) target_semaphore(%run_scoped3A : memref<!tpu.dma_semaphore, #tpu.memory_space<semaphore_mem>>)
      %dma_wait3A_77 = arith.constant 0 : i32
      %dma_wait3A_78 = tpu.memref_slice %arg3[%mul3A_6, %dma_wait3A_77] : memref<2560x128xi32, #tpu.memory_space<hbm>> -> memref<80x128xi32, #tpu.memory_space<hbm>>
      %dma_wait3A_79 = arith.constant 0 : i32
      %dma_wait3A_80 = tpu.memref_slice %arg3[%mul3A_6, %dma_wait3A_79] : memref<2560x128xi32, #tpu.memory_space<hbm>> -> memref<80x128xi32, #tpu.memory_space<hbm>>
      tpu.wait_dma2 semaphore(%run_scoped3A : memref<!tpu.dma_semaphore, #tpu.memory_space<semaphore_mem>>) src(%dma_wait3A_80 : memref<80x128xi32, #tpu.memory_space<hbm>>) dst(%arg7 : memref<80x128xi32, #tpu.memory_space<vmem>>)
      tpu.yield
    }) : () -> ()
    %mul3A_7 = arith.constant 80 : i32
    %mul3A_8 = arith.muli %add3A, %mul3A_7 : i32
    "tpu.region"() ({
      %run_scoped3A = tpu.sem_alloc : memref<!tpu.dma_semaphore, #tpu.memory_space<semaphore_mem>>
      %dma_start3A_73 = arith.constant 0 : i32
      %dma_start3A_74 = tpu.memref_slice %arg4[%mul3A_8, %dma_start3A_73] : memref<2560x128xi32, #tpu.memory_space<hbm>> -> memref<80x128xi32, #tpu.memory_space<hbm>>
      %dma_start3A_75 = arith.constant 0 : i32
      %dma_start3A_76 = tpu.memref_slice %arg4[%mul3A_8, %dma_start3A_75] : memref<2560x128xi32, #tpu.memory_space<hbm>> -> memref<80x128xi32, #tpu.memory_space<hbm>>
      tpu.enqueue_dma source(%dma_start3A_76 : memref<80x128xi32, #tpu.memory_space<hbm>>) target(%arg8 : memref<80x128xi32, #tpu.memory_space<vmem>>) target_semaphore(%run_scoped3A : memref<!tpu.dma_semaphore, #tpu.memory_space<semaphore_mem>>)
      %dma_wait3A_77 = arith.constant 0 : i32
      %dma_wait3A_78 = tpu.memref_slice %arg4[%mul3A_8, %dma_wait3A_77] : memref<2560x128xi32, #tpu.memory_space<hbm>> -> memref<80x128xi32, #tpu.memory_space<hbm>>
      %dma_wait3A_79 = arith.constant 0 : i32
      %dma_wait3A_80 = tpu.memref_slice %arg4[%mul3A_8, %dma_wait3A_79] : memref<2560x128xi32, #tpu.memory_space<hbm>> -> memref<80x128xi32, #tpu.memory_space<hbm>>
      tpu.wait_dma2 semaphore(%run_scoped3A : memref<!tpu.dma_semaphore, #tpu.memory_space<semaphore_mem>>) src(%dma_wait3A_80 : memref<80x128xi32, #tpu.memory_space<hbm>>) dst(%arg8 : memref<80x128xi32, #tpu.memory_space<vmem>>)
      tpu.yield
    }) : () -> ()
    %barrier3A = arith.constant 0 : index
    tpu.barrier barrier_id(%barrier3A)
    %dma_start3A = arith.constant 0 : i32
    %dma_start3A_9 = arith.constant 0 : i32
    %dma_start3A_10 = tpu.memref_slice %arg7[%dma_start3A, %dma_start3A_9] : memref<80x128xi32, #tpu.memory_space<vmem>> -> memref<1x128xi32, #tpu.memory_space<vmem>>
    %dma_start3A_11 = tpu.memref_squeeze %dma_start3A_10 : memref<1x128xi32, #tpu.memory_space<vmem>> -> memref<128xi32, #tpu.memory_space<vmem>>
    %dma_start3A_12 = arith.constant 0 : i32
    %dma_start3A_13 = arith.constant 0 : i32
    %dma_start3A_14 = tpu.memref_slice %arg2[%dma_start3A_12, %dma_start3A_13] : memref<10112x16xf32, #tpu.memory_space<hbm>> -> memref<10112x16xf32, #tpu.memory_space<hbm>>
    tpu.enqueue_indirect_dma source(%dma_start3A_14 : memref<10112x16xf32, #tpu.memory_space<hbm>>) target(%arg9 : memref<128x16xf32, #tpu.memory_space<vmem>>) offsets(%dma_start3A_11 : memref<128xi32, #tpu.memory_space<vmem>>) semaphore(%arg14 : memref<!tpu.dma_semaphore, #tpu.memory_space<semaphore_mem>>)
    %dma_start3A_15 = arith.constant 1 : i32
    %dma_start3A_16 = arith.constant 0 : i32
    %dma_start3A_17 = tpu.memref_slice %arg7[%dma_start3A_15, %dma_start3A_16] : memref<80x128xi32, #tpu.memory_space<vmem>> -> memref<1x128xi32, #tpu.memory_space<vmem>>
    %dma_start3A_18 = tpu.memref_squeeze %dma_start3A_17 : memref<1x128xi32, #tpu.memory_space<vmem>> -> memref<128xi32, #tpu.memory_space<vmem>>
    %dma_start3A_19 = arith.constant 0 : i32
    %dma_start3A_20 = arith.constant 0 : i32
    %dma_start3A_21 = tpu.memref_slice %arg2[%dma_start3A_19, %dma_start3A_20] : memref<10112x16xf32, #tpu.memory_space<hbm>> -> memref<10112x16xf32, #tpu.memory_space<hbm>>
    tpu.enqueue_indirect_dma source(%dma_start3A_21 : memref<10112x16xf32, #tpu.memory_space<hbm>>) target(%arg10 : memref<128x16xf32, #tpu.memory_space<vmem>>) offsets(%dma_start3A_18 : memref<128xi32, #tpu.memory_space<vmem>>) semaphore(%arg15 : memref<!tpu.dma_semaphore, #tpu.memory_space<semaphore_mem>>)
    %dma_start3A_22 = arith.constant 2 : i32
    %dma_start3A_23 = arith.constant 0 : i32
    %dma_start3A_24 = tpu.memref_slice %arg7[%dma_start3A_22, %dma_start3A_23] : memref<80x128xi32, #tpu.memory_space<vmem>> -> memref<1x128xi32, #tpu.memory_space<vmem>>
    %dma_start3A_25 = tpu.memref_squeeze %dma_start3A_24 : memref<1x128xi32, #tpu.memory_space<vmem>> -> memref<128xi32, #tpu.memory_space<vmem>>
    %dma_start3A_26 = arith.constant 0 : i32
    %dma_start3A_27 = arith.constant 0 : i32
    %dma_start3A_28 = tpu.memref_slice %arg2[%dma_start3A_26, %dma_start3A_27] : memref<10112x16xf32, #tpu.memory_space<hbm>> -> memref<10112x16xf32, #tpu.memory_space<hbm>>
    tpu.enqueue_indirect_dma source(%dma_start3A_28 : memref<10112x16xf32, #tpu.memory_space<hbm>>) target(%arg11 : memref<128x16xf32, #tpu.memory_space<vmem>>) offsets(%dma_start3A_25 : memref<128xi32, #tpu.memory_space<vmem>>) semaphore(%arg16 : memref<!tpu.dma_semaphore, #tpu.memory_space<semaphore_mem>>)
    %dma_start3A_29 = arith.constant 3 : i32
    %dma_start3A_30 = arith.constant 0 : i32
    %dma_start3A_31 = tpu.memref_slice %arg7[%dma_start3A_29, %dma_start3A_30] : memref<80x128xi32, #tpu.memory_space<vmem>> -> memref<1x128xi32, #tpu.memory_space<vmem>>
    %dma_start3A_32 = tpu.memref_squeeze %dma_start3A_31 : memref<1x128xi32, #tpu.memory_space<vmem>> -> memref<128xi32, #tpu.memory_space<vmem>>
    %dma_start3A_33 = arith.constant 0 : i32
    %dma_start3A_34 = arith.constant 0 : i32
    %dma_start3A_35 = tpu.memref_slice %arg2[%dma_start3A_33, %dma_start3A_34] : memref<10112x16xf32, #tpu.memory_space<hbm>> -> memref<10112x16xf32, #tpu.memory_space<hbm>>
    tpu.enqueue_indirect_dma source(%dma_start3A_35 : memref<10112x16xf32, #tpu.memory_space<hbm>>) target(%arg12 : memref<128x16xf32, #tpu.memory_space<vmem>>) offsets(%dma_start3A_32 : memref<128xi32, #tpu.memory_space<vmem>>) semaphore(%arg17 : memref<!tpu.dma_semaphore, #tpu.memory_space<semaphore_mem>>)
    %scan3A = arith.constant 0 : i32
    %scan3A_36 = arith.constant 0 : i32
    %scan3A_37 = arith.constant 20 : i32
    %scan3A_38 = arith.addi %scan3A_36, %scan3A_37 : i32
    %scan3A_39 = arith.constant 1 : i32
    scf.for %scan3A_73 = %scan3A_36 to %scan3A_38 step %scan3A_39  : i32 {
      %mul3A_74 = arith.constant 4 : i32
      %mul3A_75 = arith.muli %scan3A_73, %mul3A_74 : i32
      %dma_wait3A_76 = arith.constant 0 : i32
      %dma_wait3A_77 = arith.constant 0 : i32
      %dma_wait3A_78 = tpu.memref_slice %arg7[%dma_wait3A_76, %dma_wait3A_77] : memref<80x128xi32, #tpu.memory_space<vmem>> -> memref<1x128xi32, #tpu.memory_space<vmem>>
      %dma_wait3A_79 = tpu.memref_squeeze %dma_wait3A_78 : memref<1x128xi32, #tpu.memory_space<vmem>> -> memref<128xi32, #tpu.memory_space<vmem>>
      %dma_wait3A_80 = arith.constant 0 : i32
      %dma_wait3A_81 = arith.constant 0 : i32
      %dma_wait3A_82 = tpu.memref_slice %arg2[%dma_wait3A_80, %dma_wait3A_81] : memref<10112x16xf32, #tpu.memory_space<hbm>> -> memref<10112x16xf32, #tpu.memory_space<hbm>>
      tpu.wait_indirect_dma semaphore(%arg14 : memref<!tpu.dma_semaphore, #tpu.memory_space<semaphore_mem>>) src(%dma_wait3A_82 : memref<10112x16xf32, #tpu.memory_space<hbm>>) dst(%arg9 : memref<128x16xf32, #tpu.memory_space<vmem>>)
      %add3A_83 = arith.constant 0 : i32
      %add3A_84 = arith.addi %mul3A_75, %add3A_83 : i32
      %dma_start3A_85 = arith.constant 0 : i32
      %dma_start3A_86 = tpu.memref_slice %arg8[%add3A_84, %dma_start3A_85] : memref<80x128xi32, #tpu.memory_space<vmem>> -> memref<1x128xi32, #tpu.memory_space<vmem>>
      %dma_start3A_87 = tpu.memref_squeeze %dma_start3A_86 : memref<1x128xi32, #tpu.memory_space<vmem>> -> memref<128xi32, #tpu.memory_space<vmem>>
      %dma_start3A_88 = arith.constant 0 : i32
      %dma_start3A_89 = arith.constant 0 : i32
      %dma_start3A_90 = tpu.memref_slice %arg13[%dma_start3A_88, %dma_start3A_89] : memref<10112x16xf32, #tpu.memory_space<vmem_shared>> -> memref<10112x16xf32, #tpu.memory_space<vmem_shared>>
      tpu.enqueue_indirect_dma source(%arg9 : memref<128x16xf32, #tpu.memory_space<vmem>>) target(%dma_start3A_90 : memref<10112x16xf32, #tpu.memory_space<vmem_shared>>) offsets(%dma_start3A_87 : memref<128xi32, #tpu.memory_space<vmem>>) semaphore(%arg18 : memref<!tpu.dma_semaphore, #tpu.memory_space<semaphore_mem>>) {add = true}
      %dma_wait3A_91 = arith.constant 0 : i32
      %dma_wait3A_92 = arith.constant 0 : i32
      %dma_wait3A_93 = tpu.memref_slice %arg7[%dma_wait3A_91, %dma_wait3A_92] : memref<80x128xi32, #tpu.memory_space<vmem>> -> memref<1x128xi32, #tpu.memory_space<vmem>>
      %dma_wait3A_94 = tpu.memref_squeeze %dma_wait3A_93 : memref<1x128xi32, #tpu.memory_space<vmem>> -> memref<128xi32, #tpu.memory_space<vmem>>
      %dma_wait3A_95 = arith.constant 0 : i32
      %dma_wait3A_96 = arith.constant 0 : i32
      %dma_wait3A_97 = tpu.memref_slice %arg2[%dma_wait3A_95, %dma_wait3A_96] : memref<10112x16xf32, #tpu.memory_space<hbm>> -> memref<10112x16xf32, #tpu.memory_space<hbm>>
      tpu.wait_indirect_dma semaphore(%arg15 : memref<!tpu.dma_semaphore, #tpu.memory_space<semaphore_mem>>) src(%dma_wait3A_97 : memref<10112x16xf32, #tpu.memory_space<hbm>>) dst(%arg10 : memref<128x16xf32, #tpu.memory_space<vmem>>)
      %add3A_98 = arith.constant 1 : i32
      %add3A_99 = arith.addi %mul3A_75, %add3A_98 : i32
      %dma_start3A_100 = arith.constant 0 : i32
      %dma_start3A_101 = tpu.memref_slice %arg8[%add3A_99, %dma_start3A_100] : memref<80x128xi32, #tpu.memory_space<vmem>> -> memref<1x128xi32, #tpu.memory_space<vmem>>
      %dma_start3A_102 = tpu.memref_squeeze %dma_start3A_101 : memref<1x128xi32, #tpu.memory_space<vmem>> -> memref<128xi32, #tpu.memory_space<vmem>>
      %dma_start3A_103 = arith.constant 0 : i32
      %dma_start3A_104 = arith.constant 0 : i32
      %dma_start3A_105 = tpu.memref_slice %arg13[%dma_start3A_103, %dma_start3A_104] : memref<10112x16xf32, #tpu.memory_space<vmem_shared>> -> memref<10112x16xf32, #tpu.memory_space<vmem_shared>>
      tpu.enqueue_indirect_dma source(%arg10 : memref<128x16xf32, #tpu.memory_space<vmem>>) target(%dma_start3A_105 : memref<10112x16xf32, #tpu.memory_space<vmem_shared>>) offsets(%dma_start3A_102 : memref<128xi32, #tpu.memory_space<vmem>>) semaphore(%arg19 : memref<!tpu.dma_semaphore, #tpu.memory_space<semaphore_mem>>) {add = true}
      %dma_wait3A_106 = arith.constant 0 : i32
      %dma_wait3A_107 = arith.constant 0 : i32
      %dma_wait3A_108 = tpu.memref_slice %arg7[%dma_wait3A_106, %dma_wait3A_107] : memref<80x128xi32, #tpu.memory_space<vmem>> -> memref<1x128xi32, #tpu.memory_space<vmem>>
      %dma_wait3A_109 = tpu.memref_squeeze %dma_wait3A_108 : memref<1x128xi32, #tpu.memory_space<vmem>> -> memref<128xi32, #tpu.memory_space<vmem>>
      %dma_wait3A_110 = arith.constant 0 : i32
      %dma_wait3A_111 = arith.constant 0 : i32
      %dma_wait3A_112 = tpu.memref_slice %arg2[%dma_wait3A_110, %dma_wait3A_111] : memref<10112x16xf32, #tpu.memory_space<hbm>> -> memref<10112x16xf32, #tpu.memory_space<hbm>>
      tpu.wait_indirect_dma semaphore(%arg16 : memref<!tpu.dma_semaphore, #tpu.memory_space<semaphore_mem>>) src(%dma_wait3A_112 : memref<10112x16xf32, #tpu.memory_space<hbm>>) dst(%arg11 : memref<128x16xf32, #tpu.memory_space<vmem>>)
      %add3A_113 = arith.constant 2 : i32
      %add3A_114 = arith.addi %mul3A_75, %add3A_113 : i32
      %dma_start3A_115 = arith.constant 0 : i32
      %dma_start3A_116 = tpu.memref_slice %arg8[%add3A_114, %dma_start3A_115] : memref<80x128xi32, #tpu.memory_space<vmem>> -> memref<1x128xi32, #tpu.memory_space<vmem>>
      %dma_start3A_117 = tpu.memref_squeeze %dma_start3A_116 : memref<1x128xi32, #tpu.memory_space<vmem>> -> memref<128xi32, #tpu.memory_space<vmem>>
      %dma_start3A_118 = arith.constant 0 : i32
      %dma_start3A_119 = arith.constant 0 : i32
      %dma_start3A_120 = tpu.memref_slice %arg13[%dma_start3A_118, %dma_start3A_119] : memref<10112x16xf32, #tpu.memory_space<vmem_shared>> -> memref<10112x16xf32, #tpu.memory_space<vmem_shared>>
      tpu.enqueue_indirect_dma source(%arg11 : memref<128x16xf32, #tpu.memory_space<vmem>>) target(%dma_start3A_120 : memref<10112x16xf32, #tpu.memory_space<vmem_shared>>) offsets(%dma_start3A_117 : memref<128xi32, #tpu.memory_space<vmem>>) semaphore(%arg20 : memref<!tpu.dma_semaphore, #tpu.memory_space<semaphore_mem>>) {add = true}
      %dma_wait3A_121 = arith.constant 0 : i32
      %dma_wait3A_122 = arith.constant 0 : i32
      %dma_wait3A_123 = tpu.memref_slice %arg7[%dma_wait3A_121, %dma_wait3A_122] : memref<80x128xi32, #tpu.memory_space<vmem>> -> memref<1x128xi32, #tpu.memory_space<vmem>>
      %dma_wait3A_124 = tpu.memref_squeeze %dma_wait3A_123 : memref<1x128xi32, #tpu.memory_space<vmem>> -> memref<128xi32, #tpu.memory_space<vmem>>
      %dma_wait3A_125 = arith.constant 0 : i32
      %dma_wait3A_126 = arith.constant 0 : i32
      %dma_wait3A_127 = tpu.memref_slice %arg2[%dma_wait3A_125, %dma_wait3A_126] : memref<10112x16xf32, #tpu.memory_space<hbm>> -> memref<10112x16xf32, #tpu.memory_space<hbm>>
      tpu.wait_indirect_dma semaphore(%arg17 : memref<!tpu.dma_semaphore, #tpu.memory_space<semaphore_mem>>) src(%dma_wait3A_127 : memref<10112x16xf32, #tpu.memory_space<hbm>>) dst(%arg12 : memref<128x16xf32, #tpu.memory_space<vmem>>)
      %add3A_128 = arith.constant 3 : i32
      %add3A_129 = arith.addi %mul3A_75, %add3A_128 : i32
      %dma_start3A_130 = arith.constant 0 : i32
      %dma_start3A_131 = tpu.memref_slice %arg8[%add3A_129, %dma_start3A_130] : memref<80x128xi32, #tpu.memory_space<vmem>> -> memref<1x128xi32, #tpu.memory_space<vmem>>
      %dma_start3A_132 = tpu.memref_squeeze %dma_start3A_131 : memref<1x128xi32, #tpu.memory_space<vmem>> -> memref<128xi32, #tpu.memory_space<vmem>>
      %dma_start3A_133 = arith.constant 0 : i32
      %dma_start3A_134 = arith.constant 0 : i32
      %dma_start3A_135 = tpu.memref_slice %arg13[%dma_start3A_133, %dma_start3A_134] : memref<10112x16xf32, #tpu.memory_space<vmem_shared>> -> memref<10112x16xf32, #tpu.memory_space<vmem_shared>>
      tpu.enqueue_indirect_dma source(%arg12 : memref<128x16xf32, #tpu.memory_space<vmem>>) target(%dma_start3A_135 : memref<10112x16xf32, #tpu.memory_space<vmem_shared>>) offsets(%dma_start3A_132 : memref<128xi32, #tpu.memory_space<vmem>>) semaphore(%arg21 : memref<!tpu.dma_semaphore, #tpu.memory_space<semaphore_mem>>) {add = true}
      %lt3A = arith.constant 19 : i32
      %lt3A_136 = arith.cmpi slt, %scan3A_73, %lt3A : i32
      %convert_element_type3A = arith.extui %lt3A_136 : i1 to i32
      %cond3A = arith.constant 0 : i32
      %cond3A_137 = arith.cmpi ne, %convert_element_type3A, %cond3A : i32
      scf.if %cond3A_137 {
        %dma_wait3A_138 = arith.constant 0 : i32
        %dma_wait3A_139 = arith.constant 0 : i32
        %dma_wait3A_140 = tpu.memref_slice %arg8[%dma_wait3A_138, %dma_wait3A_139] : memref<80x128xi32, #tpu.memory_space<vmem>> -> memref<1x128xi32, #tpu.memory_space<vmem>>
        %dma_wait3A_141 = tpu.memref_squeeze %dma_wait3A_140 : memref<1x128xi32, #tpu.memory_space<vmem>> -> memref<128xi32, #tpu.memory_space<vmem>>
        %dma_wait3A_142 = arith.constant 0 : i32
        %dma_wait3A_143 = arith.constant 0 : i32
        %dma_wait3A_144 = tpu.memref_slice %arg13[%dma_wait3A_142, %dma_wait3A_143] : memref<10112x16xf32, #tpu.memory_space<vmem_shared>> -> memref<10112x16xf32, #tpu.memory_space<vmem_shared>>
        tpu.wait_indirect_dma semaphore(%arg18 : memref<!tpu.dma_semaphore, #tpu.memory_space<semaphore_mem>>) src(%arg9 : memref<128x16xf32, #tpu.memory_space<vmem>>) dst(%dma_wait3A_144 : memref<10112x16xf32, #tpu.memory_space<vmem_shared>>)
        %add3A_145 = arith.constant 4 : i32
        %add3A_146 = arith.addi %mul3A_75, %add3A_145 : i32
        %add3A_147 = arith.constant 0 : i32
        %add3A_148 = arith.addi %add3A_146, %add3A_147 : i32
        %dma_start3A_149 = arith.constant 0 : i32
        %dma_start3A_150 = tpu.memref_slice %arg7[%add3A_148, %dma_start3A_149] : memref<80x128xi32, #tpu.memory_space<vmem>> -> memref<1x128xi32, #tpu.memory_space<vmem>>
        %dma_start3A_151 = tpu.memref_squeeze %dma_start3A_150 : memref<1x128xi32, #tpu.memory_space<vmem>> -> memref<128xi32, #tpu.memory_space<vmem>>
        %dma_start3A_152 = arith.constant 0 : i32
        %dma_start3A_153 = arith.constant 0 : i32
        %dma_start3A_154 = tpu.memref_slice %arg2[%dma_start3A_152, %dma_start3A_153] : memref<10112x16xf32, #tpu.memory_space<hbm>> -> memref<10112x16xf32, #tpu.memory_space<hbm>>
        tpu.enqueue_indirect_dma source(%dma_start3A_154 : memref<10112x16xf32, #tpu.memory_space<hbm>>) target(%arg9 : memref<128x16xf32, #tpu.memory_space<vmem>>) offsets(%dma_start3A_151 : memref<128xi32, #tpu.memory_space<vmem>>) semaphore(%arg14 : memref<!tpu.dma_semaphore, #tpu.memory_space<semaphore_mem>>)
        %dma_wait3A_155 = arith.constant 0 : i32
        %dma_wait3A_156 = arith.constant 0 : i32
        %dma_wait3A_157 = tpu.memref_slice %arg8[%dma_wait3A_155, %dma_wait3A_156] : memref<80x128xi32, #tpu.memory_space<vmem>> -> memref<1x128xi32, #tpu.memory_space<vmem>>
        %dma_wait3A_158 = tpu.memref_squeeze %dma_wait3A_157 : memref<1x128xi32, #tpu.memory_space<vmem>> -> memref<128xi32, #tpu.memory_space<vmem>>
        %dma_wait3A_159 = arith.constant 0 : i32
        %dma_wait3A_160 = arith.constant 0 : i32
        %dma_wait3A_161 = tpu.memref_slice %arg13[%dma_wait3A_159, %dma_wait3A_160] : memref<10112x16xf32, #tpu.memory_space<vmem_shared>> -> memref<10112x16xf32, #tpu.memory_space<vmem_shared>>
        tpu.wait_indirect_dma semaphore(%arg19 : memref<!tpu.dma_semaphore, #tpu.memory_space<semaphore_mem>>) src(%arg10 : memref<128x16xf32, #tpu.memory_space<vmem>>) dst(%dma_wait3A_161 : memref<10112x16xf32, #tpu.memory_space<vmem_shared>>)
        %add3A_162 = arith.constant 4 : i32
        %add3A_163 = arith.addi %mul3A_75, %add3A_162 : i32
        %add3A_164 = arith.constant 1 : i32
        %add3A_165 = arith.addi %add3A_163, %add3A_164 : i32
        %dma_start3A_166 = arith.constant 0 : i32
        %dma_start3A_167 = tpu.memref_slice %arg7[%add3A_165, %dma_start3A_166] : memref<80x128xi32, #tpu.memory_space<vmem>> -> memref<1x128xi32, #tpu.memory_space<vmem>>
        %dma_start3A_168 = tpu.memref_squeeze %dma_start3A_167 : memref<1x128xi32, #tpu.memory_space<vmem>> -> memref<128xi32, #tpu.memory_space<vmem>>
        %dma_start3A_169 = arith.constant 0 : i32
        %dma_start3A_170 = arith.constant 0 : i32
        %dma_start3A_171 = tpu.memref_slice %arg2[%dma_start3A_169, %dma_start3A_170] : memref<10112x16xf32, #tpu.memory_space<hbm>> -> memref<10112x16xf32, #tpu.memory_space<hbm>>
        tpu.enqueue_indirect_dma source(%dma_start3A_171 : memref<10112x16xf32, #tpu.memory_space<hbm>>) target(%arg10 : memref<128x16xf32, #tpu.memory_space<vmem>>) offsets(%dma_start3A_168 : memref<128xi32, #tpu.memory_space<vmem>>) semaphore(%arg15 : memref<!tpu.dma_semaphore, #tpu.memory_space<semaphore_mem>>)
        %dma_wait3A_172 = arith.constant 0 : i32
        %dma_wait3A_173 = arith.constant 0 : i32
        %dma_wait3A_174 = tpu.memref_slice %arg8[%dma_wait3A_172, %dma_wait3A_173] : memref<80x128xi32, #tpu.memory_space<vmem>> -> memref<1x128xi32, #tpu.memory_space<vmem>>
        %dma_wait3A_175 = tpu.memref_squeeze %dma_wait3A_174 : memref<1x128xi32, #tpu.memory_space<vmem>> -> memref<128xi32, #tpu.memory_space<vmem>>
        %dma_wait3A_176 = arith.constant 0 : i32
        %dma_wait3A_177 = arith.constant 0 : i32
        %dma_wait3A_178 = tpu.memref_slice %arg13[%dma_wait3A_176, %dma_wait3A_177] : memref<10112x16xf32, #tpu.memory_space<vmem_shared>> -> memref<10112x16xf32, #tpu.memory_space<vmem_shared>>
        tpu.wait_indirect_dma semaphore(%arg20 : memref<!tpu.dma_semaphore, #tpu.memory_space<semaphore_mem>>) src(%arg11 : memref<128x16xf32, #tpu.memory_space<vmem>>) dst(%dma_wait3A_178 : memref<10112x16xf32, #tpu.memory_space<vmem_shared>>)
        %add3A_179 = arith.constant 4 : i32
        %add3A_180 = arith.addi %mul3A_75, %add3A_179 : i32
        %add3A_181 = arith.constant 2 : i32
        %add3A_182 = arith.addi %add3A_180, %add3A_181 : i32
        %dma_start3A_183 = arith.constant 0 : i32
        %dma_start3A_184 = tpu.memref_slice %arg7[%add3A_182, %dma_start3A_183] : memref<80x128xi32, #tpu.memory_space<vmem>> -> memref<1x128xi32, #tpu.memory_space<vmem>>
        %dma_start3A_185 = tpu.memref_squeeze %dma_start3A_184 : memref<1x128xi32, #tpu.memory_space<vmem>> -> memref<128xi32, #tpu.memory_space<vmem>>
        %dma_start3A_186 = arith.constant 0 : i32
        %dma_start3A_187 = arith.constant 0 : i32
        %dma_start3A_188 = tpu.memref_slice %arg2[%dma_start3A_186, %dma_start3A_187] : memref<10112x16xf32, #tpu.memory_space<hbm>> -> memref<10112x16xf32, #tpu.memory_space<hbm>>
        tpu.enqueue_indirect_dma source(%dma_start3A_188 : memref<10112x16xf32, #tpu.memory_space<hbm>>) target(%arg11 : memref<128x16xf32, #tpu.memory_space<vmem>>) offsets(%dma_start3A_185 : memref<128xi32, #tpu.memory_space<vmem>>) semaphore(%arg16 : memref<!tpu.dma_semaphore, #tpu.memory_space<semaphore_mem>>)
        %dma_wait3A_189 = arith.constant 0 : i32
        %dma_wait3A_190 = arith.constant 0 : i32
        %dma_wait3A_191 = tpu.memref_slice %arg8[%dma_wait3A_189, %dma_wait3A_190] : memref<80x128xi32, #tpu.memory_space<vmem>> -> memref<1x128xi32, #tpu.memory_space<vmem>>
        %dma_wait3A_192 = tpu.memref_squeeze %dma_wait3A_191 : memref<1x128xi32, #tpu.memory_space<vmem>> -> memref<128xi32, #tpu.memory_space<vmem>>
        %dma_wait3A_193 = arith.constant 0 : i32
        %dma_wait3A_194 = arith.constant 0 : i32
        %dma_wait3A_195 = tpu.memref_slice %arg13[%dma_wait3A_193, %dma_wait3A_194] : memref<10112x16xf32, #tpu.memory_space<vmem_shared>> -> memref<10112x16xf32, #tpu.memory_space<vmem_shared>>
        tpu.wait_indirect_dma semaphore(%arg21 : memref<!tpu.dma_semaphore, #tpu.memory_space<semaphore_mem>>) src(%arg12 : memref<128x16xf32, #tpu.memory_space<vmem>>) dst(%dma_wait3A_195 : memref<10112x16xf32, #tpu.memory_space<vmem_shared>>)
        %add3A_196 = arith.constant 4 : i32
        %add3A_197 = arith.addi %mul3A_75, %add3A_196 : i32
        %add3A_198 = arith.constant 3 : i32
        %add3A_199 = arith.addi %add3A_197, %add3A_198 : i32
        %dma_start3A_200 = arith.constant 0 : i32
        %dma_start3A_201 = tpu.memref_slice %arg7[%add3A_199, %dma_start3A_200] : memref<80x128xi32, #tpu.memory_space<vmem>> -> memref<1x128xi32, #tpu.memory_space<vmem>>
        %dma_start3A_202 = tpu.memref_squeeze %dma_start3A_201 : memref<1x128xi32, #tpu.memory_space<vmem>> -> memref<128xi32, #tpu.memory_space<vmem>>
        %dma_start3A_203 = arith.constant 0 : i32
        %dma_start3A_204 = arith.constant 0 : i32
        %dma_start3A_205 = tpu.memref_slice %arg2[%dma_start3A_203, %dma_start3A_204] : memref<10112x16xf32, #tpu.memory_space<hbm>> -> memref<10112x16xf32, #tpu.memory_space<hbm>>
        tpu.enqueue_indirect_dma source(%dma_start3A_205 : memref<10112x16xf32, #tpu.memory_space<hbm>>) target(%arg12 : memref<128x16xf32, #tpu.memory_space<vmem>>) offsets(%dma_start3A_202 : memref<128xi32, #tpu.memory_space<vmem>>) semaphore(%arg17 : memref<!tpu.dma_semaphore, #tpu.memory_space<semaphore_mem>>)
      } else {
      }
    }
    %scan3A_40 = arith.constant 20 : i32
    %dma_wait3A = arith.constant 0 : i32
    %dma_wait3A_41 = arith.constant 0 : i32
    %dma_wait3A_42 = tpu.memref_slice %arg8[%dma_wait3A, %dma_wait3A_41] : memref<80x128xi32, #tpu.memory_space<vmem>> -> memref<1x128xi32, #tpu.memory_space<vmem>>
    %dma_wait3A_43 = tpu.memref_squeeze %dma_wait3A_42 : memref<1x128xi32, #tpu.memory_space<vmem>> -> memref<128xi32, #tpu.memory_space<vmem>>
    %dma_wait3A_44 = arith.constant 0 : i32
    %dma_wait3A_45 = arith.constant 0 : i32
    %dma_wait3A_46 = tpu.memref_slice %arg13[%dma_wait3A_44, %dma_wait3A_45] : memref<10112x16xf32, #tpu.memory_space<vmem_shared>> -> memref<10112x16xf32, #tpu.memory_space<vmem_shared>>
    tpu.wait_indirect_dma semaphore(%arg18 : memref<!tpu.dma_semaphore, #tpu.memory_space<semaphore_mem>>) src(%arg9 : memref<128x16xf32, #tpu.memory_space<vmem>>) dst(%dma_wait3A_46 : memref<10112x16xf32, #tpu.memory_space<vmem_shared>>)
    %dma_wait3A_47 = arith.constant 0 : i32
    %dma_wait3A_48 = arith.constant 0 : i32
    %dma_wait3A_49 = tpu.memref_slice %arg8[%dma_wait3A_47, %dma_wait3A_48] : memref<80x128xi32, #tpu.memory_space<vmem>> -> memref<1x128xi32, #tpu.memory_space<vmem>>
    %dma_wait3A_50 = tpu.memref_squeeze %dma_wait3A_49 : memref<1x128xi32, #tpu.memory_space<vmem>> -> memref<128xi32, #tpu.memory_space<vmem>>
    %dma_wait3A_51 = arith.constant 0 : i32
    %dma_wait3A_52 = arith.constant 0 : i32
    %dma_wait3A_53 = tpu.memref_slice %arg13[%dma_wait3A_51, %dma_wait3A_52] : memref<10112x16xf32, #tpu.memory_space<vmem_shared>> -> memref<10112x16xf32, #tpu.memory_space<vmem_shared>>
    tpu.wait_indirect_dma semaphore(%arg19 : memref<!tpu.dma_semaphore, #tpu.memory_space<semaphore_mem>>) src(%arg10 : memref<128x16xf32, #tpu.memory_space<vmem>>) dst(%dma_wait3A_53 : memref<10112x16xf32, #tpu.memory_space<vmem_shared>>)
    %dma_wait3A_54 = arith.constant 0 : i32
    %dma_wait3A_55 = arith.constant 0 : i32
    %dma_wait3A_56 = tpu.memref_slice %arg8[%dma_wait3A_54, %dma_wait3A_55] : memref<80x128xi32, #tpu.memory_space<vmem>> -> memref<1x128xi32, #tpu.memory_space<vmem>>
    %dma_wait3A_57 = tpu.memref_squeeze %dma_wait3A_56 : memref<1x128xi32, #tpu.memory_space<vmem>> -> memref<128xi32, #tpu.memory_space<vmem>>
    %dma_wait3A_58 = arith.constant 0 : i32
    %dma_wait3A_59 = arith.constant 0 : i32
    %dma_wait3A_60 = tpu.memref_slice %arg13[%dma_wait3A_58, %dma_wait3A_59] : memref<10112x16xf32, #tpu.memory_space<vmem_shared>> -> memref<10112x16xf32, #tpu.memory_space<vmem_shared>>
    tpu.wait_indirect_dma semaphore(%arg20 : memref<!tpu.dma_semaphore, #tpu.memory_space<semaphore_mem>>) src(%arg11 : memref<128x16xf32, #tpu.memory_space<vmem>>) dst(%dma_wait3A_60 : memref<10112x16xf32, #tpu.memory_space<vmem_shared>>)
    %dma_wait3A_61 = arith.constant 0 : i32
    %dma_wait3A_62 = arith.constant 0 : i32
    %dma_wait3A_63 = tpu.memref_slice %arg8[%dma_wait3A_61, %dma_wait3A_62] : memref<80x128xi32, #tpu.memory_space<vmem>> -> memref<1x128xi32, #tpu.memory_space<vmem>>
    %dma_wait3A_64 = tpu.memref_squeeze %dma_wait3A_63 : memref<1x128xi32, #tpu.memory_space<vmem>> -> memref<128xi32, #tpu.memory_space<vmem>>
    %dma_wait3A_65 = arith.constant 0 : i32
    %dma_wait3A_66 = arith.constant 0 : i32
    %dma_wait3A_67 = tpu.memref_slice %arg13[%dma_wait3A_65, %dma_wait3A_66] : memref<10112x16xf32, #tpu.memory_space<vmem_shared>> -> memref<10112x16xf32, #tpu.memory_space<vmem_shared>>
    tpu.wait_indirect_dma semaphore(%arg21 : memref<!tpu.dma_semaphore, #tpu.memory_space<semaphore_mem>>) src(%arg12 : memref<128x16xf32, #tpu.memory_space<vmem>>) dst(%dma_wait3A_67 : memref<10112x16xf32, #tpu.memory_space<vmem_shared>>)
    %barrier3A_68 = arith.constant 0 : index
    tpu.barrier barrier_id(%barrier3A_68)
    %mul3A_69 = arith.constant 632 : i32
    %mul3A_70 = arith.muli %arg1, %mul3A_69 : i32
    %mul3A_71 = arith.constant 632 : i32
    %mul3A_72 = arith.muli %arg1, %mul3A_71 : i32
    "tpu.region"() ({
      %run_scoped3A = tpu.sem_alloc : memref<!tpu.dma_semaphore, #tpu.memory_space<semaphore_mem>>
      %dma_start3A_73 = arith.constant 0 : i32
      %dma_start3A_74 = arith.constant 0 : i32
      %dma_start3A_75 = tpu.memref_slice %arg6[%arg0, %dma_start3A_73, %dma_start3A_74] : memref<2x10112x16xf32, #tpu.memory_space<hbm>> -> memref<1x10112x16xf32, #tpu.memory_space<hbm>>
      %dma_start3A_76 = tpu.memref_squeeze %dma_start3A_75 : memref<1x10112x16xf32, #tpu.memory_space<hbm>> -> memref<10112x16xf32, #tpu.memory_space<hbm>>
      %dma_start3A_77 = arith.constant 0 : i32
      %dma_start3A_78 = tpu.memref_slice %dma_start3A_76[%mul3A_72, %dma_start3A_77] : memref<10112x16xf32, #tpu.memory_space<hbm>> -> memref<632x16xf32, #tpu.memory_space<hbm>>
      %dma_start3A_79 = arith.constant 0 : i32
      %dma_start3A_80 = tpu.memref_slice %arg13[%mul3A_70, %dma_start3A_79] : memref<10112x16xf32, #tpu.memory_space<vmem_shared>> -> memref<632x16xf32, #tpu.memory_space<vmem_shared>>
      tpu.enqueue_dma source(%dma_start3A_80 : memref<632x16xf32, #tpu.memory_space<vmem_shared>>) target(%dma_start3A_78 : memref<632x16xf32, #tpu.memory_space<hbm>>) target_semaphore(%run_scoped3A : memref<!tpu.dma_semaphore, #tpu.memory_space<semaphore_mem>>)
      %dma_wait3A_81 = arith.constant 0 : i32
      %dma_wait3A_82 = arith.constant 0 : i32
      %dma_wait3A_83 = tpu.memref_slice %arg6[%arg0, %dma_wait3A_81, %dma_wait3A_82] : memref<2x10112x16xf32, #tpu.memory_space<hbm>> -> memref<1x10112x16xf32, #tpu.memory_space<hbm>>
      %dma_wait3A_84 = tpu.memref_squeeze %dma_wait3A_83 : memref<1x10112x16xf32, #tpu.memory_space<hbm>> -> memref<10112x16xf32, #tpu.memory_space<hbm>>
      %dma_wait3A_85 = arith.constant 0 : i32
      %dma_wait3A_86 = tpu.memref_slice %dma_wait3A_84[%mul3A_72, %dma_wait3A_85] : memref<10112x16xf32, #tpu.memory_space<hbm>> -> memref<632x16xf32, #tpu.memory_space<hbm>>
      %dma_wait3A_87 = arith.constant 0 : i32
      %dma_wait3A_88 = tpu.memref_slice %arg13[%mul3A_70, %dma_wait3A_87] : memref<10112x16xf32, #tpu.memory_space<vmem_shared>> -> memref<632x16xf32, #tpu.memory_space<vmem_shared>>
      tpu.wait_dma2 semaphore(%run_scoped3A : memref<!tpu.dma_semaphore, #tpu.memory_space<semaphore_mem>>) src(%dma_wait3A_88 : memref<632x16xf32, #tpu.memory_space<vmem_shared>>) dst(%dma_wait3A_86 : memref<632x16xf32, #tpu.memory_space<hbm>>)
      tpu.yield
    }) : () -> ()
    return
  }
}

#map = affine_map<(d0, d1) -> (0, 0)>
#map1 = affine_map<(d0, d1) -> (0, 0, 0)>
module attributes {stable_mosaic.version = 14 : i64} {
  func.func @edge_pass(%arg0: i32, %arg1: i32, %arg2: memref<10112x32xf32, #tpu.memory_space<hbm>>, %arg3: memref<2560x128xi32, #tpu.memory_space<hbm>>, %arg4: memref<2560x128xi32, #tpu.memory_space<hbm>>, %arg5: memref<10112x32xf32, #tpu.memory_space<hbm>>, %arg6: memref<2x10112x32xf32, #tpu.memory_space<hbm>>, %arg7: memref<80x128xi32, #tpu.memory_space<vmem>>, %arg8: memref<80x128xi32, #tpu.memory_space<vmem>>, %arg9: memref<128x32xf32, #tpu.memory_space<vmem>>, %arg10: memref<128x32xf32, #tpu.memory_space<vmem>>, %arg11: memref<128x32xf32, #tpu.memory_space<vmem>>, %arg12: memref<128x32xf32, #tpu.memory_space<vmem>>, %arg13: memref<10112x32xf32, #tpu.memory_space<vmem_shared>>, %arg14: memref<!tpu.dma_semaphore, #tpu.memory_space<semaphore_mem>>, %arg15: memref<!tpu.dma_semaphore, #tpu.memory_space<semaphore_mem>>, %arg16: memref<!tpu.dma_semaphore, #tpu.memory_space<semaphore_mem>>, %arg17: memref<!tpu.dma_semaphore, #tpu.memory_space<semaphore_mem>>, %arg18: memref<!tpu.dma_semaphore, #tpu.memory_space<semaphore_mem>>, %arg19: memref<!tpu.dma_semaphore, #tpu.memory_space<semaphore_mem>>, %arg20: memref<!tpu.dma_semaphore, #tpu.memory_space<semaphore_mem>>, %arg21: memref<!tpu.dma_semaphore, #tpu.memory_space<semaphore_mem>>) attributes {dimension_semantics = [#tpu.dimension_semantics<core_parallel>, #tpu.dimension_semantics<subcore_parallel>], iteration_bounds = array<i64: 2, 16>, scalar_prefetch = 0 : i64, scratch_operands = 15 : i64, tpu.core_type = #tpu.core_type<sc_vector_subcore>, window_params = [{transform_indices = #map}, {transform_indices = #map}, {transform_indices = #map}, {transform_indices = #map}, {transform_indices = #map1}]} {
    %mul3A = arith.constant 16 : i32
    %mul3A_0 = arith.muli %arg0, %mul3A : i32
    %add3A = arith.addi %mul3A_0, %arg1 : i32
    %mul3A_1 = arith.constant 632 : i32
    %mul3A_2 = arith.muli %arg1, %mul3A_1 : i32
    %mul3A_3 = arith.constant 632 : i32
    %mul3A_4 = arith.muli %arg1, %mul3A_3 : i32
    "tpu.region"() ({
      %run_scoped3A = tpu.sem_alloc : memref<!tpu.dma_semaphore, #tpu.memory_space<semaphore_mem>>
      %dma_start3A_73 = arith.constant 0 : i32
      %dma_start3A_74 = tpu.memref_slice %arg13[%mul3A_4, %dma_start3A_73] : memref<10112x32xf32, #tpu.memory_space<vmem_shared>> -> memref<632x32xf32, #tpu.memory_space<vmem_shared>>
      %dma_start3A_75 = arith.constant 0 : i32
      %dma_start3A_76 = tpu.memref_slice %arg5[%mul3A_2, %dma_start3A_75] : memref<10112x32xf32, #tpu.memory_space<hbm>> -> memref<632x32xf32, #tpu.memory_space<hbm>>
      tpu.enqueue_dma source(%dma_start3A_76 : memref<632x32xf32, #tpu.memory_space<hbm>>) target(%dma_start3A_74 : memref<632x32xf32, #tpu.memory_space<vmem_shared>>) target_semaphore(%run_scoped3A : memref<!tpu.dma_semaphore, #tpu.memory_space<semaphore_mem>>)
      %dma_wait3A_77 = arith.constant 0 : i32
      %dma_wait3A_78 = tpu.memref_slice %arg13[%mul3A_4, %dma_wait3A_77] : memref<10112x32xf32, #tpu.memory_space<vmem_shared>> -> memref<632x32xf32, #tpu.memory_space<vmem_shared>>
      %dma_wait3A_79 = arith.constant 0 : i32
      %dma_wait3A_80 = tpu.memref_slice %arg5[%mul3A_2, %dma_wait3A_79] : memref<10112x32xf32, #tpu.memory_space<hbm>> -> memref<632x32xf32, #tpu.memory_space<hbm>>
      tpu.wait_dma2 semaphore(%run_scoped3A : memref<!tpu.dma_semaphore, #tpu.memory_space<semaphore_mem>>) src(%dma_wait3A_80 : memref<632x32xf32, #tpu.memory_space<hbm>>) dst(%dma_wait3A_78 : memref<632x32xf32, #tpu.memory_space<vmem_shared>>)
      tpu.yield
    }) : () -> ()
    %mul3A_5 = arith.constant 80 : i32
    %mul3A_6 = arith.muli %add3A, %mul3A_5 : i32
    "tpu.region"() ({
      %run_scoped3A = tpu.sem_alloc : memref<!tpu.dma_semaphore, #tpu.memory_space<semaphore_mem>>
      %dma_start3A_73 = arith.constant 0 : i32
      %dma_start3A_74 = tpu.memref_slice %arg3[%mul3A_6, %dma_start3A_73] : memref<2560x128xi32, #tpu.memory_space<hbm>> -> memref<80x128xi32, #tpu.memory_space<hbm>>
      %dma_start3A_75 = arith.constant 0 : i32
      %dma_start3A_76 = tpu.memref_slice %arg3[%mul3A_6, %dma_start3A_75] : memref<2560x128xi32, #tpu.memory_space<hbm>> -> memref<80x128xi32, #tpu.memory_space<hbm>>
      tpu.enqueue_dma source(%dma_start3A_76 : memref<80x128xi32, #tpu.memory_space<hbm>>) target(%arg7 : memref<80x128xi32, #tpu.memory_space<vmem>>) target_semaphore(%run_scoped3A : memref<!tpu.dma_semaphore, #tpu.memory_space<semaphore_mem>>)
      %dma_wait3A_77 = arith.constant 0 : i32
      %dma_wait3A_78 = tpu.memref_slice %arg3[%mul3A_6, %dma_wait3A_77] : memref<2560x128xi32, #tpu.memory_space<hbm>> -> memref<80x128xi32, #tpu.memory_space<hbm>>
      %dma_wait3A_79 = arith.constant 0 : i32
      %dma_wait3A_80 = tpu.memref_slice %arg3[%mul3A_6, %dma_wait3A_79] : memref<2560x128xi32, #tpu.memory_space<hbm>> -> memref<80x128xi32, #tpu.memory_space<hbm>>
      tpu.wait_dma2 semaphore(%run_scoped3A : memref<!tpu.dma_semaphore, #tpu.memory_space<semaphore_mem>>) src(%dma_wait3A_80 : memref<80x128xi32, #tpu.memory_space<hbm>>) dst(%arg7 : memref<80x128xi32, #tpu.memory_space<vmem>>)
      tpu.yield
    }) : () -> ()
    %mul3A_7 = arith.constant 80 : i32
    %mul3A_8 = arith.muli %add3A, %mul3A_7 : i32
    "tpu.region"() ({
      %run_scoped3A = tpu.sem_alloc : memref<!tpu.dma_semaphore, #tpu.memory_space<semaphore_mem>>
      %dma_start3A_73 = arith.constant 0 : i32
      %dma_start3A_74 = tpu.memref_slice %arg4[%mul3A_8, %dma_start3A_73] : memref<2560x128xi32, #tpu.memory_space<hbm>> -> memref<80x128xi32, #tpu.memory_space<hbm>>
      %dma_start3A_75 = arith.constant 0 : i32
      %dma_start3A_76 = tpu.memref_slice %arg4[%mul3A_8, %dma_start3A_75] : memref<2560x128xi32, #tpu.memory_space<hbm>> -> memref<80x128xi32, #tpu.memory_space<hbm>>
      tpu.enqueue_dma source(%dma_start3A_76 : memref<80x128xi32, #tpu.memory_space<hbm>>) target(%arg8 : memref<80x128xi32, #tpu.memory_space<vmem>>) target_semaphore(%run_scoped3A : memref<!tpu.dma_semaphore, #tpu.memory_space<semaphore_mem>>)
      %dma_wait3A_77 = arith.constant 0 : i32
      %dma_wait3A_78 = tpu.memref_slice %arg4[%mul3A_8, %dma_wait3A_77] : memref<2560x128xi32, #tpu.memory_space<hbm>> -> memref<80x128xi32, #tpu.memory_space<hbm>>
      %dma_wait3A_79 = arith.constant 0 : i32
      %dma_wait3A_80 = tpu.memref_slice %arg4[%mul3A_8, %dma_wait3A_79] : memref<2560x128xi32, #tpu.memory_space<hbm>> -> memref<80x128xi32, #tpu.memory_space<hbm>>
      tpu.wait_dma2 semaphore(%run_scoped3A : memref<!tpu.dma_semaphore, #tpu.memory_space<semaphore_mem>>) src(%dma_wait3A_80 : memref<80x128xi32, #tpu.memory_space<hbm>>) dst(%arg8 : memref<80x128xi32, #tpu.memory_space<vmem>>)
      tpu.yield
    }) : () -> ()
    %barrier3A = arith.constant 0 : index
    tpu.barrier barrier_id(%barrier3A)
    %dma_start3A = arith.constant 0 : i32
    %dma_start3A_9 = arith.constant 0 : i32
    %dma_start3A_10 = tpu.memref_slice %arg7[%dma_start3A, %dma_start3A_9] : memref<80x128xi32, #tpu.memory_space<vmem>> -> memref<1x128xi32, #tpu.memory_space<vmem>>
    %dma_start3A_11 = tpu.memref_squeeze %dma_start3A_10 : memref<1x128xi32, #tpu.memory_space<vmem>> -> memref<128xi32, #tpu.memory_space<vmem>>
    %dma_start3A_12 = arith.constant 0 : i32
    %dma_start3A_13 = arith.constant 0 : i32
    %dma_start3A_14 = tpu.memref_slice %arg2[%dma_start3A_12, %dma_start3A_13] : memref<10112x32xf32, #tpu.memory_space<hbm>> -> memref<10112x32xf32, #tpu.memory_space<hbm>>
    tpu.enqueue_indirect_dma source(%dma_start3A_14 : memref<10112x32xf32, #tpu.memory_space<hbm>>) target(%arg9 : memref<128x32xf32, #tpu.memory_space<vmem>>) offsets(%dma_start3A_11 : memref<128xi32, #tpu.memory_space<vmem>>) semaphore(%arg14 : memref<!tpu.dma_semaphore, #tpu.memory_space<semaphore_mem>>)
    %dma_start3A_15 = arith.constant 1 : i32
    %dma_start3A_16 = arith.constant 0 : i32
    %dma_start3A_17 = tpu.memref_slice %arg7[%dma_start3A_15, %dma_start3A_16] : memref<80x128xi32, #tpu.memory_space<vmem>> -> memref<1x128xi32, #tpu.memory_space<vmem>>
    %dma_start3A_18 = tpu.memref_squeeze %dma_start3A_17 : memref<1x128xi32, #tpu.memory_space<vmem>> -> memref<128xi32, #tpu.memory_space<vmem>>
    %dma_start3A_19 = arith.constant 0 : i32
    %dma_start3A_20 = arith.constant 0 : i32
    %dma_start3A_21 = tpu.memref_slice %arg2[%dma_start3A_19, %dma_start3A_20] : memref<10112x32xf32, #tpu.memory_space<hbm>> -> memref<10112x32xf32, #tpu.memory_space<hbm>>
    tpu.enqueue_indirect_dma source(%dma_start3A_21 : memref<10112x32xf32, #tpu.memory_space<hbm>>) target(%arg10 : memref<128x32xf32, #tpu.memory_space<vmem>>) offsets(%dma_start3A_18 : memref<128xi32, #tpu.memory_space<vmem>>) semaphore(%arg15 : memref<!tpu.dma_semaphore, #tpu.memory_space<semaphore_mem>>)
    %dma_start3A_22 = arith.constant 2 : i32
    %dma_start3A_23 = arith.constant 0 : i32
    %dma_start3A_24 = tpu.memref_slice %arg7[%dma_start3A_22, %dma_start3A_23] : memref<80x128xi32, #tpu.memory_space<vmem>> -> memref<1x128xi32, #tpu.memory_space<vmem>>
    %dma_start3A_25 = tpu.memref_squeeze %dma_start3A_24 : memref<1x128xi32, #tpu.memory_space<vmem>> -> memref<128xi32, #tpu.memory_space<vmem>>
    %dma_start3A_26 = arith.constant 0 : i32
    %dma_start3A_27 = arith.constant 0 : i32
    %dma_start3A_28 = tpu.memref_slice %arg2[%dma_start3A_26, %dma_start3A_27] : memref<10112x32xf32, #tpu.memory_space<hbm>> -> memref<10112x32xf32, #tpu.memory_space<hbm>>
    tpu.enqueue_indirect_dma source(%dma_start3A_28 : memref<10112x32xf32, #tpu.memory_space<hbm>>) target(%arg11 : memref<128x32xf32, #tpu.memory_space<vmem>>) offsets(%dma_start3A_25 : memref<128xi32, #tpu.memory_space<vmem>>) semaphore(%arg16 : memref<!tpu.dma_semaphore, #tpu.memory_space<semaphore_mem>>)
    %dma_start3A_29 = arith.constant 3 : i32
    %dma_start3A_30 = arith.constant 0 : i32
    %dma_start3A_31 = tpu.memref_slice %arg7[%dma_start3A_29, %dma_start3A_30] : memref<80x128xi32, #tpu.memory_space<vmem>> -> memref<1x128xi32, #tpu.memory_space<vmem>>
    %dma_start3A_32 = tpu.memref_squeeze %dma_start3A_31 : memref<1x128xi32, #tpu.memory_space<vmem>> -> memref<128xi32, #tpu.memory_space<vmem>>
    %dma_start3A_33 = arith.constant 0 : i32
    %dma_start3A_34 = arith.constant 0 : i32
    %dma_start3A_35 = tpu.memref_slice %arg2[%dma_start3A_33, %dma_start3A_34] : memref<10112x32xf32, #tpu.memory_space<hbm>> -> memref<10112x32xf32, #tpu.memory_space<hbm>>
    tpu.enqueue_indirect_dma source(%dma_start3A_35 : memref<10112x32xf32, #tpu.memory_space<hbm>>) target(%arg12 : memref<128x32xf32, #tpu.memory_space<vmem>>) offsets(%dma_start3A_32 : memref<128xi32, #tpu.memory_space<vmem>>) semaphore(%arg17 : memref<!tpu.dma_semaphore, #tpu.memory_space<semaphore_mem>>)
    %scan3A = arith.constant 0 : i32
    %scan3A_36 = arith.constant 0 : i32
    %scan3A_37 = arith.constant 20 : i32
    %scan3A_38 = arith.addi %scan3A_36, %scan3A_37 : i32
    %scan3A_39 = arith.constant 1 : i32
    scf.for %scan3A_73 = %scan3A_36 to %scan3A_38 step %scan3A_39  : i32 {
      %mul3A_74 = arith.constant 4 : i32
      %mul3A_75 = arith.muli %scan3A_73, %mul3A_74 : i32
      %dma_wait3A_76 = arith.constant 0 : i32
      %dma_wait3A_77 = arith.constant 0 : i32
      %dma_wait3A_78 = tpu.memref_slice %arg7[%dma_wait3A_76, %dma_wait3A_77] : memref<80x128xi32, #tpu.memory_space<vmem>> -> memref<1x128xi32, #tpu.memory_space<vmem>>
      %dma_wait3A_79 = tpu.memref_squeeze %dma_wait3A_78 : memref<1x128xi32, #tpu.memory_space<vmem>> -> memref<128xi32, #tpu.memory_space<vmem>>
      %dma_wait3A_80 = arith.constant 0 : i32
      %dma_wait3A_81 = arith.constant 0 : i32
      %dma_wait3A_82 = tpu.memref_slice %arg2[%dma_wait3A_80, %dma_wait3A_81] : memref<10112x32xf32, #tpu.memory_space<hbm>> -> memref<10112x32xf32, #tpu.memory_space<hbm>>
      tpu.wait_indirect_dma semaphore(%arg14 : memref<!tpu.dma_semaphore, #tpu.memory_space<semaphore_mem>>) src(%dma_wait3A_82 : memref<10112x32xf32, #tpu.memory_space<hbm>>) dst(%arg9 : memref<128x32xf32, #tpu.memory_space<vmem>>)
      %add3A_83 = arith.constant 0 : i32
      %add3A_84 = arith.addi %mul3A_75, %add3A_83 : i32
      %dma_start3A_85 = arith.constant 0 : i32
      %dma_start3A_86 = tpu.memref_slice %arg8[%add3A_84, %dma_start3A_85] : memref<80x128xi32, #tpu.memory_space<vmem>> -> memref<1x128xi32, #tpu.memory_space<vmem>>
      %dma_start3A_87 = tpu.memref_squeeze %dma_start3A_86 : memref<1x128xi32, #tpu.memory_space<vmem>> -> memref<128xi32, #tpu.memory_space<vmem>>
      %dma_start3A_88 = arith.constant 0 : i32
      %dma_start3A_89 = arith.constant 0 : i32
      %dma_start3A_90 = tpu.memref_slice %arg13[%dma_start3A_88, %dma_start3A_89] : memref<10112x32xf32, #tpu.memory_space<vmem_shared>> -> memref<10112x32xf32, #tpu.memory_space<vmem_shared>>
      tpu.enqueue_indirect_dma source(%arg9 : memref<128x32xf32, #tpu.memory_space<vmem>>) target(%dma_start3A_90 : memref<10112x32xf32, #tpu.memory_space<vmem_shared>>) offsets(%dma_start3A_87 : memref<128xi32, #tpu.memory_space<vmem>>) semaphore(%arg18 : memref<!tpu.dma_semaphore, #tpu.memory_space<semaphore_mem>>) {add = true}
      %dma_wait3A_91 = arith.constant 0 : i32
      %dma_wait3A_92 = arith.constant 0 : i32
      %dma_wait3A_93 = tpu.memref_slice %arg7[%dma_wait3A_91, %dma_wait3A_92] : memref<80x128xi32, #tpu.memory_space<vmem>> -> memref<1x128xi32, #tpu.memory_space<vmem>>
      %dma_wait3A_94 = tpu.memref_squeeze %dma_wait3A_93 : memref<1x128xi32, #tpu.memory_space<vmem>> -> memref<128xi32, #tpu.memory_space<vmem>>
      %dma_wait3A_95 = arith.constant 0 : i32
      %dma_wait3A_96 = arith.constant 0 : i32
      %dma_wait3A_97 = tpu.memref_slice %arg2[%dma_wait3A_95, %dma_wait3A_96] : memref<10112x32xf32, #tpu.memory_space<hbm>> -> memref<10112x32xf32, #tpu.memory_space<hbm>>
      tpu.wait_indirect_dma semaphore(%arg15 : memref<!tpu.dma_semaphore, #tpu.memory_space<semaphore_mem>>) src(%dma_wait3A_97 : memref<10112x32xf32, #tpu.memory_space<hbm>>) dst(%arg10 : memref<128x32xf32, #tpu.memory_space<vmem>>)
      %add3A_98 = arith.constant 1 : i32
      %add3A_99 = arith.addi %mul3A_75, %add3A_98 : i32
      %dma_start3A_100 = arith.constant 0 : i32
      %dma_start3A_101 = tpu.memref_slice %arg8[%add3A_99, %dma_start3A_100] : memref<80x128xi32, #tpu.memory_space<vmem>> -> memref<1x128xi32, #tpu.memory_space<vmem>>
      %dma_start3A_102 = tpu.memref_squeeze %dma_start3A_101 : memref<1x128xi32, #tpu.memory_space<vmem>> -> memref<128xi32, #tpu.memory_space<vmem>>
      %dma_start3A_103 = arith.constant 0 : i32
      %dma_start3A_104 = arith.constant 0 : i32
      %dma_start3A_105 = tpu.memref_slice %arg13[%dma_start3A_103, %dma_start3A_104] : memref<10112x32xf32, #tpu.memory_space<vmem_shared>> -> memref<10112x32xf32, #tpu.memory_space<vmem_shared>>
      tpu.enqueue_indirect_dma source(%arg10 : memref<128x32xf32, #tpu.memory_space<vmem>>) target(%dma_start3A_105 : memref<10112x32xf32, #tpu.memory_space<vmem_shared>>) offsets(%dma_start3A_102 : memref<128xi32, #tpu.memory_space<vmem>>) semaphore(%arg19 : memref<!tpu.dma_semaphore, #tpu.memory_space<semaphore_mem>>) {add = true}
      %dma_wait3A_106 = arith.constant 0 : i32
      %dma_wait3A_107 = arith.constant 0 : i32
      %dma_wait3A_108 = tpu.memref_slice %arg7[%dma_wait3A_106, %dma_wait3A_107] : memref<80x128xi32, #tpu.memory_space<vmem>> -> memref<1x128xi32, #tpu.memory_space<vmem>>
      %dma_wait3A_109 = tpu.memref_squeeze %dma_wait3A_108 : memref<1x128xi32, #tpu.memory_space<vmem>> -> memref<128xi32, #tpu.memory_space<vmem>>
      %dma_wait3A_110 = arith.constant 0 : i32
      %dma_wait3A_111 = arith.constant 0 : i32
      %dma_wait3A_112 = tpu.memref_slice %arg2[%dma_wait3A_110, %dma_wait3A_111] : memref<10112x32xf32, #tpu.memory_space<hbm>> -> memref<10112x32xf32, #tpu.memory_space<hbm>>
      tpu.wait_indirect_dma semaphore(%arg16 : memref<!tpu.dma_semaphore, #tpu.memory_space<semaphore_mem>>) src(%dma_wait3A_112 : memref<10112x32xf32, #tpu.memory_space<hbm>>) dst(%arg11 : memref<128x32xf32, #tpu.memory_space<vmem>>)
      %add3A_113 = arith.constant 2 : i32
      %add3A_114 = arith.addi %mul3A_75, %add3A_113 : i32
      %dma_start3A_115 = arith.constant 0 : i32
      %dma_start3A_116 = tpu.memref_slice %arg8[%add3A_114, %dma_start3A_115] : memref<80x128xi32, #tpu.memory_space<vmem>> -> memref<1x128xi32, #tpu.memory_space<vmem>>
      %dma_start3A_117 = tpu.memref_squeeze %dma_start3A_116 : memref<1x128xi32, #tpu.memory_space<vmem>> -> memref<128xi32, #tpu.memory_space<vmem>>
      %dma_start3A_118 = arith.constant 0 : i32
      %dma_start3A_119 = arith.constant 0 : i32
      %dma_start3A_120 = tpu.memref_slice %arg13[%dma_start3A_118, %dma_start3A_119] : memref<10112x32xf32, #tpu.memory_space<vmem_shared>> -> memref<10112x32xf32, #tpu.memory_space<vmem_shared>>
      tpu.enqueue_indirect_dma source(%arg11 : memref<128x32xf32, #tpu.memory_space<vmem>>) target(%dma_start3A_120 : memref<10112x32xf32, #tpu.memory_space<vmem_shared>>) offsets(%dma_start3A_117 : memref<128xi32, #tpu.memory_space<vmem>>) semaphore(%arg20 : memref<!tpu.dma_semaphore, #tpu.memory_space<semaphore_mem>>) {add = true}
      %dma_wait3A_121 = arith.constant 0 : i32
      %dma_wait3A_122 = arith.constant 0 : i32
      %dma_wait3A_123 = tpu.memref_slice %arg7[%dma_wait3A_121, %dma_wait3A_122] : memref<80x128xi32, #tpu.memory_space<vmem>> -> memref<1x128xi32, #tpu.memory_space<vmem>>
      %dma_wait3A_124 = tpu.memref_squeeze %dma_wait3A_123 : memref<1x128xi32, #tpu.memory_space<vmem>> -> memref<128xi32, #tpu.memory_space<vmem>>
      %dma_wait3A_125 = arith.constant 0 : i32
      %dma_wait3A_126 = arith.constant 0 : i32
      %dma_wait3A_127 = tpu.memref_slice %arg2[%dma_wait3A_125, %dma_wait3A_126] : memref<10112x32xf32, #tpu.memory_space<hbm>> -> memref<10112x32xf32, #tpu.memory_space<hbm>>
      tpu.wait_indirect_dma semaphore(%arg17 : memref<!tpu.dma_semaphore, #tpu.memory_space<semaphore_mem>>) src(%dma_wait3A_127 : memref<10112x32xf32, #tpu.memory_space<hbm>>) dst(%arg12 : memref<128x32xf32, #tpu.memory_space<vmem>>)
      %add3A_128 = arith.constant 3 : i32
      %add3A_129 = arith.addi %mul3A_75, %add3A_128 : i32
      %dma_start3A_130 = arith.constant 0 : i32
      %dma_start3A_131 = tpu.memref_slice %arg8[%add3A_129, %dma_start3A_130] : memref<80x128xi32, #tpu.memory_space<vmem>> -> memref<1x128xi32, #tpu.memory_space<vmem>>
      %dma_start3A_132 = tpu.memref_squeeze %dma_start3A_131 : memref<1x128xi32, #tpu.memory_space<vmem>> -> memref<128xi32, #tpu.memory_space<vmem>>
      %dma_start3A_133 = arith.constant 0 : i32
      %dma_start3A_134 = arith.constant 0 : i32
      %dma_start3A_135 = tpu.memref_slice %arg13[%dma_start3A_133, %dma_start3A_134] : memref<10112x32xf32, #tpu.memory_space<vmem_shared>> -> memref<10112x32xf32, #tpu.memory_space<vmem_shared>>
      tpu.enqueue_indirect_dma source(%arg12 : memref<128x32xf32, #tpu.memory_space<vmem>>) target(%dma_start3A_135 : memref<10112x32xf32, #tpu.memory_space<vmem_shared>>) offsets(%dma_start3A_132 : memref<128xi32, #tpu.memory_space<vmem>>) semaphore(%arg21 : memref<!tpu.dma_semaphore, #tpu.memory_space<semaphore_mem>>) {add = true}
      %lt3A = arith.constant 19 : i32
      %lt3A_136 = arith.cmpi slt, %scan3A_73, %lt3A : i32
      %convert_element_type3A = arith.extui %lt3A_136 : i1 to i32
      %cond3A = arith.constant 0 : i32
      %cond3A_137 = arith.cmpi ne, %convert_element_type3A, %cond3A : i32
      scf.if %cond3A_137 {
        %dma_wait3A_138 = arith.constant 0 : i32
        %dma_wait3A_139 = arith.constant 0 : i32
        %dma_wait3A_140 = tpu.memref_slice %arg8[%dma_wait3A_138, %dma_wait3A_139] : memref<80x128xi32, #tpu.memory_space<vmem>> -> memref<1x128xi32, #tpu.memory_space<vmem>>
        %dma_wait3A_141 = tpu.memref_squeeze %dma_wait3A_140 : memref<1x128xi32, #tpu.memory_space<vmem>> -> memref<128xi32, #tpu.memory_space<vmem>>
        %dma_wait3A_142 = arith.constant 0 : i32
        %dma_wait3A_143 = arith.constant 0 : i32
        %dma_wait3A_144 = tpu.memref_slice %arg13[%dma_wait3A_142, %dma_wait3A_143] : memref<10112x32xf32, #tpu.memory_space<vmem_shared>> -> memref<10112x32xf32, #tpu.memory_space<vmem_shared>>
        tpu.wait_indirect_dma semaphore(%arg18 : memref<!tpu.dma_semaphore, #tpu.memory_space<semaphore_mem>>) src(%arg9 : memref<128x32xf32, #tpu.memory_space<vmem>>) dst(%dma_wait3A_144 : memref<10112x32xf32, #tpu.memory_space<vmem_shared>>)
        %add3A_145 = arith.constant 4 : i32
        %add3A_146 = arith.addi %mul3A_75, %add3A_145 : i32
        %add3A_147 = arith.constant 0 : i32
        %add3A_148 = arith.addi %add3A_146, %add3A_147 : i32
        %dma_start3A_149 = arith.constant 0 : i32
        %dma_start3A_150 = tpu.memref_slice %arg7[%add3A_148, %dma_start3A_149] : memref<80x128xi32, #tpu.memory_space<vmem>> -> memref<1x128xi32, #tpu.memory_space<vmem>>
        %dma_start3A_151 = tpu.memref_squeeze %dma_start3A_150 : memref<1x128xi32, #tpu.memory_space<vmem>> -> memref<128xi32, #tpu.memory_space<vmem>>
        %dma_start3A_152 = arith.constant 0 : i32
        %dma_start3A_153 = arith.constant 0 : i32
        %dma_start3A_154 = tpu.memref_slice %arg2[%dma_start3A_152, %dma_start3A_153] : memref<10112x32xf32, #tpu.memory_space<hbm>> -> memref<10112x32xf32, #tpu.memory_space<hbm>>
        tpu.enqueue_indirect_dma source(%dma_start3A_154 : memref<10112x32xf32, #tpu.memory_space<hbm>>) target(%arg9 : memref<128x32xf32, #tpu.memory_space<vmem>>) offsets(%dma_start3A_151 : memref<128xi32, #tpu.memory_space<vmem>>) semaphore(%arg14 : memref<!tpu.dma_semaphore, #tpu.memory_space<semaphore_mem>>)
        %dma_wait3A_155 = arith.constant 0 : i32
        %dma_wait3A_156 = arith.constant 0 : i32
        %dma_wait3A_157 = tpu.memref_slice %arg8[%dma_wait3A_155, %dma_wait3A_156] : memref<80x128xi32, #tpu.memory_space<vmem>> -> memref<1x128xi32, #tpu.memory_space<vmem>>
        %dma_wait3A_158 = tpu.memref_squeeze %dma_wait3A_157 : memref<1x128xi32, #tpu.memory_space<vmem>> -> memref<128xi32, #tpu.memory_space<vmem>>
        %dma_wait3A_159 = arith.constant 0 : i32
        %dma_wait3A_160 = arith.constant 0 : i32
        %dma_wait3A_161 = tpu.memref_slice %arg13[%dma_wait3A_159, %dma_wait3A_160] : memref<10112x32xf32, #tpu.memory_space<vmem_shared>> -> memref<10112x32xf32, #tpu.memory_space<vmem_shared>>
        tpu.wait_indirect_dma semaphore(%arg19 : memref<!tpu.dma_semaphore, #tpu.memory_space<semaphore_mem>>) src(%arg10 : memref<128x32xf32, #tpu.memory_space<vmem>>) dst(%dma_wait3A_161 : memref<10112x32xf32, #tpu.memory_space<vmem_shared>>)
        %add3A_162 = arith.constant 4 : i32
        %add3A_163 = arith.addi %mul3A_75, %add3A_162 : i32
        %add3A_164 = arith.constant 1 : i32
        %add3A_165 = arith.addi %add3A_163, %add3A_164 : i32
        %dma_start3A_166 = arith.constant 0 : i32
        %dma_start3A_167 = tpu.memref_slice %arg7[%add3A_165, %dma_start3A_166] : memref<80x128xi32, #tpu.memory_space<vmem>> -> memref<1x128xi32, #tpu.memory_space<vmem>>
        %dma_start3A_168 = tpu.memref_squeeze %dma_start3A_167 : memref<1x128xi32, #tpu.memory_space<vmem>> -> memref<128xi32, #tpu.memory_space<vmem>>
        %dma_start3A_169 = arith.constant 0 : i32
        %dma_start3A_170 = arith.constant 0 : i32
        %dma_start3A_171 = tpu.memref_slice %arg2[%dma_start3A_169, %dma_start3A_170] : memref<10112x32xf32, #tpu.memory_space<hbm>> -> memref<10112x32xf32, #tpu.memory_space<hbm>>
        tpu.enqueue_indirect_dma source(%dma_start3A_171 : memref<10112x32xf32, #tpu.memory_space<hbm>>) target(%arg10 : memref<128x32xf32, #tpu.memory_space<vmem>>) offsets(%dma_start3A_168 : memref<128xi32, #tpu.memory_space<vmem>>) semaphore(%arg15 : memref<!tpu.dma_semaphore, #tpu.memory_space<semaphore_mem>>)
        %dma_wait3A_172 = arith.constant 0 : i32
        %dma_wait3A_173 = arith.constant 0 : i32
        %dma_wait3A_174 = tpu.memref_slice %arg8[%dma_wait3A_172, %dma_wait3A_173] : memref<80x128xi32, #tpu.memory_space<vmem>> -> memref<1x128xi32, #tpu.memory_space<vmem>>
        %dma_wait3A_175 = tpu.memref_squeeze %dma_wait3A_174 : memref<1x128xi32, #tpu.memory_space<vmem>> -> memref<128xi32, #tpu.memory_space<vmem>>
        %dma_wait3A_176 = arith.constant 0 : i32
        %dma_wait3A_177 = arith.constant 0 : i32
        %dma_wait3A_178 = tpu.memref_slice %arg13[%dma_wait3A_176, %dma_wait3A_177] : memref<10112x32xf32, #tpu.memory_space<vmem_shared>> -> memref<10112x32xf32, #tpu.memory_space<vmem_shared>>
        tpu.wait_indirect_dma semaphore(%arg20 : memref<!tpu.dma_semaphore, #tpu.memory_space<semaphore_mem>>) src(%arg11 : memref<128x32xf32, #tpu.memory_space<vmem>>) dst(%dma_wait3A_178 : memref<10112x32xf32, #tpu.memory_space<vmem_shared>>)
        %add3A_179 = arith.constant 4 : i32
        %add3A_180 = arith.addi %mul3A_75, %add3A_179 : i32
        %add3A_181 = arith.constant 2 : i32
        %add3A_182 = arith.addi %add3A_180, %add3A_181 : i32
        %dma_start3A_183 = arith.constant 0 : i32
        %dma_start3A_184 = tpu.memref_slice %arg7[%add3A_182, %dma_start3A_183] : memref<80x128xi32, #tpu.memory_space<vmem>> -> memref<1x128xi32, #tpu.memory_space<vmem>>
        %dma_start3A_185 = tpu.memref_squeeze %dma_start3A_184 : memref<1x128xi32, #tpu.memory_space<vmem>> -> memref<128xi32, #tpu.memory_space<vmem>>
        %dma_start3A_186 = arith.constant 0 : i32
        %dma_start3A_187 = arith.constant 0 : i32
        %dma_start3A_188 = tpu.memref_slice %arg2[%dma_start3A_186, %dma_start3A_187] : memref<10112x32xf32, #tpu.memory_space<hbm>> -> memref<10112x32xf32, #tpu.memory_space<hbm>>
        tpu.enqueue_indirect_dma source(%dma_start3A_188 : memref<10112x32xf32, #tpu.memory_space<hbm>>) target(%arg11 : memref<128x32xf32, #tpu.memory_space<vmem>>) offsets(%dma_start3A_185 : memref<128xi32, #tpu.memory_space<vmem>>) semaphore(%arg16 : memref<!tpu.dma_semaphore, #tpu.memory_space<semaphore_mem>>)
        %dma_wait3A_189 = arith.constant 0 : i32
        %dma_wait3A_190 = arith.constant 0 : i32
        %dma_wait3A_191 = tpu.memref_slice %arg8[%dma_wait3A_189, %dma_wait3A_190] : memref<80x128xi32, #tpu.memory_space<vmem>> -> memref<1x128xi32, #tpu.memory_space<vmem>>
        %dma_wait3A_192 = tpu.memref_squeeze %dma_wait3A_191 : memref<1x128xi32, #tpu.memory_space<vmem>> -> memref<128xi32, #tpu.memory_space<vmem>>
        %dma_wait3A_193 = arith.constant 0 : i32
        %dma_wait3A_194 = arith.constant 0 : i32
        %dma_wait3A_195 = tpu.memref_slice %arg13[%dma_wait3A_193, %dma_wait3A_194] : memref<10112x32xf32, #tpu.memory_space<vmem_shared>> -> memref<10112x32xf32, #tpu.memory_space<vmem_shared>>
        tpu.wait_indirect_dma semaphore(%arg21 : memref<!tpu.dma_semaphore, #tpu.memory_space<semaphore_mem>>) src(%arg12 : memref<128x32xf32, #tpu.memory_space<vmem>>) dst(%dma_wait3A_195 : memref<10112x32xf32, #tpu.memory_space<vmem_shared>>)
        %add3A_196 = arith.constant 4 : i32
        %add3A_197 = arith.addi %mul3A_75, %add3A_196 : i32
        %add3A_198 = arith.constant 3 : i32
        %add3A_199 = arith.addi %add3A_197, %add3A_198 : i32
        %dma_start3A_200 = arith.constant 0 : i32
        %dma_start3A_201 = tpu.memref_slice %arg7[%add3A_199, %dma_start3A_200] : memref<80x128xi32, #tpu.memory_space<vmem>> -> memref<1x128xi32, #tpu.memory_space<vmem>>
        %dma_start3A_202 = tpu.memref_squeeze %dma_start3A_201 : memref<1x128xi32, #tpu.memory_space<vmem>> -> memref<128xi32, #tpu.memory_space<vmem>>
        %dma_start3A_203 = arith.constant 0 : i32
        %dma_start3A_204 = arith.constant 0 : i32
        %dma_start3A_205 = tpu.memref_slice %arg2[%dma_start3A_203, %dma_start3A_204] : memref<10112x32xf32, #tpu.memory_space<hbm>> -> memref<10112x32xf32, #tpu.memory_space<hbm>>
        tpu.enqueue_indirect_dma source(%dma_start3A_205 : memref<10112x32xf32, #tpu.memory_space<hbm>>) target(%arg12 : memref<128x32xf32, #tpu.memory_space<vmem>>) offsets(%dma_start3A_202 : memref<128xi32, #tpu.memory_space<vmem>>) semaphore(%arg17 : memref<!tpu.dma_semaphore, #tpu.memory_space<semaphore_mem>>)
      } else {
      }
    }
    %scan3A_40 = arith.constant 20 : i32
    %dma_wait3A = arith.constant 0 : i32
    %dma_wait3A_41 = arith.constant 0 : i32
    %dma_wait3A_42 = tpu.memref_slice %arg8[%dma_wait3A, %dma_wait3A_41] : memref<80x128xi32, #tpu.memory_space<vmem>> -> memref<1x128xi32, #tpu.memory_space<vmem>>
    %dma_wait3A_43 = tpu.memref_squeeze %dma_wait3A_42 : memref<1x128xi32, #tpu.memory_space<vmem>> -> memref<128xi32, #tpu.memory_space<vmem>>
    %dma_wait3A_44 = arith.constant 0 : i32
    %dma_wait3A_45 = arith.constant 0 : i32
    %dma_wait3A_46 = tpu.memref_slice %arg13[%dma_wait3A_44, %dma_wait3A_45] : memref<10112x32xf32, #tpu.memory_space<vmem_shared>> -> memref<10112x32xf32, #tpu.memory_space<vmem_shared>>
    tpu.wait_indirect_dma semaphore(%arg18 : memref<!tpu.dma_semaphore, #tpu.memory_space<semaphore_mem>>) src(%arg9 : memref<128x32xf32, #tpu.memory_space<vmem>>) dst(%dma_wait3A_46 : memref<10112x32xf32, #tpu.memory_space<vmem_shared>>)
    %dma_wait3A_47 = arith.constant 0 : i32
    %dma_wait3A_48 = arith.constant 0 : i32
    %dma_wait3A_49 = tpu.memref_slice %arg8[%dma_wait3A_47, %dma_wait3A_48] : memref<80x128xi32, #tpu.memory_space<vmem>> -> memref<1x128xi32, #tpu.memory_space<vmem>>
    %dma_wait3A_50 = tpu.memref_squeeze %dma_wait3A_49 : memref<1x128xi32, #tpu.memory_space<vmem>> -> memref<128xi32, #tpu.memory_space<vmem>>
    %dma_wait3A_51 = arith.constant 0 : i32
    %dma_wait3A_52 = arith.constant 0 : i32
    %dma_wait3A_53 = tpu.memref_slice %arg13[%dma_wait3A_51, %dma_wait3A_52] : memref<10112x32xf32, #tpu.memory_space<vmem_shared>> -> memref<10112x32xf32, #tpu.memory_space<vmem_shared>>
    tpu.wait_indirect_dma semaphore(%arg19 : memref<!tpu.dma_semaphore, #tpu.memory_space<semaphore_mem>>) src(%arg10 : memref<128x32xf32, #tpu.memory_space<vmem>>) dst(%dma_wait3A_53 : memref<10112x32xf32, #tpu.memory_space<vmem_shared>>)
    %dma_wait3A_54 = arith.constant 0 : i32
    %dma_wait3A_55 = arith.constant 0 : i32
    %dma_wait3A_56 = tpu.memref_slice %arg8[%dma_wait3A_54, %dma_wait3A_55] : memref<80x128xi32, #tpu.memory_space<vmem>> -> memref<1x128xi32, #tpu.memory_space<vmem>>
    %dma_wait3A_57 = tpu.memref_squeeze %dma_wait3A_56 : memref<1x128xi32, #tpu.memory_space<vmem>> -> memref<128xi32, #tpu.memory_space<vmem>>
    %dma_wait3A_58 = arith.constant 0 : i32
    %dma_wait3A_59 = arith.constant 0 : i32
    %dma_wait3A_60 = tpu.memref_slice %arg13[%dma_wait3A_58, %dma_wait3A_59] : memref<10112x32xf32, #tpu.memory_space<vmem_shared>> -> memref<10112x32xf32, #tpu.memory_space<vmem_shared>>
    tpu.wait_indirect_dma semaphore(%arg20 : memref<!tpu.dma_semaphore, #tpu.memory_space<semaphore_mem>>) src(%arg11 : memref<128x32xf32, #tpu.memory_space<vmem>>) dst(%dma_wait3A_60 : memref<10112x32xf32, #tpu.memory_space<vmem_shared>>)
    %dma_wait3A_61 = arith.constant 0 : i32
    %dma_wait3A_62 = arith.constant 0 : i32
    %dma_wait3A_63 = tpu.memref_slice %arg8[%dma_wait3A_61, %dma_wait3A_62] : memref<80x128xi32, #tpu.memory_space<vmem>> -> memref<1x128xi32, #tpu.memory_space<vmem>>
    %dma_wait3A_64 = tpu.memref_squeeze %dma_wait3A_63 : memref<1x128xi32, #tpu.memory_space<vmem>> -> memref<128xi32, #tpu.memory_space<vmem>>
    %dma_wait3A_65 = arith.constant 0 : i32
    %dma_wait3A_66 = arith.constant 0 : i32
    %dma_wait3A_67 = tpu.memref_slice %arg13[%dma_wait3A_65, %dma_wait3A_66] : memref<10112x32xf32, #tpu.memory_space<vmem_shared>> -> memref<10112x32xf32, #tpu.memory_space<vmem_shared>>
    tpu.wait_indirect_dma semaphore(%arg21 : memref<!tpu.dma_semaphore, #tpu.memory_space<semaphore_mem>>) src(%arg12 : memref<128x32xf32, #tpu.memory_space<vmem>>) dst(%dma_wait3A_67 : memref<10112x32xf32, #tpu.memory_space<vmem_shared>>)
    %barrier3A_68 = arith.constant 0 : index
    tpu.barrier barrier_id(%barrier3A_68)
    %mul3A_69 = arith.constant 632 : i32
    %mul3A_70 = arith.muli %arg1, %mul3A_69 : i32
    %mul3A_71 = arith.constant 632 : i32
    %mul3A_72 = arith.muli %arg1, %mul3A_71 : i32
    "tpu.region"() ({
      %run_scoped3A = tpu.sem_alloc : memref<!tpu.dma_semaphore, #tpu.memory_space<semaphore_mem>>
      %dma_start3A_73 = arith.constant 0 : i32
      %dma_start3A_74 = arith.constant 0 : i32
      %dma_start3A_75 = tpu.memref_slice %arg6[%arg0, %dma_start3A_73, %dma_start3A_74] : memref<2x10112x32xf32, #tpu.memory_space<hbm>> -> memref<1x10112x32xf32, #tpu.memory_space<hbm>>
      %dma_start3A_76 = tpu.memref_squeeze %dma_start3A_75 : memref<1x10112x32xf32, #tpu.memory_space<hbm>> -> memref<10112x32xf32, #tpu.memory_space<hbm>>
      %dma_start3A_77 = arith.constant 0 : i32
      %dma_start3A_78 = tpu.memref_slice %dma_start3A_76[%mul3A_72, %dma_start3A_77] : memref<10112x32xf32, #tpu.memory_space<hbm>> -> memref<632x32xf32, #tpu.memory_space<hbm>>
      %dma_start3A_79 = arith.constant 0 : i32
      %dma_start3A_80 = tpu.memref_slice %arg13[%mul3A_70, %dma_start3A_79] : memref<10112x32xf32, #tpu.memory_space<vmem_shared>> -> memref<632x32xf32, #tpu.memory_space<vmem_shared>>
      tpu.enqueue_dma source(%dma_start3A_80 : memref<632x32xf32, #tpu.memory_space<vmem_shared>>) target(%dma_start3A_78 : memref<632x32xf32, #tpu.memory_space<hbm>>) target_semaphore(%run_scoped3A : memref<!tpu.dma_semaphore, #tpu.memory_space<semaphore_mem>>)
      %dma_wait3A_81 = arith.constant 0 : i32
      %dma_wait3A_82 = arith.constant 0 : i32
      %dma_wait3A_83 = tpu.memref_slice %arg6[%arg0, %dma_wait3A_81, %dma_wait3A_82] : memref<2x10112x32xf32, #tpu.memory_space<hbm>> -> memref<1x10112x32xf32, #tpu.memory_space<hbm>>
      %dma_wait3A_84 = tpu.memref_squeeze %dma_wait3A_83 : memref<1x10112x32xf32, #tpu.memory_space<hbm>> -> memref<10112x32xf32, #tpu.memory_space<hbm>>
      %dma_wait3A_85 = arith.constant 0 : i32
      %dma_wait3A_86 = tpu.memref_slice %dma_wait3A_84[%mul3A_72, %dma_wait3A_85] : memref<10112x32xf32, #tpu.memory_space<hbm>> -> memref<632x32xf32, #tpu.memory_space<hbm>>
      %dma_wait3A_87 = arith.constant 0 : i32
      %dma_wait3A_88 = tpu.memref_slice %arg13[%mul3A_70, %dma_wait3A_87] : memref<10112x32xf32, #tpu.memory_space<vmem_shared>> -> memref<632x32xf32, #tpu.memory_space<vmem_shared>>
      tpu.wait_dma2 semaphore(%run_scoped3A : memref<!tpu.dma_semaphore, #tpu.memory_space<semaphore_mem>>) src(%dma_wait3A_88 : memref<632x32xf32, #tpu.memory_space<vmem_shared>>) dst(%dma_wait3A_86 : memref<632x32xf32, #tpu.memory_space<hbm>>)
      tpu.yield
    }) : () -> ()
    return
  }
}

#map = affine_map<(d0, d1) -> (0, 0)>
#map1 = affine_map<(d0, d1) -> (0, 0, 0)>
module attributes {stable_mosaic.version = 14 : i64} {
  func.func @edge_pass(%arg0: i32, %arg1: i32, %arg2: memref<10112x32xf32, #tpu.memory_space<hbm>>, %arg3: memref<2560x128xi32, #tpu.memory_space<hbm>>, %arg4: memref<2560x128xi32, #tpu.memory_space<hbm>>, %arg5: memref<10112x32xf32, #tpu.memory_space<hbm>>, %arg6: memref<2x10112x32xf32, #tpu.memory_space<hbm>>, %arg7: memref<80x128xi32, #tpu.memory_space<vmem>>, %arg8: memref<80x128xi32, #tpu.memory_space<vmem>>, %arg9: memref<128x32xf32, #tpu.memory_space<vmem>>, %arg10: memref<128x32xf32, #tpu.memory_space<vmem>>, %arg11: memref<128x32xf32, #tpu.memory_space<vmem>>, %arg12: memref<128x32xf32, #tpu.memory_space<vmem>>, %arg13: memref<10112x32xf32, #tpu.memory_space<vmem_shared>>, %arg14: memref<!tpu.dma_semaphore, #tpu.memory_space<semaphore_mem>>, %arg15: memref<!tpu.dma_semaphore, #tpu.memory_space<semaphore_mem>>, %arg16: memref<!tpu.dma_semaphore, #tpu.memory_space<semaphore_mem>>, %arg17: memref<!tpu.dma_semaphore, #tpu.memory_space<semaphore_mem>>, %arg18: memref<!tpu.dma_semaphore, #tpu.memory_space<semaphore_mem>>, %arg19: memref<!tpu.dma_semaphore, #tpu.memory_space<semaphore_mem>>, %arg20: memref<!tpu.dma_semaphore, #tpu.memory_space<semaphore_mem>>, %arg21: memref<!tpu.dma_semaphore, #tpu.memory_space<semaphore_mem>>) attributes {dimension_semantics = [#tpu.dimension_semantics<core_parallel>, #tpu.dimension_semantics<subcore_parallel>], iteration_bounds = array<i64: 2, 16>, scalar_prefetch = 0 : i64, scratch_operands = 15 : i64, tpu.core_type = #tpu.core_type<sc_vector_subcore>, window_params = [{transform_indices = #map}, {transform_indices = #map}, {transform_indices = #map}, {transform_indices = #map}, {transform_indices = #map1}]} {
    %mul3A = arith.constant 16 : i32
    %mul3A_0 = arith.muli %arg0, %mul3A : i32
    %add3A = arith.addi %mul3A_0, %arg1 : i32
    %mul3A_1 = arith.constant 632 : i32
    %mul3A_2 = arith.muli %arg1, %mul3A_1 : i32
    %mul3A_3 = arith.constant 632 : i32
    %mul3A_4 = arith.muli %arg1, %mul3A_3 : i32
    "tpu.region"() ({
      %run_scoped3A = tpu.sem_alloc : memref<!tpu.dma_semaphore, #tpu.memory_space<semaphore_mem>>
      %dma_start3A_73 = arith.constant 0 : i32
      %dma_start3A_74 = tpu.memref_slice %arg13[%mul3A_4, %dma_start3A_73] : memref<10112x32xf32, #tpu.memory_space<vmem_shared>> -> memref<632x32xf32, #tpu.memory_space<vmem_shared>>
      %dma_start3A_75 = arith.constant 0 : i32
      %dma_start3A_76 = tpu.memref_slice %arg5[%mul3A_2, %dma_start3A_75] : memref<10112x32xf32, #tpu.memory_space<hbm>> -> memref<632x32xf32, #tpu.memory_space<hbm>>
      tpu.enqueue_dma source(%dma_start3A_76 : memref<632x32xf32, #tpu.memory_space<hbm>>) target(%dma_start3A_74 : memref<632x32xf32, #tpu.memory_space<vmem_shared>>) target_semaphore(%run_scoped3A : memref<!tpu.dma_semaphore, #tpu.memory_space<semaphore_mem>>)
      %dma_wait3A_77 = arith.constant 0 : i32
      %dma_wait3A_78 = tpu.memref_slice %arg13[%mul3A_4, %dma_wait3A_77] : memref<10112x32xf32, #tpu.memory_space<vmem_shared>> -> memref<632x32xf32, #tpu.memory_space<vmem_shared>>
      %dma_wait3A_79 = arith.constant 0 : i32
      %dma_wait3A_80 = tpu.memref_slice %arg5[%mul3A_2, %dma_wait3A_79] : memref<10112x32xf32, #tpu.memory_space<hbm>> -> memref<632x32xf32, #tpu.memory_space<hbm>>
      tpu.wait_dma2 semaphore(%run_scoped3A : memref<!tpu.dma_semaphore, #tpu.memory_space<semaphore_mem>>) src(%dma_wait3A_80 : memref<632x32xf32, #tpu.memory_space<hbm>>) dst(%dma_wait3A_78 : memref<632x32xf32, #tpu.memory_space<vmem_shared>>)
      tpu.yield
    }) : () -> ()
    %mul3A_5 = arith.constant 80 : i32
    %mul3A_6 = arith.muli %add3A, %mul3A_5 : i32
    "tpu.region"() ({
      %run_scoped3A = tpu.sem_alloc : memref<!tpu.dma_semaphore, #tpu.memory_space<semaphore_mem>>
      %dma_start3A_73 = arith.constant 0 : i32
      %dma_start3A_74 = tpu.memref_slice %arg3[%mul3A_6, %dma_start3A_73] : memref<2560x128xi32, #tpu.memory_space<hbm>> -> memref<80x128xi32, #tpu.memory_space<hbm>>
      %dma_start3A_75 = arith.constant 0 : i32
      %dma_start3A_76 = tpu.memref_slice %arg3[%mul3A_6, %dma_start3A_75] : memref<2560x128xi32, #tpu.memory_space<hbm>> -> memref<80x128xi32, #tpu.memory_space<hbm>>
      tpu.enqueue_dma source(%dma_start3A_76 : memref<80x128xi32, #tpu.memory_space<hbm>>) target(%arg7 : memref<80x128xi32, #tpu.memory_space<vmem>>) target_semaphore(%run_scoped3A : memref<!tpu.dma_semaphore, #tpu.memory_space<semaphore_mem>>)
      %dma_wait3A_77 = arith.constant 0 : i32
      %dma_wait3A_78 = tpu.memref_slice %arg3[%mul3A_6, %dma_wait3A_77] : memref<2560x128xi32, #tpu.memory_space<hbm>> -> memref<80x128xi32, #tpu.memory_space<hbm>>
      %dma_wait3A_79 = arith.constant 0 : i32
      %dma_wait3A_80 = tpu.memref_slice %arg3[%mul3A_6, %dma_wait3A_79] : memref<2560x128xi32, #tpu.memory_space<hbm>> -> memref<80x128xi32, #tpu.memory_space<hbm>>
      tpu.wait_dma2 semaphore(%run_scoped3A : memref<!tpu.dma_semaphore, #tpu.memory_space<semaphore_mem>>) src(%dma_wait3A_80 : memref<80x128xi32, #tpu.memory_space<hbm>>) dst(%arg7 : memref<80x128xi32, #tpu.memory_space<vmem>>)
      tpu.yield
    }) : () -> ()
    %mul3A_7 = arith.constant 80 : i32
    %mul3A_8 = arith.muli %add3A, %mul3A_7 : i32
    "tpu.region"() ({
      %run_scoped3A = tpu.sem_alloc : memref<!tpu.dma_semaphore, #tpu.memory_space<semaphore_mem>>
      %dma_start3A_73 = arith.constant 0 : i32
      %dma_start3A_74 = tpu.memref_slice %arg4[%mul3A_8, %dma_start3A_73] : memref<2560x128xi32, #tpu.memory_space<hbm>> -> memref<80x128xi32, #tpu.memory_space<hbm>>
      %dma_start3A_75 = arith.constant 0 : i32
      %dma_start3A_76 = tpu.memref_slice %arg4[%mul3A_8, %dma_start3A_75] : memref<2560x128xi32, #tpu.memory_space<hbm>> -> memref<80x128xi32, #tpu.memory_space<hbm>>
      tpu.enqueue_dma source(%dma_start3A_76 : memref<80x128xi32, #tpu.memory_space<hbm>>) target(%arg8 : memref<80x128xi32, #tpu.memory_space<vmem>>) target_semaphore(%run_scoped3A : memref<!tpu.dma_semaphore, #tpu.memory_space<semaphore_mem>>)
      %dma_wait3A_77 = arith.constant 0 : i32
      %dma_wait3A_78 = tpu.memref_slice %arg4[%mul3A_8, %dma_wait3A_77] : memref<2560x128xi32, #tpu.memory_space<hbm>> -> memref<80x128xi32, #tpu.memory_space<hbm>>
      %dma_wait3A_79 = arith.constant 0 : i32
      %dma_wait3A_80 = tpu.memref_slice %arg4[%mul3A_8, %dma_wait3A_79] : memref<2560x128xi32, #tpu.memory_space<hbm>> -> memref<80x128xi32, #tpu.memory_space<hbm>>
      tpu.wait_dma2 semaphore(%run_scoped3A : memref<!tpu.dma_semaphore, #tpu.memory_space<semaphore_mem>>) src(%dma_wait3A_80 : memref<80x128xi32, #tpu.memory_space<hbm>>) dst(%arg8 : memref<80x128xi32, #tpu.memory_space<vmem>>)
      tpu.yield
    }) : () -> ()
    %barrier3A = arith.constant 0 : index
    tpu.barrier barrier_id(%barrier3A)
    %dma_start3A = arith.constant 0 : i32
    %dma_start3A_9 = arith.constant 0 : i32
    %dma_start3A_10 = tpu.memref_slice %arg7[%dma_start3A, %dma_start3A_9] : memref<80x128xi32, #tpu.memory_space<vmem>> -> memref<1x128xi32, #tpu.memory_space<vmem>>
    %dma_start3A_11 = tpu.memref_squeeze %dma_start3A_10 : memref<1x128xi32, #tpu.memory_space<vmem>> -> memref<128xi32, #tpu.memory_space<vmem>>
    %dma_start3A_12 = arith.constant 0 : i32
    %dma_start3A_13 = arith.constant 0 : i32
    %dma_start3A_14 = tpu.memref_slice %arg2[%dma_start3A_12, %dma_start3A_13] : memref<10112x32xf32, #tpu.memory_space<hbm>> -> memref<10112x32xf32, #tpu.memory_space<hbm>>
    tpu.enqueue_indirect_dma source(%dma_start3A_14 : memref<10112x32xf32, #tpu.memory_space<hbm>>) target(%arg9 : memref<128x32xf32, #tpu.memory_space<vmem>>) offsets(%dma_start3A_11 : memref<128xi32, #tpu.memory_space<vmem>>) semaphore(%arg14 : memref<!tpu.dma_semaphore, #tpu.memory_space<semaphore_mem>>)
    %dma_start3A_15 = arith.constant 1 : i32
    %dma_start3A_16 = arith.constant 0 : i32
    %dma_start3A_17 = tpu.memref_slice %arg7[%dma_start3A_15, %dma_start3A_16] : memref<80x128xi32, #tpu.memory_space<vmem>> -> memref<1x128xi32, #tpu.memory_space<vmem>>
    %dma_start3A_18 = tpu.memref_squeeze %dma_start3A_17 : memref<1x128xi32, #tpu.memory_space<vmem>> -> memref<128xi32, #tpu.memory_space<vmem>>
    %dma_start3A_19 = arith.constant 0 : i32
    %dma_start3A_20 = arith.constant 0 : i32
    %dma_start3A_21 = tpu.memref_slice %arg2[%dma_start3A_19, %dma_start3A_20] : memref<10112x32xf32, #tpu.memory_space<hbm>> -> memref<10112x32xf32, #tpu.memory_space<hbm>>
    tpu.enqueue_indirect_dma source(%dma_start3A_21 : memref<10112x32xf32, #tpu.memory_space<hbm>>) target(%arg10 : memref<128x32xf32, #tpu.memory_space<vmem>>) offsets(%dma_start3A_18 : memref<128xi32, #tpu.memory_space<vmem>>) semaphore(%arg15 : memref<!tpu.dma_semaphore, #tpu.memory_space<semaphore_mem>>)
    %dma_start3A_22 = arith.constant 2 : i32
    %dma_start3A_23 = arith.constant 0 : i32
    %dma_start3A_24 = tpu.memref_slice %arg7[%dma_start3A_22, %dma_start3A_23] : memref<80x128xi32, #tpu.memory_space<vmem>> -> memref<1x128xi32, #tpu.memory_space<vmem>>
    %dma_start3A_25 = tpu.memref_squeeze %dma_start3A_24 : memref<1x128xi32, #tpu.memory_space<vmem>> -> memref<128xi32, #tpu.memory_space<vmem>>
    %dma_start3A_26 = arith.constant 0 : i32
    %dma_start3A_27 = arith.constant 0 : i32
    %dma_start3A_28 = tpu.memref_slice %arg2[%dma_start3A_26, %dma_start3A_27] : memref<10112x32xf32, #tpu.memory_space<hbm>> -> memref<10112x32xf32, #tpu.memory_space<hbm>>
    tpu.enqueue_indirect_dma source(%dma_start3A_28 : memref<10112x32xf32, #tpu.memory_space<hbm>>) target(%arg11 : memref<128x32xf32, #tpu.memory_space<vmem>>) offsets(%dma_start3A_25 : memref<128xi32, #tpu.memory_space<vmem>>) semaphore(%arg16 : memref<!tpu.dma_semaphore, #tpu.memory_space<semaphore_mem>>)
    %dma_start3A_29 = arith.constant 3 : i32
    %dma_start3A_30 = arith.constant 0 : i32
    %dma_start3A_31 = tpu.memref_slice %arg7[%dma_start3A_29, %dma_start3A_30] : memref<80x128xi32, #tpu.memory_space<vmem>> -> memref<1x128xi32, #tpu.memory_space<vmem>>
    %dma_start3A_32 = tpu.memref_squeeze %dma_start3A_31 : memref<1x128xi32, #tpu.memory_space<vmem>> -> memref<128xi32, #tpu.memory_space<vmem>>
    %dma_start3A_33 = arith.constant 0 : i32
    %dma_start3A_34 = arith.constant 0 : i32
    %dma_start3A_35 = tpu.memref_slice %arg2[%dma_start3A_33, %dma_start3A_34] : memref<10112x32xf32, #tpu.memory_space<hbm>> -> memref<10112x32xf32, #tpu.memory_space<hbm>>
    tpu.enqueue_indirect_dma source(%dma_start3A_35 : memref<10112x32xf32, #tpu.memory_space<hbm>>) target(%arg12 : memref<128x32xf32, #tpu.memory_space<vmem>>) offsets(%dma_start3A_32 : memref<128xi32, #tpu.memory_space<vmem>>) semaphore(%arg17 : memref<!tpu.dma_semaphore, #tpu.memory_space<semaphore_mem>>)
    %scan3A = arith.constant 0 : i32
    %scan3A_36 = arith.constant 0 : i32
    %scan3A_37 = arith.constant 20 : i32
    %scan3A_38 = arith.addi %scan3A_36, %scan3A_37 : i32
    %scan3A_39 = arith.constant 1 : i32
    scf.for %scan3A_73 = %scan3A_36 to %scan3A_38 step %scan3A_39  : i32 {
      %mul3A_74 = arith.constant 4 : i32
      %mul3A_75 = arith.muli %scan3A_73, %mul3A_74 : i32
      %dma_wait3A_76 = arith.constant 0 : i32
      %dma_wait3A_77 = arith.constant 0 : i32
      %dma_wait3A_78 = tpu.memref_slice %arg7[%dma_wait3A_76, %dma_wait3A_77] : memref<80x128xi32, #tpu.memory_space<vmem>> -> memref<1x128xi32, #tpu.memory_space<vmem>>
      %dma_wait3A_79 = tpu.memref_squeeze %dma_wait3A_78 : memref<1x128xi32, #tpu.memory_space<vmem>> -> memref<128xi32, #tpu.memory_space<vmem>>
      %dma_wait3A_80 = arith.constant 0 : i32
      %dma_wait3A_81 = arith.constant 0 : i32
      %dma_wait3A_82 = tpu.memref_slice %arg2[%dma_wait3A_80, %dma_wait3A_81] : memref<10112x32xf32, #tpu.memory_space<hbm>> -> memref<10112x32xf32, #tpu.memory_space<hbm>>
      tpu.wait_indirect_dma semaphore(%arg14 : memref<!tpu.dma_semaphore, #tpu.memory_space<semaphore_mem>>) src(%dma_wait3A_82 : memref<10112x32xf32, #tpu.memory_space<hbm>>) dst(%arg9 : memref<128x32xf32, #tpu.memory_space<vmem>>)
      %add3A_83 = arith.constant 0 : i32
      %add3A_84 = arith.addi %mul3A_75, %add3A_83 : i32
      %dma_start3A_85 = arith.constant 0 : i32
      %dma_start3A_86 = tpu.memref_slice %arg8[%add3A_84, %dma_start3A_85] : memref<80x128xi32, #tpu.memory_space<vmem>> -> memref<1x128xi32, #tpu.memory_space<vmem>>
      %dma_start3A_87 = tpu.memref_squeeze %dma_start3A_86 : memref<1x128xi32, #tpu.memory_space<vmem>> -> memref<128xi32, #tpu.memory_space<vmem>>
      %dma_start3A_88 = arith.constant 0 : i32
      %dma_start3A_89 = arith.constant 0 : i32
      %dma_start3A_90 = tpu.memref_slice %arg13[%dma_start3A_88, %dma_start3A_89] : memref<10112x32xf32, #tpu.memory_space<vmem_shared>> -> memref<10112x32xf32, #tpu.memory_space<vmem_shared>>
      tpu.enqueue_indirect_dma source(%arg9 : memref<128x32xf32, #tpu.memory_space<vmem>>) target(%dma_start3A_90 : memref<10112x32xf32, #tpu.memory_space<vmem_shared>>) offsets(%dma_start3A_87 : memref<128xi32, #tpu.memory_space<vmem>>) semaphore(%arg18 : memref<!tpu.dma_semaphore, #tpu.memory_space<semaphore_mem>>) {add = true}
      %dma_wait3A_91 = arith.constant 0 : i32
      %dma_wait3A_92 = arith.constant 0 : i32
      %dma_wait3A_93 = tpu.memref_slice %arg7[%dma_wait3A_91, %dma_wait3A_92] : memref<80x128xi32, #tpu.memory_space<vmem>> -> memref<1x128xi32, #tpu.memory_space<vmem>>
      %dma_wait3A_94 = tpu.memref_squeeze %dma_wait3A_93 : memref<1x128xi32, #tpu.memory_space<vmem>> -> memref<128xi32, #tpu.memory_space<vmem>>
      %dma_wait3A_95 = arith.constant 0 : i32
      %dma_wait3A_96 = arith.constant 0 : i32
      %dma_wait3A_97 = tpu.memref_slice %arg2[%dma_wait3A_95, %dma_wait3A_96] : memref<10112x32xf32, #tpu.memory_space<hbm>> -> memref<10112x32xf32, #tpu.memory_space<hbm>>
      tpu.wait_indirect_dma semaphore(%arg15 : memref<!tpu.dma_semaphore, #tpu.memory_space<semaphore_mem>>) src(%dma_wait3A_97 : memref<10112x32xf32, #tpu.memory_space<hbm>>) dst(%arg10 : memref<128x32xf32, #tpu.memory_space<vmem>>)
      %add3A_98 = arith.constant 1 : i32
      %add3A_99 = arith.addi %mul3A_75, %add3A_98 : i32
      %dma_start3A_100 = arith.constant 0 : i32
      %dma_start3A_101 = tpu.memref_slice %arg8[%add3A_99, %dma_start3A_100] : memref<80x128xi32, #tpu.memory_space<vmem>> -> memref<1x128xi32, #tpu.memory_space<vmem>>
      %dma_start3A_102 = tpu.memref_squeeze %dma_start3A_101 : memref<1x128xi32, #tpu.memory_space<vmem>> -> memref<128xi32, #tpu.memory_space<vmem>>
      %dma_start3A_103 = arith.constant 0 : i32
      %dma_start3A_104 = arith.constant 0 : i32
      %dma_start3A_105 = tpu.memref_slice %arg13[%dma_start3A_103, %dma_start3A_104] : memref<10112x32xf32, #tpu.memory_space<vmem_shared>> -> memref<10112x32xf32, #tpu.memory_space<vmem_shared>>
      tpu.enqueue_indirect_dma source(%arg10 : memref<128x32xf32, #tpu.memory_space<vmem>>) target(%dma_start3A_105 : memref<10112x32xf32, #tpu.memory_space<vmem_shared>>) offsets(%dma_start3A_102 : memref<128xi32, #tpu.memory_space<vmem>>) semaphore(%arg19 : memref<!tpu.dma_semaphore, #tpu.memory_space<semaphore_mem>>) {add = true}
      %dma_wait3A_106 = arith.constant 0 : i32
      %dma_wait3A_107 = arith.constant 0 : i32
      %dma_wait3A_108 = tpu.memref_slice %arg7[%dma_wait3A_106, %dma_wait3A_107] : memref<80x128xi32, #tpu.memory_space<vmem>> -> memref<1x128xi32, #tpu.memory_space<vmem>>
      %dma_wait3A_109 = tpu.memref_squeeze %dma_wait3A_108 : memref<1x128xi32, #tpu.memory_space<vmem>> -> memref<128xi32, #tpu.memory_space<vmem>>
      %dma_wait3A_110 = arith.constant 0 : i32
      %dma_wait3A_111 = arith.constant 0 : i32
      %dma_wait3A_112 = tpu.memref_slice %arg2[%dma_wait3A_110, %dma_wait3A_111] : memref<10112x32xf32, #tpu.memory_space<hbm>> -> memref<10112x32xf32, #tpu.memory_space<hbm>>
      tpu.wait_indirect_dma semaphore(%arg16 : memref<!tpu.dma_semaphore, #tpu.memory_space<semaphore_mem>>) src(%dma_wait3A_112 : memref<10112x32xf32, #tpu.memory_space<hbm>>) dst(%arg11 : memref<128x32xf32, #tpu.memory_space<vmem>>)
      %add3A_113 = arith.constant 2 : i32
      %add3A_114 = arith.addi %mul3A_75, %add3A_113 : i32
      %dma_start3A_115 = arith.constant 0 : i32
      %dma_start3A_116 = tpu.memref_slice %arg8[%add3A_114, %dma_start3A_115] : memref<80x128xi32, #tpu.memory_space<vmem>> -> memref<1x128xi32, #tpu.memory_space<vmem>>
      %dma_start3A_117 = tpu.memref_squeeze %dma_start3A_116 : memref<1x128xi32, #tpu.memory_space<vmem>> -> memref<128xi32, #tpu.memory_space<vmem>>
      %dma_start3A_118 = arith.constant 0 : i32
      %dma_start3A_119 = arith.constant 0 : i32
      %dma_start3A_120 = tpu.memref_slice %arg13[%dma_start3A_118, %dma_start3A_119] : memref<10112x32xf32, #tpu.memory_space<vmem_shared>> -> memref<10112x32xf32, #tpu.memory_space<vmem_shared>>
      tpu.enqueue_indirect_dma source(%arg11 : memref<128x32xf32, #tpu.memory_space<vmem>>) target(%dma_start3A_120 : memref<10112x32xf32, #tpu.memory_space<vmem_shared>>) offsets(%dma_start3A_117 : memref<128xi32, #tpu.memory_space<vmem>>) semaphore(%arg20 : memref<!tpu.dma_semaphore, #tpu.memory_space<semaphore_mem>>) {add = true}
      %dma_wait3A_121 = arith.constant 0 : i32
      %dma_wait3A_122 = arith.constant 0 : i32
      %dma_wait3A_123 = tpu.memref_slice %arg7[%dma_wait3A_121, %dma_wait3A_122] : memref<80x128xi32, #tpu.memory_space<vmem>> -> memref<1x128xi32, #tpu.memory_space<vmem>>
      %dma_wait3A_124 = tpu.memref_squeeze %dma_wait3A_123 : memref<1x128xi32, #tpu.memory_space<vmem>> -> memref<128xi32, #tpu.memory_space<vmem>>
      %dma_wait3A_125 = arith.constant 0 : i32
      %dma_wait3A_126 = arith.constant 0 : i32
      %dma_wait3A_127 = tpu.memref_slice %arg2[%dma_wait3A_125, %dma_wait3A_126] : memref<10112x32xf32, #tpu.memory_space<hbm>> -> memref<10112x32xf32, #tpu.memory_space<hbm>>
      tpu.wait_indirect_dma semaphore(%arg17 : memref<!tpu.dma_semaphore, #tpu.memory_space<semaphore_mem>>) src(%dma_wait3A_127 : memref<10112x32xf32, #tpu.memory_space<hbm>>) dst(%arg12 : memref<128x32xf32, #tpu.memory_space<vmem>>)
      %add3A_128 = arith.constant 3 : i32
      %add3A_129 = arith.addi %mul3A_75, %add3A_128 : i32
      %dma_start3A_130 = arith.constant 0 : i32
      %dma_start3A_131 = tpu.memref_slice %arg8[%add3A_129, %dma_start3A_130] : memref<80x128xi32, #tpu.memory_space<vmem>> -> memref<1x128xi32, #tpu.memory_space<vmem>>
      %dma_start3A_132 = tpu.memref_squeeze %dma_start3A_131 : memref<1x128xi32, #tpu.memory_space<vmem>> -> memref<128xi32, #tpu.memory_space<vmem>>
      %dma_start3A_133 = arith.constant 0 : i32
      %dma_start3A_134 = arith.constant 0 : i32
      %dma_start3A_135 = tpu.memref_slice %arg13[%dma_start3A_133, %dma_start3A_134] : memref<10112x32xf32, #tpu.memory_space<vmem_shared>> -> memref<10112x32xf32, #tpu.memory_space<vmem_shared>>
      tpu.enqueue_indirect_dma source(%arg12 : memref<128x32xf32, #tpu.memory_space<vmem>>) target(%dma_start3A_135 : memref<10112x32xf32, #tpu.memory_space<vmem_shared>>) offsets(%dma_start3A_132 : memref<128xi32, #tpu.memory_space<vmem>>) semaphore(%arg21 : memref<!tpu.dma_semaphore, #tpu.memory_space<semaphore_mem>>) {add = true}
      %lt3A = arith.constant 19 : i32
      %lt3A_136 = arith.cmpi slt, %scan3A_73, %lt3A : i32
      %convert_element_type3A = arith.extui %lt3A_136 : i1 to i32
      %cond3A = arith.constant 0 : i32
      %cond3A_137 = arith.cmpi ne, %convert_element_type3A, %cond3A : i32
      scf.if %cond3A_137 {
        %dma_wait3A_138 = arith.constant 0 : i32
        %dma_wait3A_139 = arith.constant 0 : i32
        %dma_wait3A_140 = tpu.memref_slice %arg8[%dma_wait3A_138, %dma_wait3A_139] : memref<80x128xi32, #tpu.memory_space<vmem>> -> memref<1x128xi32, #tpu.memory_space<vmem>>
        %dma_wait3A_141 = tpu.memref_squeeze %dma_wait3A_140 : memref<1x128xi32, #tpu.memory_space<vmem>> -> memref<128xi32, #tpu.memory_space<vmem>>
        %dma_wait3A_142 = arith.constant 0 : i32
        %dma_wait3A_143 = arith.constant 0 : i32
        %dma_wait3A_144 = tpu.memref_slice %arg13[%dma_wait3A_142, %dma_wait3A_143] : memref<10112x32xf32, #tpu.memory_space<vmem_shared>> -> memref<10112x32xf32, #tpu.memory_space<vmem_shared>>
        tpu.wait_indirect_dma semaphore(%arg18 : memref<!tpu.dma_semaphore, #tpu.memory_space<semaphore_mem>>) src(%arg9 : memref<128x32xf32, #tpu.memory_space<vmem>>) dst(%dma_wait3A_144 : memref<10112x32xf32, #tpu.memory_space<vmem_shared>>)
        %add3A_145 = arith.constant 4 : i32
        %add3A_146 = arith.addi %mul3A_75, %add3A_145 : i32
        %add3A_147 = arith.constant 0 : i32
        %add3A_148 = arith.addi %add3A_146, %add3A_147 : i32
        %dma_start3A_149 = arith.constant 0 : i32
        %dma_start3A_150 = tpu.memref_slice %arg7[%add3A_148, %dma_start3A_149] : memref<80x128xi32, #tpu.memory_space<vmem>> -> memref<1x128xi32, #tpu.memory_space<vmem>>
        %dma_start3A_151 = tpu.memref_squeeze %dma_start3A_150 : memref<1x128xi32, #tpu.memory_space<vmem>> -> memref<128xi32, #tpu.memory_space<vmem>>
        %dma_start3A_152 = arith.constant 0 : i32
        %dma_start3A_153 = arith.constant 0 : i32
        %dma_start3A_154 = tpu.memref_slice %arg2[%dma_start3A_152, %dma_start3A_153] : memref<10112x32xf32, #tpu.memory_space<hbm>> -> memref<10112x32xf32, #tpu.memory_space<hbm>>
        tpu.enqueue_indirect_dma source(%dma_start3A_154 : memref<10112x32xf32, #tpu.memory_space<hbm>>) target(%arg9 : memref<128x32xf32, #tpu.memory_space<vmem>>) offsets(%dma_start3A_151 : memref<128xi32, #tpu.memory_space<vmem>>) semaphore(%arg14 : memref<!tpu.dma_semaphore, #tpu.memory_space<semaphore_mem>>)
        %dma_wait3A_155 = arith.constant 0 : i32
        %dma_wait3A_156 = arith.constant 0 : i32
        %dma_wait3A_157 = tpu.memref_slice %arg8[%dma_wait3A_155, %dma_wait3A_156] : memref<80x128xi32, #tpu.memory_space<vmem>> -> memref<1x128xi32, #tpu.memory_space<vmem>>
        %dma_wait3A_158 = tpu.memref_squeeze %dma_wait3A_157 : memref<1x128xi32, #tpu.memory_space<vmem>> -> memref<128xi32, #tpu.memory_space<vmem>>
        %dma_wait3A_159 = arith.constant 0 : i32
        %dma_wait3A_160 = arith.constant 0 : i32
        %dma_wait3A_161 = tpu.memref_slice %arg13[%dma_wait3A_159, %dma_wait3A_160] : memref<10112x32xf32, #tpu.memory_space<vmem_shared>> -> memref<10112x32xf32, #tpu.memory_space<vmem_shared>>
        tpu.wait_indirect_dma semaphore(%arg19 : memref<!tpu.dma_semaphore, #tpu.memory_space<semaphore_mem>>) src(%arg10 : memref<128x32xf32, #tpu.memory_space<vmem>>) dst(%dma_wait3A_161 : memref<10112x32xf32, #tpu.memory_space<vmem_shared>>)
        %add3A_162 = arith.constant 4 : i32
        %add3A_163 = arith.addi %mul3A_75, %add3A_162 : i32
        %add3A_164 = arith.constant 1 : i32
        %add3A_165 = arith.addi %add3A_163, %add3A_164 : i32
        %dma_start3A_166 = arith.constant 0 : i32
        %dma_start3A_167 = tpu.memref_slice %arg7[%add3A_165, %dma_start3A_166] : memref<80x128xi32, #tpu.memory_space<vmem>> -> memref<1x128xi32, #tpu.memory_space<vmem>>
        %dma_start3A_168 = tpu.memref_squeeze %dma_start3A_167 : memref<1x128xi32, #tpu.memory_space<vmem>> -> memref<128xi32, #tpu.memory_space<vmem>>
        %dma_start3A_169 = arith.constant 0 : i32
        %dma_start3A_170 = arith.constant 0 : i32
        %dma_start3A_171 = tpu.memref_slice %arg2[%dma_start3A_169, %dma_start3A_170] : memref<10112x32xf32, #tpu.memory_space<hbm>> -> memref<10112x32xf32, #tpu.memory_space<hbm>>
        tpu.enqueue_indirect_dma source(%dma_start3A_171 : memref<10112x32xf32, #tpu.memory_space<hbm>>) target(%arg10 : memref<128x32xf32, #tpu.memory_space<vmem>>) offsets(%dma_start3A_168 : memref<128xi32, #tpu.memory_space<vmem>>) semaphore(%arg15 : memref<!tpu.dma_semaphore, #tpu.memory_space<semaphore_mem>>)
        %dma_wait3A_172 = arith.constant 0 : i32
        %dma_wait3A_173 = arith.constant 0 : i32
        %dma_wait3A_174 = tpu.memref_slice %arg8[%dma_wait3A_172, %dma_wait3A_173] : memref<80x128xi32, #tpu.memory_space<vmem>> -> memref<1x128xi32, #tpu.memory_space<vmem>>
        %dma_wait3A_175 = tpu.memref_squeeze %dma_wait3A_174 : memref<1x128xi32, #tpu.memory_space<vmem>> -> memref<128xi32, #tpu.memory_space<vmem>>
        %dma_wait3A_176 = arith.constant 0 : i32
        %dma_wait3A_177 = arith.constant 0 : i32
        %dma_wait3A_178 = tpu.memref_slice %arg13[%dma_wait3A_176, %dma_wait3A_177] : memref<10112x32xf32, #tpu.memory_space<vmem_shared>> -> memref<10112x32xf32, #tpu.memory_space<vmem_shared>>
        tpu.wait_indirect_dma semaphore(%arg20 : memref<!tpu.dma_semaphore, #tpu.memory_space<semaphore_mem>>) src(%arg11 : memref<128x32xf32, #tpu.memory_space<vmem>>) dst(%dma_wait3A_178 : memref<10112x32xf32, #tpu.memory_space<vmem_shared>>)
        %add3A_179 = arith.constant 4 : i32
        %add3A_180 = arith.addi %mul3A_75, %add3A_179 : i32
        %add3A_181 = arith.constant 2 : i32
        %add3A_182 = arith.addi %add3A_180, %add3A_181 : i32
        %dma_start3A_183 = arith.constant 0 : i32
        %dma_start3A_184 = tpu.memref_slice %arg7[%add3A_182, %dma_start3A_183] : memref<80x128xi32, #tpu.memory_space<vmem>> -> memref<1x128xi32, #tpu.memory_space<vmem>>
        %dma_start3A_185 = tpu.memref_squeeze %dma_start3A_184 : memref<1x128xi32, #tpu.memory_space<vmem>> -> memref<128xi32, #tpu.memory_space<vmem>>
        %dma_start3A_186 = arith.constant 0 : i32
        %dma_start3A_187 = arith.constant 0 : i32
        %dma_start3A_188 = tpu.memref_slice %arg2[%dma_start3A_186, %dma_start3A_187] : memref<10112x32xf32, #tpu.memory_space<hbm>> -> memref<10112x32xf32, #tpu.memory_space<hbm>>
        tpu.enqueue_indirect_dma source(%dma_start3A_188 : memref<10112x32xf32, #tpu.memory_space<hbm>>) target(%arg11 : memref<128x32xf32, #tpu.memory_space<vmem>>) offsets(%dma_start3A_185 : memref<128xi32, #tpu.memory_space<vmem>>) semaphore(%arg16 : memref<!tpu.dma_semaphore, #tpu.memory_space<semaphore_mem>>)
        %dma_wait3A_189 = arith.constant 0 : i32
        %dma_wait3A_190 = arith.constant 0 : i32
        %dma_wait3A_191 = tpu.memref_slice %arg8[%dma_wait3A_189, %dma_wait3A_190] : memref<80x128xi32, #tpu.memory_space<vmem>> -> memref<1x128xi32, #tpu.memory_space<vmem>>
        %dma_wait3A_192 = tpu.memref_squeeze %dma_wait3A_191 : memref<1x128xi32, #tpu.memory_space<vmem>> -> memref<128xi32, #tpu.memory_space<vmem>>
        %dma_wait3A_193 = arith.constant 0 : i32
        %dma_wait3A_194 = arith.constant 0 : i32
        %dma_wait3A_195 = tpu.memref_slice %arg13[%dma_wait3A_193, %dma_wait3A_194] : memref<10112x32xf32, #tpu.memory_space<vmem_shared>> -> memref<10112x32xf32, #tpu.memory_space<vmem_shared>>
        tpu.wait_indirect_dma semaphore(%arg21 : memref<!tpu.dma_semaphore, #tpu.memory_space<semaphore_mem>>) src(%arg12 : memref<128x32xf32, #tpu.memory_space<vmem>>) dst(%dma_wait3A_195 : memref<10112x32xf32, #tpu.memory_space<vmem_shared>>)
        %add3A_196 = arith.constant 4 : i32
        %add3A_197 = arith.addi %mul3A_75, %add3A_196 : i32
        %add3A_198 = arith.constant 3 : i32
        %add3A_199 = arith.addi %add3A_197, %add3A_198 : i32
        %dma_start3A_200 = arith.constant 0 : i32
        %dma_start3A_201 = tpu.memref_slice %arg7[%add3A_199, %dma_start3A_200] : memref<80x128xi32, #tpu.memory_space<vmem>> -> memref<1x128xi32, #tpu.memory_space<vmem>>
        %dma_start3A_202 = tpu.memref_squeeze %dma_start3A_201 : memref<1x128xi32, #tpu.memory_space<vmem>> -> memref<128xi32, #tpu.memory_space<vmem>>
        %dma_start3A_203 = arith.constant 0 : i32
        %dma_start3A_204 = arith.constant 0 : i32
        %dma_start3A_205 = tpu.memref_slice %arg2[%dma_start3A_203, %dma_start3A_204] : memref<10112x32xf32, #tpu.memory_space<hbm>> -> memref<10112x32xf32, #tpu.memory_space<hbm>>
        tpu.enqueue_indirect_dma source(%dma_start3A_205 : memref<10112x32xf32, #tpu.memory_space<hbm>>) target(%arg12 : memref<128x32xf32, #tpu.memory_space<vmem>>) offsets(%dma_start3A_202 : memref<128xi32, #tpu.memory_space<vmem>>) semaphore(%arg17 : memref<!tpu.dma_semaphore, #tpu.memory_space<semaphore_mem>>)
      } else {
      }
    }
    %scan3A_40 = arith.constant 20 : i32
    %dma_wait3A = arith.constant 0 : i32
    %dma_wait3A_41 = arith.constant 0 : i32
    %dma_wait3A_42 = tpu.memref_slice %arg8[%dma_wait3A, %dma_wait3A_41] : memref<80x128xi32, #tpu.memory_space<vmem>> -> memref<1x128xi32, #tpu.memory_space<vmem>>
    %dma_wait3A_43 = tpu.memref_squeeze %dma_wait3A_42 : memref<1x128xi32, #tpu.memory_space<vmem>> -> memref<128xi32, #tpu.memory_space<vmem>>
    %dma_wait3A_44 = arith.constant 0 : i32
    %dma_wait3A_45 = arith.constant 0 : i32
    %dma_wait3A_46 = tpu.memref_slice %arg13[%dma_wait3A_44, %dma_wait3A_45] : memref<10112x32xf32, #tpu.memory_space<vmem_shared>> -> memref<10112x32xf32, #tpu.memory_space<vmem_shared>>
    tpu.wait_indirect_dma semaphore(%arg18 : memref<!tpu.dma_semaphore, #tpu.memory_space<semaphore_mem>>) src(%arg9 : memref<128x32xf32, #tpu.memory_space<vmem>>) dst(%dma_wait3A_46 : memref<10112x32xf32, #tpu.memory_space<vmem_shared>>)
    %dma_wait3A_47 = arith.constant 0 : i32
    %dma_wait3A_48 = arith.constant 0 : i32
    %dma_wait3A_49 = tpu.memref_slice %arg8[%dma_wait3A_47, %dma_wait3A_48] : memref<80x128xi32, #tpu.memory_space<vmem>> -> memref<1x128xi32, #tpu.memory_space<vmem>>
    %dma_wait3A_50 = tpu.memref_squeeze %dma_wait3A_49 : memref<1x128xi32, #tpu.memory_space<vmem>> -> memref<128xi32, #tpu.memory_space<vmem>>
    %dma_wait3A_51 = arith.constant 0 : i32
    %dma_wait3A_52 = arith.constant 0 : i32
    %dma_wait3A_53 = tpu.memref_slice %arg13[%dma_wait3A_51, %dma_wait3A_52] : memref<10112x32xf32, #tpu.memory_space<vmem_shared>> -> memref<10112x32xf32, #tpu.memory_space<vmem_shared>>
    tpu.wait_indirect_dma semaphore(%arg19 : memref<!tpu.dma_semaphore, #tpu.memory_space<semaphore_mem>>) src(%arg10 : memref<128x32xf32, #tpu.memory_space<vmem>>) dst(%dma_wait3A_53 : memref<10112x32xf32, #tpu.memory_space<vmem_shared>>)
    %dma_wait3A_54 = arith.constant 0 : i32
    %dma_wait3A_55 = arith.constant 0 : i32
    %dma_wait3A_56 = tpu.memref_slice %arg8[%dma_wait3A_54, %dma_wait3A_55] : memref<80x128xi32, #tpu.memory_space<vmem>> -> memref<1x128xi32, #tpu.memory_space<vmem>>
    %dma_wait3A_57 = tpu.memref_squeeze %dma_wait3A_56 : memref<1x128xi32, #tpu.memory_space<vmem>> -> memref<128xi32, #tpu.memory_space<vmem>>
    %dma_wait3A_58 = arith.constant 0 : i32
    %dma_wait3A_59 = arith.constant 0 : i32
    %dma_wait3A_60 = tpu.memref_slice %arg13[%dma_wait3A_58, %dma_wait3A_59] : memref<10112x32xf32, #tpu.memory_space<vmem_shared>> -> memref<10112x32xf32, #tpu.memory_space<vmem_shared>>
    tpu.wait_indirect_dma semaphore(%arg20 : memref<!tpu.dma_semaphore, #tpu.memory_space<semaphore_mem>>) src(%arg11 : memref<128x32xf32, #tpu.memory_space<vmem>>) dst(%dma_wait3A_60 : memref<10112x32xf32, #tpu.memory_space<vmem_shared>>)
    %dma_wait3A_61 = arith.constant 0 : i32
    %dma_wait3A_62 = arith.constant 0 : i32
    %dma_wait3A_63 = tpu.memref_slice %arg8[%dma_wait3A_61, %dma_wait3A_62] : memref<80x128xi32, #tpu.memory_space<vmem>> -> memref<1x128xi32, #tpu.memory_space<vmem>>
    %dma_wait3A_64 = tpu.memref_squeeze %dma_wait3A_63 : memref<1x128xi32, #tpu.memory_space<vmem>> -> memref<128xi32, #tpu.memory_space<vmem>>
    %dma_wait3A_65 = arith.constant 0 : i32
    %dma_wait3A_66 = arith.constant 0 : i32
    %dma_wait3A_67 = tpu.memref_slice %arg13[%dma_wait3A_65, %dma_wait3A_66] : memref<10112x32xf32, #tpu.memory_space<vmem_shared>> -> memref<10112x32xf32, #tpu.memory_space<vmem_shared>>
    tpu.wait_indirect_dma semaphore(%arg21 : memref<!tpu.dma_semaphore, #tpu.memory_space<semaphore_mem>>) src(%arg12 : memref<128x32xf32, #tpu.memory_space<vmem>>) dst(%dma_wait3A_67 : memref<10112x32xf32, #tpu.memory_space<vmem_shared>>)
    %barrier3A_68 = arith.constant 0 : index
    tpu.barrier barrier_id(%barrier3A_68)
    %mul3A_69 = arith.constant 632 : i32
    %mul3A_70 = arith.muli %arg1, %mul3A_69 : i32
    %mul3A_71 = arith.constant 632 : i32
    %mul3A_72 = arith.muli %arg1, %mul3A_71 : i32
    "tpu.region"() ({
      %run_scoped3A = tpu.sem_alloc : memref<!tpu.dma_semaphore, #tpu.memory_space<semaphore_mem>>
      %dma_start3A_73 = arith.constant 0 : i32
      %dma_start3A_74 = arith.constant 0 : i32
      %dma_start3A_75 = tpu.memref_slice %arg6[%arg0, %dma_start3A_73, %dma_start3A_74] : memref<2x10112x32xf32, #tpu.memory_space<hbm>> -> memref<1x10112x32xf32, #tpu.memory_space<hbm>>
      %dma_start3A_76 = tpu.memref_squeeze %dma_start3A_75 : memref<1x10112x32xf32, #tpu.memory_space<hbm>> -> memref<10112x32xf32, #tpu.memory_space<hbm>>
      %dma_start3A_77 = arith.constant 0 : i32
      %dma_start3A_78 = tpu.memref_slice %dma_start3A_76[%mul3A_72, %dma_start3A_77] : memref<10112x32xf32, #tpu.memory_space<hbm>> -> memref<632x32xf32, #tpu.memory_space<hbm>>
      %dma_start3A_79 = arith.constant 0 : i32
      %dma_start3A_80 = tpu.memref_slice %arg13[%mul3A_70, %dma_start3A_79] : memref<10112x32xf32, #tpu.memory_space<vmem_shared>> -> memref<632x32xf32, #tpu.memory_space<vmem_shared>>
      tpu.enqueue_dma source(%dma_start3A_80 : memref<632x32xf32, #tpu.memory_space<vmem_shared>>) target(%dma_start3A_78 : memref<632x32xf32, #tpu.memory_space<hbm>>) target_semaphore(%run_scoped3A : memref<!tpu.dma_semaphore, #tpu.memory_space<semaphore_mem>>)
      %dma_wait3A_81 = arith.constant 0 : i32
      %dma_wait3A_82 = arith.constant 0 : i32
      %dma_wait3A_83 = tpu.memref_slice %arg6[%arg0, %dma_wait3A_81, %dma_wait3A_82] : memref<2x10112x32xf32, #tpu.memory_space<hbm>> -> memref<1x10112x32xf32, #tpu.memory_space<hbm>>
      %dma_wait3A_84 = tpu.memref_squeeze %dma_wait3A_83 : memref<1x10112x32xf32, #tpu.memory_space<hbm>> -> memref<10112x32xf32, #tpu.memory_space<hbm>>
      %dma_wait3A_85 = arith.constant 0 : i32
      %dma_wait3A_86 = tpu.memref_slice %dma_wait3A_84[%mul3A_72, %dma_wait3A_85] : memref<10112x32xf32, #tpu.memory_space<hbm>> -> memref<632x32xf32, #tpu.memory_space<hbm>>
      %dma_wait3A_87 = arith.constant 0 : i32
      %dma_wait3A_88 = tpu.memref_slice %arg13[%mul3A_70, %dma_wait3A_87] : memref<10112x32xf32, #tpu.memory_space<vmem_shared>> -> memref<632x32xf32, #tpu.memory_space<vmem_shared>>
      tpu.wait_dma2 semaphore(%run_scoped3A : memref<!tpu.dma_semaphore, #tpu.memory_space<semaphore_mem>>) src(%dma_wait3A_88 : memref<632x32xf32, #tpu.memory_space<vmem_shared>>) dst(%dma_wait3A_86 : memref<632x32xf32, #tpu.memory_space<hbm>>)
      tpu.yield
    }) : () -> ()
    return
  }
}

module attributes {stable_mosaic.version = 14 : i64} {
  func.func @_mm_body(%arg0: memref<10112x128xf32, #tpu.memory_space<vmem>>, %arg1: memref<128x32xf32, #tpu.memory_space<vmem>>, %arg2: memref<10112x32xf32, #tpu.memory_space<vmem>>) attributes {dimension_semantics = [], scalar_prefetch = 0 : i64, scratch_operands = 0 : i64, tpu.core_type = #tpu.core_type<tc>} {
    %get3A = arith.constant 0 : index
    %get3A_0 = arith.constant 0 : index
    %get3A_1 = vector.load %arg0[%get3A, %get3A_0] : memref<10112x128xf32, #tpu.memory_space<vmem>>, vector<10112x128xf32>
    %get3A_2 = arith.constant 0 : index
    %get3A_3 = arith.constant 0 : index
    %get3A_4 = vector.load %arg1[%get3A_2, %get3A_3] : memref<128x32xf32, #tpu.memory_space<vmem>>, vector<128x32xf32>
    %dot_general3A = arith.constant dense<0.000000e+00> : vector<10112x32xf32>
    %dot_general3A_5 = tpu.matmul %get3A_1, %get3A_4, %dot_general3A {dimension_numbers = #tpu.dot_dimension_numbers<[1], [0], [0], [1], [0, 0, 1, 1], [], []>, transpose_lhs_hint = false} : vector<10112x128xf32>, vector<128x32xf32>, vector<10112x32xf32> -> vector<10112x32xf32>
    %swap3A = arith.constant 0 : index
    %swap3A_6 = arith.constant 0 : index
    %swap3A_7 = vector.load %arg2[%swap3A, %swap3A_6] : memref<10112x32xf32, #tpu.memory_space<vmem>>, vector<10112x32xf32>
    tpu.vector_store %arg2[%swap3A, %swap3A_6], %dot_general3A_5 {strides = array<i32>} : memref<10112x32xf32, #tpu.memory_space<vmem>>, vector<10112x32xf32>,
    return
  }
}

module attributes {stable_mosaic.version = 14 : i64} {
  func.func @_scale_body(%arg0: memref<2x10112x16xf32, #tpu.memory_space<vmem>>, %arg1: memref<10112x32xf32, #tpu.memory_space<vmem>>, %arg2: memref<10112x32xf32, #tpu.memory_space<vmem>>) attributes {dimension_semantics = [], scalar_prefetch = 0 : i64, scratch_operands = 0 : i64, tpu.core_type = #tpu.core_type<tc>} {
    %get3A = arith.constant 0 : index
    %get3A_0 = arith.constant 0 : index
    %get3A_1 = arith.constant 0 : index
    %get3A_2 = vector.load %arg0[%get3A, %get3A_0, %get3A_1] : memref<2x10112x16xf32, #tpu.memory_space<vmem>>, vector<1x10112x16xf32>
    %get3A_3 = vector.shape_cast %get3A_2 : vector<1x10112x16xf32> to vector<10112x16xf32>
    %get3A_4 = arith.constant 1 : index
    %get3A_5 = arith.constant 0 : index
    %get3A_6 = arith.constant 0 : index
    %get3A_7 = vector.load %arg0[%get3A_4, %get3A_5, %get3A_6] : memref<2x10112x16xf32, #tpu.memory_space<vmem>>, vector<1x10112x16xf32>
    %get3A_8 = vector.shape_cast %get3A_7 : vector<1x10112x16xf32> to vector<10112x16xf32>
    %add3A = arith.addf %get3A_3, %get3A_8 : vector<10112x16xf32>
    %slice3A = vector.extract_strided_slice %add3A {offsets = [0, 0], sizes = [10112, 1], strides = [1, 1]} : vector<10112x16xf32> to vector<10112x1xf32>
    %gt3A = arith.constant 0.000000e+00 : f32
    %gt3A_9 = vector.broadcast %gt3A : f32 to vector<10112x1xf32>
    %gt3A_10 = arith.cmpf ogt, %slice3A, %gt3A_9 : vector<10112x1xf32>
    %max3A = arith.constant 9.99999996E-13 : f32
    %max3A_11 = vector.broadcast %max3A : f32 to vector<10112x1xf32>
    %max3A_12 = arith.maximumf %slice3A, %max3A_11 : vector<10112x1xf32>
    %rsqrt3A = math.rsqrt %max3A_12 : vector<10112x1xf32>
    %jit3A = arith.constant 0.000000e+00 : f32
    %broadcast_in_dim3A = vector.broadcast %jit3A : f32 to vector<10112x1xf32>
    %select_n3A = arith.select %gt3A_10, %rsqrt3A, %broadcast_in_dim3A : vector<10112x1xi1>, vector<10112x1xf32>
    %get3A_13 = arith.constant 0 : index
    %get3A_14 = arith.constant 0 : index
    %get3A_15 = vector.load %arg1[%get3A_13, %get3A_14] : memref<10112x32xf32, #tpu.memory_space<vmem>>, vector<10112x32xf32>
    %mul3A = vector.broadcast %select_n3A : vector<10112x1xf32> to vector<10112x32xf32>
    %mul3A_16 = arith.mulf %mul3A, %get3A_15 : vector<10112x32xf32>
    %swap3A = arith.constant 0 : index
    %swap3A_17 = arith.constant 0 : index
    %swap3A_18 = vector.load %arg2[%swap3A, %swap3A_17] : memref<10112x32xf32, #tpu.memory_space<vmem>>, vector<10112x32xf32>
    tpu.vector_store %arg2[%swap3A, %swap3A_17], %mul3A_16 {strides = array<i32>} : memref<10112x32xf32, #tpu.memory_space<vmem>>, vector<10112x32xf32>,
    return
  }
}

module attributes {stable_mosaic.version = 14 : i64} {
  func.func @_layer_body(%arg0: memref<2x10112x16xf32, #tpu.memory_space<vmem>>, %arg1: memref<2x10112x32xf32, #tpu.memory_space<vmem>>, %arg2: memref<1x32xf32, #tpu.memory_space<vmem>>, %arg3: memref<32x32xf32, #tpu.memory_space<vmem>>, %arg4: memref<10112x32xf32, #tpu.memory_space<vmem>>, %arg5: memref<10112x32xf32, #tpu.memory_space<vmem>>) attributes {dimension_semantics = [], scalar_prefetch = 0 : i64, scratch_operands = 0 : i64, tpu.core_type = #tpu.core_type<tc>} {
    %get3A = arith.constant 0 : index
    %get3A_0 = arith.constant 0 : index
    %get3A_1 = arith.constant 0 : index
    %get3A_2 = vector.load %arg0[%get3A, %get3A_0, %get3A_1] : memref<2x10112x16xf32, #tpu.memory_space<vmem>>, vector<1x10112x16xf32>
    %get3A_3 = vector.shape_cast %get3A_2 : vector<1x10112x16xf32> to vector<10112x16xf32>
    %get3A_4 = arith.constant 1 : index
    %get3A_5 = arith.constant 0 : index
    %get3A_6 = arith.constant 0 : index
    %get3A_7 = vector.load %arg0[%get3A_4, %get3A_5, %get3A_6] : memref<2x10112x16xf32, #tpu.memory_space<vmem>>, vector<1x10112x16xf32>
    %get3A_8 = vector.shape_cast %get3A_7 : vector<1x10112x16xf32> to vector<10112x16xf32>
    %add3A = arith.addf %get3A_3, %get3A_8 : vector<10112x16xf32>
    %slice3A = vector.extract_strided_slice %add3A {offsets = [0, 0], sizes = [10112, 1], strides = [1, 1]} : vector<10112x16xf32> to vector<10112x1xf32>
    %gt3A = arith.constant 0.000000e+00 : f32
    %gt3A_9 = vector.broadcast %gt3A : f32 to vector<10112x1xf32>
    %gt3A_10 = arith.cmpf ogt, %slice3A, %gt3A_9 : vector<10112x1xf32>
    %max3A = arith.constant 9.99999996E-13 : f32
    %max3A_11 = vector.broadcast %max3A : f32 to vector<10112x1xf32>
    %max3A_12 = arith.maximumf %slice3A, %max3A_11 : vector<10112x1xf32>
    %rsqrt3A = math.rsqrt %max3A_12 : vector<10112x1xf32>
    %jit3A = arith.constant 0.000000e+00 : f32
    %broadcast_in_dim3A = vector.broadcast %jit3A : f32 to vector<10112x1xf32>
    %select_n3A = arith.select %gt3A_10, %rsqrt3A, %broadcast_in_dim3A : vector<10112x1xi1>, vector<10112x1xf32>
    %get3A_13 = arith.constant 0 : index
    %get3A_14 = arith.constant 0 : index
    %get3A_15 = arith.constant 0 : index
    %get3A_16 = vector.load %arg1[%get3A_13, %get3A_14, %get3A_15] : memref<2x10112x32xf32, #tpu.memory_space<vmem>>, vector<1x10112x32xf32>
    %get3A_17 = vector.shape_cast %get3A_16 : vector<1x10112x32xf32> to vector<10112x32xf32>
    %get3A_18 = arith.constant 1 : index
    %get3A_19 = arith.constant 0 : index
    %get3A_20 = arith.constant 0 : index
    %get3A_21 = vector.load %arg1[%get3A_18, %get3A_19, %get3A_20] : memref<2x10112x32xf32, #tpu.memory_space<vmem>>, vector<1x10112x32xf32>
    %get3A_22 = vector.shape_cast %get3A_21 : vector<1x10112x32xf32> to vector<10112x32xf32>
    %add3A_23 = arith.addf %get3A_17, %get3A_22 : vector<10112x32xf32>
    %mul3A = vector.broadcast %select_n3A : vector<10112x1xf32> to vector<10112x32xf32>
    %mul3A_24 = arith.mulf %mul3A, %add3A_23 : vector<10112x32xf32>
    %get3A_25 = arith.constant 0 : index
    %get3A_26 = arith.constant 0 : index
    %get3A_27 = vector.load %arg2[%get3A_25, %get3A_26] : memref<1x32xf32, #tpu.memory_space<vmem>>, vector<1x32xf32>
    %add3A_28 = vector.broadcast %get3A_27 : vector<1x32xf32> to vector<10112x32xf32>
    %add3A_29 = arith.addf %mul3A_24, %add3A_28 : vector<10112x32xf32>
    %max3A_30 = arith.constant 0.000000e+00 : f32
    %max3A_31 = vector.broadcast %max3A_30 : f32 to vector<10112x32xf32>
    %max3A_32 = arith.maximumf %add3A_29, %max3A_31 : vector<10112x32xf32>
    %swap3A = arith.constant 0 : index
    %swap3A_33 = arith.constant 0 : index
    %swap3A_34 = vector.load %arg4[%swap3A, %swap3A_33] : memref<10112x32xf32, #tpu.memory_space<vmem>>, vector<10112x32xf32>
    tpu.vector_store %arg4[%swap3A, %swap3A_33], %max3A_32 {strides = array<i32>} : memref<10112x32xf32, #tpu.memory_space<vmem>>, vector<10112x32xf32>,
    %get3A_35 = arith.constant 0 : index
    %get3A_36 = arith.constant 0 : index
    %get3A_37 = vector.load %arg3[%get3A_35, %get3A_36] : memref<32x32xf32, #tpu.memory_space<vmem>>, vector<32x32xf32>
    %dot_general3A = arith.constant dense<0.000000e+00> : vector<10112x32xf32>
    %dot_general3A_38 = tpu.matmul %max3A_32, %get3A_37, %dot_general3A {dimension_numbers = #tpu.dot_dimension_numbers<[1], [0], [0], [1], [0, 0, 1, 1], [], []>, transpose_lhs_hint = false} : vector<10112x32xf32>, vector<32x32xf32>, vector<10112x32xf32> -> vector<10112x32xf32>
    %mul3A_39 = vector.broadcast %select_n3A : vector<10112x1xf32> to vector<10112x32xf32>
    %mul3A_40 = arith.mulf %mul3A_39, %dot_general3A_38 : vector<10112x32xf32>
    %swap3A_41 = arith.constant 0 : index
    %swap3A_42 = arith.constant 0 : index
    %swap3A_43 = vector.load %arg5[%swap3A_41, %swap3A_42] : memref<10112x32xf32, #tpu.memory_space<vmem>>, vector<10112x32xf32>
    tpu.vector_store %arg5[%swap3A_41, %swap3A_42], %mul3A_40 {strides = array<i32>} : memref<10112x32xf32, #tpu.memory_space<vmem>>, vector<10112x32xf32>,
    return
  }
}

module attributes {stable_mosaic.version = 14 : i64} {
  func.func @_final_body(%arg0: memref<2x10112x16xf32, #tpu.memory_space<vmem>>, %arg1: memref<2x10112x32xf32, #tpu.memory_space<vmem>>, %arg2: memref<1x32xf32, #tpu.memory_space<vmem>>, %arg3: memref<10112x32xf32, #tpu.memory_space<vmem>>, %arg4: memref<10112x32xf32, #tpu.memory_space<vmem>>, %arg5: memref<96x16xf32, #tpu.memory_space<vmem>>, %arg6: memref<1x16xf32, #tpu.memory_space<vmem>>, %arg7: memref<10112x16xf32, #tpu.memory_space<vmem>>) attributes {dimension_semantics = [], scalar_prefetch = 0 : i64, scratch_operands = 0 : i64, tpu.core_type = #tpu.core_type<tc>} {
    %get3A = arith.constant 0 : index
    %get3A_0 = arith.constant 0 : index
    %get3A_1 = arith.constant 0 : index
    %get3A_2 = vector.load %arg0[%get3A, %get3A_0, %get3A_1] : memref<2x10112x16xf32, #tpu.memory_space<vmem>>, vector<1x10112x16xf32>
    %get3A_3 = vector.shape_cast %get3A_2 : vector<1x10112x16xf32> to vector<10112x16xf32>
    %get3A_4 = arith.constant 1 : index
    %get3A_5 = arith.constant 0 : index
    %get3A_6 = arith.constant 0 : index
    %get3A_7 = vector.load %arg0[%get3A_4, %get3A_5, %get3A_6] : memref<2x10112x16xf32, #tpu.memory_space<vmem>>, vector<1x10112x16xf32>
    %get3A_8 = vector.shape_cast %get3A_7 : vector<1x10112x16xf32> to vector<10112x16xf32>
    %add3A = arith.addf %get3A_3, %get3A_8 : vector<10112x16xf32>
    %slice3A = vector.extract_strided_slice %add3A {offsets = [0, 0], sizes = [10112, 1], strides = [1, 1]} : vector<10112x16xf32> to vector<10112x1xf32>
    %gt3A = arith.constant 0.000000e+00 : f32
    %gt3A_9 = vector.broadcast %gt3A : f32 to vector<10112x1xf32>
    %gt3A_10 = arith.cmpf ogt, %slice3A, %gt3A_9 : vector<10112x1xf32>
    %max3A = arith.constant 9.99999996E-13 : f32
    %max3A_11 = vector.broadcast %max3A : f32 to vector<10112x1xf32>
    %max3A_12 = arith.maximumf %slice3A, %max3A_11 : vector<10112x1xf32>
    %rsqrt3A = math.rsqrt %max3A_12 : vector<10112x1xf32>
    %jit3A = arith.constant 0.000000e+00 : f32
    %broadcast_in_dim3A = vector.broadcast %jit3A : f32 to vector<10112x1xf32>
    %select_n3A = arith.select %gt3A_10, %rsqrt3A, %broadcast_in_dim3A : vector<10112x1xi1>, vector<10112x1xf32>
    %get3A_13 = arith.constant 0 : index
    %get3A_14 = arith.constant 0 : index
    %get3A_15 = arith.constant 0 : index
    %get3A_16 = vector.load %arg1[%get3A_13, %get3A_14, %get3A_15] : memref<2x10112x32xf32, #tpu.memory_space<vmem>>, vector<1x10112x32xf32>
    %get3A_17 = vector.shape_cast %get3A_16 : vector<1x10112x32xf32> to vector<10112x32xf32>
    %get3A_18 = arith.constant 1 : index
    %get3A_19 = arith.constant 0 : index
    %get3A_20 = arith.constant 0 : index
    %get3A_21 = vector.load %arg1[%get3A_18, %get3A_19, %get3A_20] : memref<2x10112x32xf32, #tpu.memory_space<vmem>>, vector<1x10112x32xf32>
    %get3A_22 = vector.shape_cast %get3A_21 : vector<1x10112x32xf32> to vector<10112x32xf32>
    %add3A_23 = arith.addf %get3A_17, %get3A_22 : vector<10112x32xf32>
    %mul3A = vector.broadcast %select_n3A : vector<10112x1xf32> to vector<10112x32xf32>
    %mul3A_24 = arith.mulf %mul3A, %add3A_23 : vector<10112x32xf32>
    %get3A_25 = arith.constant 0 : index
    %get3A_26 = arith.constant 0 : index
    %get3A_27 = vector.load %arg2[%get3A_25, %get3A_26] : memref<1x32xf32, #tpu.memory_space<vmem>>, vector<1x32xf32>
    %add3A_28 = vector.broadcast %get3A_27 : vector<1x32xf32> to vector<10112x32xf32>
    %add3A_29 = arith.addf %mul3A_24, %add3A_28 : vector<10112x32xf32>
    %max3A_30 = arith.constant 0.000000e+00 : f32
    %max3A_31 = vector.broadcast %max3A_30 : f32 to vector<10112x32xf32>
    %max3A_32 = arith.maximumf %add3A_29, %max3A_31 : vector<10112x32xf32>
    %get3A_33 = arith.constant 0 : index
    %get3A_34 = arith.constant 0 : index
    %get3A_35 = vector.load %arg3[%get3A_33, %get3A_34] : memref<10112x32xf32, #tpu.memory_space<vmem>>, vector<10112x32xf32>
    %get3A_36 = arith.constant 0 : index
    %get3A_37 = arith.constant 0 : index
    %get3A_38 = vector.load %arg4[%get3A_36, %get3A_37] : memref<10112x32xf32, #tpu.memory_space<vmem>>, vector<10112x32xf32>
    %concatenate3A = tpu.concatenate %get3A_35, %get3A_38, %max3A_32 in 1 : vector<10112x32xf32>, vector<10112x32xf32>, vector<10112x32xf32> -> vector<10112x96xf32>
    %get3A_39 = arith.constant 0 : index
    %get3A_40 = arith.constant 0 : index
    %get3A_41 = vector.load %arg5[%get3A_39, %get3A_40] : memref<96x16xf32, #tpu.memory_space<vmem>>, vector<96x16xf32>
    %dot_general3A = arith.constant dense<0.000000e+00> : vector<10112x16xf32>
    %dot_general3A_42 = tpu.matmul %concatenate3A, %get3A_41, %dot_general3A {dimension_numbers = #tpu.dot_dimension_numbers<[1], [0], [0], [1], [0, 0, 1, 1], [], []>, transpose_lhs_hint = false} : vector<10112x96xf32>, vector<96x16xf32>, vector<10112x16xf32> -> vector<10112x16xf32>
    %get3A_43 = arith.constant 0 : index
    %get3A_44 = arith.constant 0 : index
    %get3A_45 = vector.load %arg6[%get3A_43, %get3A_44] : memref<1x16xf32, #tpu.memory_space<vmem>>, vector<1x16xf32>
    %add3A_46 = vector.broadcast %get3A_45 : vector<1x16xf32> to vector<10112x16xf32>
    %add3A_47 = arith.addf %dot_general3A_42, %add3A_46 : vector<10112x16xf32>
    %reduce_max3A = arith.constant dense<0xFF800000> : vector<10112xf32>
    %reduce_max3A_48 = vector.multi_reduction <maximumf>, %add3A_47, %reduce_max3A [1] : vector<10112x16xf32> to vector<10112xf32>
    %broadcast_in_dim3A_49 = vector.shape_cast %reduce_max3A_48 : vector<10112xf32> to vector<10112x1xf32>
    %sub3A = vector.broadcast %broadcast_in_dim3A_49 : vector<10112x1xf32> to vector<10112x16xf32>
    %sub3A_50 = arith.subf %add3A_47, %sub3A : vector<10112x16xf32>
    %exp3A = math.exp %sub3A_50 : vector<10112x16xf32>
    %reduce_sum3A = arith.constant dense<0.000000e+00> : vector<10112xf32>
    %reduce_sum3A_51 = vector.multi_reduction <add>, %exp3A, %reduce_sum3A [1] : vector<10112x16xf32> to vector<10112xf32>
    %broadcast_in_dim3A_52 = vector.shape_cast %reduce_sum3A_51 : vector<10112xf32> to vector<10112x1xf32>
    %log3A = math.log %broadcast_in_dim3A_52 : vector<10112x1xf32>
    %sub3A_53 = vector.broadcast %broadcast_in_dim3A_49 : vector<10112x1xf32> to vector<10112x16xf32>
    %sub3A_54 = arith.subf %add3A_47, %sub3A_53 : vector<10112x16xf32>
    %sub3A_55 = vector.broadcast %log3A : vector<10112x1xf32> to vector<10112x16xf32>
    %sub3A_56 = arith.subf %sub3A_54, %sub3A_55 : vector<10112x16xf32>
    %swap3A = arith.constant 0 : index
    %swap3A_57 = arith.constant 0 : index
    %swap3A_58 = vector.load %arg7[%swap3A, %swap3A_57] : memref<10112x16xf32, #tpu.memory_space<vmem>>, vector<10112x16xf32>
    tpu.vector_store %arg7[%swap3A, %swap3A_57], %sub3A_56 {strides = array<i32>} : memref<10112x16xf32, #tpu.memory_space<vmem>>, vector<10112x16xf32>,
    return
  }
}

</mosaic_0001>

<sc_bundles>
// kernel: kernel.11.cloned.1.call-start
scs
__scs_entry_jumppad:
0x0: {  	(pc) =	sbr.rel $0x88, $3  }
0x1: {  	(tag) =	ssettag $0x0;
	lr =	simm.s32 $0x1  }
0x2: {  	[smem:$0x3F97] =	sst lr;
	_ =	strace $0xD0000000  }
0x3: {  	_ = 	snop  }
0x4: {  	_ = 	snop  }
0x5: {  	_ = 	snop  }
0x6: {  	_ = 	snop  }
0x7: {  	_ = 	snop  }
__scs_overlays_trampoline_lowered:
0x8: {  	[smem:$0x3FA6] =	sst s0  }
0x9: {  	[smem:$0x3FA7] =	sst s1  }
0xa: {  	[smem:$0x3FA8] =	sst s2  }
0xb: {  	[smem:$0x3FA9] =	sst s3  }
0xc: {  	[smem:$0x3FAA] =	sst s4  }
0xd: {  	[smem:$0x3FAB] =	sst s5  }
0xe: {  	[smem:$0x3FAC] =	sst s6  }
0xf: {  	[smem:$0x3FAD] =	sst s7  }
0x10: {  	[smem:$0x3FAE] =	sst s8  }
0x11: {  	[smem:$0x3FAF] =	sst s9;
	s0 =	simm.s32 @!p0 $0x0  }
0x12: {  	s1 =	sld [smem:$0x3F95];
	s0 =	simm.s32 @p0 $0x1  }
0x13: {  	[smem:$0x3FB0] =	sst s0;
	s0 =	simm.s32 @!p1 $0x0  }
0x14: {  	s2 =	sld [smem:$0x3F94];
	s0 =	simm.s32 @p1 $0x1  }
0x15: {  	[smem:$0x3FB1] =	sst s0;
	s0 =	simm.s32 @!p2 $0x0  }
0x16: {  	s3 =	sld [smem:$0x3FDB];
	s0 =	simm.s32 @p2 $0x1  }
0x17: {  	s4 =	simm.s32 $0x1BF5;
	[smem:$0x3FB3] =	sst s0  }
0x18: {  	s0 =	sld [smem:$0x3F96];
	_ =	swait.ge [sflag:s4], $0x0  }
0x19: {  	s7 =	sld [smem:$0x3F97]  }
0x1a: {  	s8 =	sadd.s32 $0xFFFFE003, lr  }
0x1b: {  	s9 =	sadd.s32 $0xFFFFFEF7, lr;
	s5 =	simm.s32 $0xFFFFFFFF;
	p2 =	slt.u32 s8, $0xFFFFF086  }
0x1c: {  	p1 =	slt.u32 s9, $0xF7A;
	s5 =	simm.s32 @!p2 $0x0  }
0x1d: {  	s5 =	simm.s32 @p1 $0x1;
	p0 =	seq.s32 s7, s2  }
0x1e: {  	s7 =	smul.u32 @!p0 $0xF7A, s2;
	p2 =	seq.s32 @!p0 s5, $0x0  }
0x1f: {  	s9 =	smul.u32 $0xF7A, s1;
	s8 =	simm.s32 @!p0 $0x1BF5;
	p2 =	por !p2, p0  }
0x20: {  	[sflag:s8] =	ssyncset.s32 @!p0 $0xFFFFF086;
	s6 =	sadd.s32 @!p0 s3, s7;
	s7 =	simm.s32 @!p0 $0x108  }
0x21: {  	s3 =	sadd.s32 s3, s9;
	s6 =	sadd.s32 @!p0 $0x88, s6;
	s7 =	simm.s32 @p2 $0x1082  }
0x22: {  	[simem:s7], [sflag:s8] =	dma.local @!p0 [hbm:s6], $0xF7A  }
0x23: {  	s9 =	sor.u32 $0xD0000000, s2;
	s6 =	simm.s32 $0x108;
	_ =	swait.ge @!p0 [sflag:s8], $0x0  }
0x24: {  	s3 =	sadd.s32 $0x88, s3;
	s6 =	simm.s32 @!p1 $0x1082;
	[sflag:s4] =	ssyncset.s32 $0xFFFFF086  }
0x25: {  	[simem:s6], [sflag:s4] =	dma.local [hbm:s3], $0xF7A  }
0x26: {  	[smem:$0x3F97] =	sst s1;
	(tag) =	ssettag s2;
	_ =	strace s9  }
0x27: {  	s1 =	sld [smem:$0x3FA7]  }
0x28: {  	s2 =	sld [smem:$0x3FA8]  }
0x29: {  	s4 =	sld [smem:$0x3FAA]  }
0x2a: {  	p0 =	seq.s32 s5, $0x0;
	s5 =	sld [smem:$0x3FAB]  }
0x2b: {  	s6 =	sld [smem:$0x3FAC]  }
0x2c: {  	s7 =	sld [smem:$0x3FAD]  }
0x2d: {  	s3 =	simm.s32 $0x108;
	s8 =	sld [smem:$0x3FAE]  }
0x2e: {  	s3 =	simm.s32 @!p0 $0x1082;
	s9 =	sld [smem:$0x3FAF]  }
0x2f: {  	lr =	sadd.s32 s0, s3;
	s0 =	sld [smem:$0x3FA6]  }
0x30: {  	s3 =	sld [smem:$0x3FA9]  }
0x31: {  	[smem:$0x3FB2] =	sst s10  }
0x32: {  	s10 =	sld [smem:$0x3FB0];
	_ =	sdelay $0x3  }
0x33: {  	p0 =	seq.s32 s10, $0x1;
	s10 =	sld [smem:$0x3FB2];
	_ =	sdelay $0x3  }
0x34: {  	[smem:$0x3FB2] =	sst s10  }
0x35: {  	s10 =	sld [smem:$0x3FB1];
	_ =	sdelay $0x3  }
0x36: {  	p1 =	seq.s32 s10, $0x1;
	s10 =	sld [smem:$0x3FB2];
	_ =	sdelay $0x3  }
0x37: {  	[smem:$0x3FB2] =	sst s10  }
0x38: {  	s10 =	sld [smem:$0x3FB3]  }
0x39: {  	_ = 	snop;
	(pc) =	sbr.ind lr, $3  }
0x3a: {  	_ = 	snop  }
0x3b: {  	_ = 	snop  }
0x3c: {  	p2 =	seq.s32 s10, $0x1;
	s10 =	sld [smem:$0x3FB2]  }
0x3d: {  	_ =	shalt  }
0x3e: {  	_ =	shalt  }
0x3f: {  	_ =	shalt  }
0x40: {  	_ =	shalt  }
0x41: {  	_ =	shalt  }
0x42: {  	_ =	shalt  }
0x43: {  	_ =	shalt  }
0x44: {  	_ =	shalt  }
0x45: {  	_ =	shalt  }
0x46: {  	_ =	shalt  }
0x47: {  	_ =	shalt  }
0x48: {  	_ =	shalt  }
0x49: {  	_ =	shalt  }
0x4a: {  	_ =	shalt  }
0x4b: {  	_ =	shalt  }
0x4c: {  	_ =	shalt  }
0x4d: {  	_ =	shalt  }
0x4e: {  	_ =	shalt  }
0x4f: {  	_ =	shalt  }
0x50: {  	_ =	shalt  }
0x51: {  	_ =	shalt  }
0x52: {  	_ =	shalt  }
0x53: {  	_ =	shalt  }
0x54: {  	_ =	shalt  }
0x55: {  	_ =	shalt  }
0x56: {  	_ =	shalt  }
0x57: {  	_ =	shalt  }
0x58: {  	_ =	shalt  }
0x59: {  	_ =	shalt  }
0x5a: {  	_ =	shalt  }
0x5b: {  	_ =	shalt  }
0x5c: {  	_ =	shalt  }
0x5d: {  	_ =	shalt  }
0x5e: {  	_ =	shalt  }
0x5f: {  	_ =	shalt  }
0x60: {  	_ =	shalt  }
0x61: {  	_ =	shalt  }
0x62: {  	_ =	shalt  }
0x63: {  	_ =	shalt  }
0x64: {  	_ =	shalt  }
0x65: {  	_ =	shalt  }
0x66: {  	_ =	shalt  }
0x67: {  	_ =	shalt  }
0x68: {  	_ =	shalt  }
0x69: {  	_ =	shalt  }
0x6a: {  	_ =	shalt  }
0x6b: {  	_ =	shalt  }
0x6c: {  	_ =	shalt  }
0x6d: {  	_ =	shalt  }
0x6e: {  	_ =	shalt  }
0x6f: {  	_ =	shalt  }
0x70: {  	_ =	shalt  }
0x71: {  	_ =	shalt  }
0x72: {  	_ =	shalt  }
0x73: {  	_ =	shalt  }
0x74: {  	_ =	shalt  }
0x75: {  	_ =	shalt  }
0x76: {  	_ =	shalt  }
0x77: {  	_ =	shalt  }
0x78: {  	_ =	shalt  }
0x79: {  	_ =	shalt  }
0x7a: {  	_ =	shalt  }
0x7b: {  	_ =	shalt  }
0x7c: {  	_ =	shalt  }
0x7d: {  	_ =	shalt  }
0x7e: {  	_ =	shalt  }
0x7f: {  	_ =	shalt  }
0x80: {  	_ =	shalt  }
0x81: {  	_ =	shalt  }
0x82: {  	_ =	shalt  }
0x83: {  	_ =	shalt  }
0x84: {  	_ =	shalt  }
0x85: {  	_ =	shalt  }
0x86: {  	_ =	shalt  }
0x87: {  	_ =	shalt  }
.Lfunc_end0:
.L_simem_size_0:
called_computation_lowered:
.L_overlay_start_0:
0x88: {  	s2 =	sld [smem:$0x3FD9]  }
0x89: {  	s3 =	sld [smem:$0x3FFE];
	_ =	sdelay $0x1  }
0x8a: {  	s1 =	srdreg.scid  }
0x8b: {  	s0 =	sand.u32 $0x1, s1  }
0x8c: {  	s17 =	sshll.u32 s0, $0xA;
	s2 =	sadd.s32 s3, s2  }
0x8d: {  	s2 =	sadd.s32 s2, s17  }
0x8e: {  	[smem:$0x3FBE] =	sst s2  }
0x8f: {  	_ = 	snop  }
0x90: {  	s2 =	sld [smem:$0x3FD0];
	(tm) =	ssettm $0x1  }
0x91: {  	s18 =	sld [smem:$0x3FFB];
	_ =	sdelay $0x3  }
0x92: {  	_ =	strace s18  }
0x93: {  	s3 =	sld [smem:$0x3FFC];
	_ =	sdelay $0x3  }
0x94: {  	_ =	strace s3  }
0x95: {  	s3 =	sld [smem:$0x3FFD];
	_ =	sdelay $0x3  }
0x96: {  	_ =	strace s3  }
0x97: {  	_ =	strace $0x8FFFFFFF  }
0x98: {  	s19 =	sld [smem:$0x3FDB];
	_ =	sdelay $0x1  }
0x99: {  	s4 =	simm.s32 $_scs_section_size  }
0x9a: {  	s5 =	simm.s32 $_size__tile_overlayer_lowered;
	s6 =	simm.s32 $_tile_overlayer_lowered  }
0x9b: {  	s22 =	simm.s32 $0x1BFF;
	s21 =	sshll.u32 s6, $0x1;
	s3 =	sadd.s32 s4, s19  }
0x9c: {  	s7 =	simm.s32 $0x0;
	s20 =	sshll.u32 s5, $0x1;
	s5 =	sadd.s32 s21, s3  }
0x9d: {  	[timem:s7], [sflag:s22] =	dma.local [hbm:s5], s20  }
0x9e: {  	_ =	swait.ge [sflag:s22], s20  }
0x9f: {  	s4 =	ssub.s32 $0x0, s20;
	[sflag:s22] =	ssyncset.done $0x0  }
0xa0: {  	[sflag:s22] =	ssyncadd.s32 s4;
	_ =	sdelay $0x1  }
0xa1: {  	s23 =	simm.s32 $0x1B8B  }
0xa2: {  	_ =	swait.ge [sflag:s23], $0x1  }
0xa3: {  	[sflag:s23] =	ssyncset.done $0x0  }
0xa4: {  	s25 =	simm.s32 $0x1B8E;
	s24 =	sld [smem:$0x3FFE];
	[sflag:s23] =	ssyncadd.s32 $0xFFFFFFFF  }
0xa5: {  	s26 =	simm.s32 $execute0_lowered;
	[smem:$0x3FD2] =	sst s25  }
0xa6: {  	s5 =	sshll.u32 s26, $0x1;
	_ =	strace $0x80000046;
	[dreg:$0x1] =	wrdreg $0xFFFFFFFF  }
0xa7: {  	s28 =	simm.s32 $_size_execute0_lowered;
	s3 =	sadd.s32 s3, s5;
	[dreg:$0x0] =	wrdreg $0x0  }
0xa8: {  	s5 =	sshll.u32 s28, $0x1;
	[dreg:$0x2] =	wrdreg s3  }
0xa9: {  	[dreg:$0x3] =	wrdreg s5  }
0xaa: {  	[dreg:$0x4] =	wrdreg $0xC0  }
0xab: {  	_ =	task [dreg:s7], $0x5FFFF  }
0xac: {  	[dreg:$0x1] =	wrdreg $0xFFFFFFFF  }
0xad: {  	[dreg:$0x0] =	wrdreg $0x60  }
0xae: {  	[dreg:$0x2] =	wrdreg s2  }
0xaf: {  	[dreg:$0x3] =	wrdreg s24  }
0xb0: {  	[dreg:$0x4] =	wrdreg $0x70000  }
0xb1: {  	[dreg:$0x5] =	wrdreg $0x9  }
0xb2: {  	_ =	task.clear_ibuf [dreg:s7], $0x6FFFF;
	_ =	strace $0x90000046  }
0xb3: {  	s29 =	simm.s32 $0x9;
	_ =	strace $0x80000048  }
0xb4: {  	_ =	swait.ge [sflag:s29], $0x1  }
0xb5: {  	[sflag:s29] =	ssyncadd.s32 $0xFFFFFFFF  }
0xb6: {  	_ =	strace $0x90000048  }
0xb7: {  	_ =	sfence  }
0xb8: {  	s30 =	sld [smem:$0x0];
	_ =	sdelay $0x2  }
0xb9: {  	s31 =	sshll.u32 s1, $0xD;
	s1 =	sshrl.u32 s1, $0x2  }
0xba: {  	s3 =	sand.u32 $0x4000, s31;
	s1 =	sadd.s32 s1, s30  }
0xbb: {  	s0 =	sor.u32 s3, s0;
	s1 =	sshll.u32 s1, $0x11  }
0xbc: {  	s0 =	sor.u32 s1, s0  }
0xbd: {  	s0 =	sadd.s32 $0x8F2B, s0  }
0xbe: {  	[sflag:s0] =	ssyncadd.remote.s32 $0x1  }
0xbf: {  	_ =	sfence.sel $0xFFFF  }
0xc0: {  	[dreg:$0x0] =	wrdreg $0xFFFFFFFF;
	(pc) =	sbr.abs _section_cstart, $3  }
0xc1: {  	[dreg:$0x1] =	wrdreg $0xFFFFFFFF  }
0xc2: {  	_ =	task.clear_ibuf [dreg:s7], $0x2FFFF;
	_ =	strace $0x9FFFFFFF  }
0xc3: {  	(tm) =	ssettm $0x7FFFFFFF  }
tec
execute0_lowered:
.L_overlay_start_1:
0x0: {  	(tag) =	ssettag $0x1  }
0x1: {  	s0 =	srdreg.scid;
	s1 =	rddreg [dreg:$0x0]  }
0x2: {  	s2 =	rddreg [dreg:$0x1];
	s9 =	stileid.u32  }
0x3: {  	s3 =	rddreg [dreg:$0x2];
	s11 =	simm.s32 $0x9;
	s13 =	simm.s32 $0x80  }
0x4: {  	s14 =	simm.s32 $0x5000;
	s15 =	simm.s32 $0x5800;
	s17 =	simm.s32 $0x6000  }
0x5: {  	s19 =	simm.s32 $0x6800;
	s20 =	simm.s32 $0x1;
	s21 =	simm.s32 $0x2  }
0x6: {  	s22 =	simm.s32 $0x3;
	s23 =	simm.s32 $0x4;
	s28 =	simm.s32 $0x7  }
0x7: {  	s29 =	simm.s32 $0x8;
	s31 =	simm.s32 $0x4E80;
	s0 =	sand.u32 $0x1, s0  }
0x8: {  	s6 =	smul.u32 $0x2780, s9;
	s30 =	sshll.u32 s9, $0x6;
	s4 =	sshll.u32 s0, $0x4  }
0x9: {  	s7 =	smul.u32 $0x4F00, s0;
	s0 =	ssub.s32 $0x2, s0;
	s5 =	sor.u32 s9, s4  }
0xa: {  	s4 =	simm.s32 $0x0;
	s12 =	sshrl.u32 s6, $0x3;
	s26 =	sshrl.u32 s0, $0x1  }
0xb: {  	s10 =	sadd.s32 s6, s3;
	s6 =	sor.u32 $0x1C09, s30;
	s5 =	smul.u32 $0x500, s5  }
0xc: {  	[smem:$0x7FF] =	sst s4;
	s25 =	sadd.s32 s12, s2;
	s0 =	ssub.s32 s0, s26  }
0xd: {  	s10 =	sshrl.u32 s10, $0x3;
	s26 =	simm.s32 $0x6;
	_ =	strace $0x80000047  }
0xe: {  	s9 =	smax.u32 s0, $0x1;
	s0 =	simm.s32 $0x4F80;
	s8 =	sadd.s32 s5, s2  }
0xf: {  	s2 =	sadd.s32 s7, s2;
	s5 =	sadd.s32 $0x16200, s25;
	s25 =	simm.s32 $0x5  }
0x10: {  	s7 =	sadd.s32 $0xC200, s8;
	s8 =	sadd.s32 $0x2200, s8;
	s2 =	sadd.s32 $0x1B200, s2  }
0x11: {  	s24 =	sadd.s32 s12, s2;
	s2 =	simm.s32 $0x4F00;
	s12 =	simm.s32 $0x0  }
.LBB2_1:
0x12: {  	[spmem:s10], [sflag:s6] =	dma.local [hbm:s5], $0x4F0  }
0x13: {  	_ =	swait.ge [sflag:s11], $0x4F0  }
0x14: {  	[sflag:s11] =	ssyncset.done $0x0  }
0x15: {  	[sflag:s11] =	ssyncadd.s32 $0xFFFFFB10  }
0x16: {  	[tilespmem:s4], [sflag:$0x9] =	stream.linear.gather [hbm4b:s7+s4], $0x2800, $0x38;
	[tilespmem:$0x9780] =	vst v63  }
0x17: {  	_ =	swait.ge [sflag:s11], $0x2800  }
0x18: {  	[sflag:s11] =	ssyncset.done $0x0  }
0x19: {  	s16 =	simm.s32 $0x2800;
	[sflag:s11] =	ssyncadd.s32 $0xFFFFD800  }
0x1a: {  	[tilespmem:s16], [sflag:$0x9] =	stream.linear.gather [hbm4b:s8+s4], $0x2800, $0x38;
	[tilespmem:$0x9780] =	vst v63  }
0x1b: {  	_ =	swait.ge [sflag:s11], $0x2800  }
0x1c: {  	[sflag:s11] =	ssyncset.done $0x0  }
0x1d: {  	[sflag:s11] =	ssyncadd.s32 $0xFFFFD800  }
0x1e: {  	[bflag:$0x0] =	sbarrier.arrive $0xFFFF  }
0x1f: {  	[tilespmem:s14], [sflag:$0x1] =	stream.indirect.gather [hbm4b:s1+s13], $0x10, s4, s13, $0xb8;
	[tilespmem:$0x9780] =	vst v63  }
0x20: {  	_ = 	snop  }
0x21: {  	[tilespmem:s15], [sflag:$0x2] =	stream.indirect.gather [hbm4b:s1+s13], $0x10, s13, s13, $0xb8;
	[tilespmem:$0x9780] =	vst v63  }
0x22: {  	s30 =	simm.s32 $0x100  }
0x23: {  	[tilespmem:s17], [sflag:$0x3] =	stream.indirect.gather [hbm4b:s1+s13], $0x10, s30, s13, $0xb8;
	[tilespmem:$0x9780] =	vst v63  }
0x24: {  	s18 =	simm.s32 $0x180  }
0x25: {  	[tilespmem:s19], [sflag:$0x4] =	stream.indirect.gather [hbm4b:s1+s13], $0x10, s18, s13, $0xb8;
	[tilespmem:$0x9780] =	vst v63  }
0x26: {  	_ =	swait.ge [sflag:s20], $0x800  }
0x27: {  	[sflag:s20] =	ssyncset.done $0x0  }
0x28: {  	s30 =	simm.s32 $0x2800;
	[sflag:s20] =	ssyncadd.s32 $0xFFFFF800  }
0x29: {  	[spmem:s3] =	stream.indirect.scatter.add.f32 [tilespmem:s14], [sflag:$0x5], $0x10, s30, s13, $0xb8;
	[tilespmem:$0x9780] =	vst v63  }
0x2a: {  	_ =	swait.ge [sflag:s21], $0x800  }
0x2b: {  	[sflag:s21] =	ssyncset.done $0x0  }
0x2c: {  	s18 =	simm.s32 $0x2880;
	[sflag:s21] =	ssyncadd.s32 $0xFFFFF800  }
0x2d: {  	[spmem:s3] =	stream.indirect.scatter.add.f32 [tilespmem:s15], [sflag:$0x6], $0x10, s18, s13, $0xb8;
	[tilespmem:$0x9780] =	vst v63  }
0x2e: {  	_ =	swait.ge [sflag:s22], $0x800  }
0x2f: {  	[sflag:s22] =	ssyncset.done $0x0  }
0x30: {  	s30 =	simm.s32 $0x2900;
	[sflag:s22] =	ssyncadd.s32 $0xFFFFF800  }
0x31: {  	[spmem:s3] =	stream.indirect.scatter.add.f32 [tilespmem:s17], [sflag:$0x7], $0x10, s30, s13, $0xb8;
	[tilespmem:$0x9780] =	vst v63  }
0x32: {  	_ =	swait.ge [sflag:s23], $0x800  }
0x33: {  	[sflag:s23] =	ssyncset.done $0x0  }
0x34: {  	s18 =	simm.s32 $0x2980;
	[sflag:s23] =	ssyncadd.s32 $0xFFFFF800  }
0x35: {  	[spmem:s3] =	stream.indirect.scatter.add.f32 [tilespmem:s19], [sflag:$0x8], $0x10, s18, s13, $0xb8;
	[tilespmem:$0x9780] =	vst v63  }
0x36: {  	_ =	swait.ge [sflag:s25], $0x800  }
0x37: {  	[sflag:s25] =	ssyncset.done $0x0  }
0x38: {  	s30 =	simm.s32 $0x200;
	[sflag:s25] =	ssyncadd.s32 $0xFFFFF800  }
0x39: {  	[tilespmem:s14], [sflag:$0x1] =	stream.indirect.gather [hbm4b:s1+s13], $0x10, s30, s13, $0xb8;
	[tilespmem:$0x9780] =	vst v63  }
0x3a: {  	_ =	swait.ge [sflag:s26], $0x800  }
0x3b: {  	[sflag:s26] =	ssyncset.done $0x0  }
0x3c: {  	s18 =	simm.s32 $0x280;
	[sflag:s26] =	ssyncadd.s32 $0xFFFFF800  }
0x3d: {  	[tilespmem:s15], [sflag:$0x2] =	stream.indirect.gather [hbm4b:s1+s13], $0x10, s18, s13, $0xb8;
	[tilespmem:$0x9780] =	vst v63  }
0x3e: {  	_ =	swait.ge [sflag:s28], $0x800  }
0x3f: {  	[sflag:s28] =	ssyncset.done $0x0  }
0x40: {  	s30 =	simm.s32 $0x300;
	[sflag:s28] =	ssyncadd.s32 $0xFFFFF800  }
0x41: {  	[tilespmem:s17], [sflag:$0x3] =	stream.indirect.gather [hbm4b:s1+s13], $0x10, s30, s13, $0xb8;
	[tilespmem:$0x9780] =	vst v63  }
0x42: {  	_ =	swait.ge [sflag:s29], $0x800  }
0x43: {  	[sflag:s29] =	ssyncset.done $0x0  }
0x44: {  	s16 =	simm.s32 $0x800;
	s18 =	simm.s32 $0x380;
	[sflag:s29] =	ssyncadd.s32 $0xFFFFF800  }
.LBB2_2:
0x45: {  	[tilespmem:s19], [sflag:$0x4] =	stream.indirect.gather [hbm4b:s1+s13], $0x10, s18, s13, $0xb8;
	[tilespmem:$0x9780] =	vst v63  }
0x46: {  	s18 =	smov.u32 s16  }
0x47: {  	p0 =	sne.s32 s16, $0x9000;
	s16 =	sadd.s32 $0x800, s16;
	_ =	swait.ge [sflag:s20], $0x800  }
0x48: {  	s18 =	sshra.s32 s18, $0x2;
	[sflag:s20] =	ssyncset.done $0x0  }
0x49: {  	s30 =	sadd.s32 $0x2800, s18;
	[sflag:s20] =	ssyncadd.s32 $0xFFFFF800  }
0x4a: {  	[spmem:s3] =	stream.indirect.scatter.add.f32 [tilespmem:s14], [sflag:$0x5], $0x10, s30, s13, $0xb8;
	[tilespmem:$0x9780] =	vst v63  }
0x4b: {  	_ =	swait.ge [sflag:s21], $0x800  }
0x4c: {  	[sflag:s21] =	ssyncset.done $0x0  }
0x4d: {  	s30 =	sadd.s32 $0x2880, s18;
	[sflag:s21] =	ssyncadd.s32 $0xFFFFF800  }
0x4e: {  	[spmem:s3] =	stream.indirect.scatter.add.f32 [tilespmem:s15], [sflag:$0x6], $0x10, s30, s13, $0xb8;
	[tilespmem:$0x9780] =	vst v63  }
0x4f: {  	_ =	swait.ge [sflag:s22], $0x800  }
0x50: {  	[sflag:s22] =	ssyncset.done $0x0  }
0x51: {  	s30 =	sadd.s32 $0x2900, s18;
	[sflag:s22] =	ssyncadd.s32 $0xFFFFF800  }
0x52: {  	[spmem:s3] =	stream.indirect.scatter.add.f32 [tilespmem:s17], [sflag:$0x7], $0x10, s30, s13, $0xb8;
	[tilespmem:$0x9780] =	vst v63  }
0x53: {  	_ =	swait.ge [sflag:s23], $0x800  }
0x54: {  	[sflag:s23] =	ssyncset.done $0x0  }
0x55: {  	s30 =	sadd.s32 $0x2980, s18;
	[sflag:s23] =	ssyncadd.s32 $0xFFFFF800  }
0x56: {  	[spmem:s3] =	stream.indirect.scatter.add.f32 [tilespmem:s19], [sflag:$0x8], $0x10, s30, s13, $0xb8;
	[tilespmem:$0x9780] =	vst v63  }
0x57: {  	_ =	swait.ge [sflag:s25], $0x800  }
0x58: {  	[sflag:s25] =	ssyncset.done $0x0  }
0x59: {  	s30 =	sadd.s32 $0x200, s18;
	[sflag:s25] =	ssyncadd.s32 $0xFFFFF800  }
0x5a: {  	[tilespmem:s14], [sflag:$0x1] =	stream.indirect.gather [hbm4b:s1+s13], $0x10, s30, s13, $0xb8;
	[tilespmem:$0x9780] =	vst v63  }
0x5b: {  	_ =	swait.ge [sflag:s26], $0x800  }
0x5c: {  	[sflag:s26] =	ssyncset.done $0x0  }
0x5d: {  	s30 =	sadd.s32 $0x280, s18;
	[sflag:s26] =	ssyncadd.s32 $0xFFFFF800  }
0x5e: {  	[tilespmem:s15], [sflag:$0x2] =	stream.indirect.gather [hbm4b:s1+s13], $0x10, s30, s13, $0xb8;
	[tilespmem:$0x9780] =	vst v63  }
0x5f: {  	_ =	swait.ge [sflag:s28], $0x800  }
0x60: {  	[sflag:s28] =	ssyncset.done $0x0  }
.Ltmp0:
0x61: {  	s30 =	sadd.s32 $0x300, s18;
	[sflag:s28] =	ssyncadd.s32 $0xFFFFF800;
	(pc) =	sbr.rel @p0 .LBB2_2-.Ltmp0, $4  }
0x62: {  	[tilespmem:s17], [sflag:$0x3] =	stream.indirect.gather [hbm4b:s1+s13], $0x10, s30, s13, $0xb8;
	[tilespmem:$0x9780] =	vst v63  }
0x63: {  	_ =	swait.ge [sflag:s29], $0x800  }
0x64: {  	[sflag:s29] =	ssyncset.done $0x0  }
0x65: {  	s18 =	sadd.s32 $0x380, s18;
	[sflag:s29] =	ssyncadd.s32 $0xFFFFF800  }
0x66: {  	[tilespmem:s19], [sflag:$0x4] =	stream.indirect.gather [hbm4b:s1+s13], $0x10, s18, s13, $0xb8;
	[tilespmem:$0x9780] =	vst v63  }
0x67: {  	_ =	swait.ge [sflag:s20], $0x800  }
0x68: {  	[sflag:s20] =	ssyncset.done $0x0  }
0x69: {  	s16 =	simm.s32 $0x4E00;
	[sflag:s20] =	ssyncadd.s32 $0xFFFFF800  }
0x6a: {  	[spmem:s3] =	stream.indirect.scatter.add.f32 [tilespmem:s14], [sflag:$0x5], $0x10, s16, s13, $0xb8;
	[tilespmem:$0x9780] =	vst v63  }
0x6b: {  	_ =	swait.ge [sflag:s21], $0x800  }
0x6c: {  	[sflag:s21] =	ssyncset.done $0x0  }
0x6d: {  	[sflag:s21] =	ssyncadd.s32 $0xFFFFF800  }
0x6e: {  	[spmem:s3] =	stream.indirect.scatter.add.f32 [tilespmem:s15], [sflag:$0x6], $0x10, s31, s13, $0xb8;
	[tilespmem:$0x9780] =	vst v63  }
0x6f: {  	_ =	swait.ge [sflag:s22], $0x800  }
0x70: {  	[sflag:s22] =	ssyncset.done $0x0  }
0x71: {  	[sflag:s22] =	ssyncadd.s32 $0xFFFFF800  }
0x72: {  	[spmem:s3] =	stream.indirect.scatter.add.f32 [tilespmem:s17], [sflag:$0x7], $0x10, s2, s13, $0xb8;
	[tilespmem:$0x9780] =	vst v63  }
0x73: {  	_ =	swait.ge [sflag:s23], $0x800  }
0x74: {  	[sflag:s23] =	ssyncset.done $0x0  }
0x75: {  	[sflag:s23] =	ssyncadd.s32 $0xFFFFF800  }
0x76: {  	[spmem:s3] =	stream.indirect.scatter.add.f32 [tilespmem:s19], [sflag:$0x8], $0x10, s0, s13, $0xb8;
	[tilespmem:$0x9780] =	vst v63  }
0x77: {  	_ =	swait.ge [sflag:s25], $0x800  }
0x78: {  	[sflag:s25] =	ssyncset.done $0x0  }
0x79: {  	[sflag:s25] =	ssyncadd.s32 $0xFFFFF800  }
0x7a: {  	_ =	swait.ge [sflag:s26], $0x800  }
0x7b: {  	[sflag:s26] =	ssyncset.done $0x0  }
0x7c: {  	[sflag:s26] =	ssyncadd.s32 $0xFFFFF800  }
0x7d: {  	_ =	swait.ge [sflag:s28], $0x800  }
0x7e: {  	[sflag:s28] =	ssyncset.done $0x0  }
0x7f: {  	[sflag:s28] =	ssyncadd.s32 $0xFFFFF800  }
0x80: {  	_ =	swait.ge [sflag:s29], $0x800  }
0x81: {  	s12 =	sadd.s32 $0x1, s12;
	[sflag:s29] =	ssyncset.done $0x0  }
0x82: {  	p0 =	sne.s32 s12, s9;
	[sflag:s29] =	ssyncadd.s32 $0xFFFFF800  }
.Ltmp1:
0x83: {  	[bflag:$0x0] =	sbarrier.arrive $0xFFFF;
	(pc) =	sbr.rel @p0 .LBB2_1-.Ltmp1, $4  }
0x84: {  	[hbm:s24], [sflag:s6] =	dma.local [spmem:s10], $0x4F0  }
0x85: {  	_ =	swait.ge [sflag:s11], $0x4F0  }
0x86: {  	[sflag:s11] =	ssyncset.done $0x0  }
0x87: {  	[sflag:s11] =	ssyncadd.s32 $0xFFFFFB10  }
0x88: {  	_ =	sfence.sel $0x180000  }
0x89: {  	[bflag:$0x0] =	sbarrier.arrive $0xFFFF  }
0x8a: {  	_ =	strace $0x90000047  }
0x8b: {  	s0 =	stileid.u32;
	[bflag:$0x2] =	sbarrier.arrive $0xFFFF  }
0x8c: {  	p0 =	sne.s32 s0, $0x0;
	s0 =	rddreg [dreg:$0x3]  }
0x8d: {  	s0 =	sadd.s32 @!p0 $0x100000, s0  }
0x8e: {  	[sflag:s0] =	ssyncadd.tile.s32 @!p0 $0x1;
	_ =	shalt  }
.Lfunc_end2:
_tile_overlayer_lowered:
.L_overlay_start_2:
0x8f: {  	(tag) =	ssettag $0x2  }
0x90: {  	s0 =	rddreg [dreg:$0x0];
	s2 =	stileid.u32  }
0x91: {  	s1 =	rddreg [dreg:$0x1];
	p0 =	sne.s32 s2, $0x0  }
0x92: {  	s3 =	rddreg [dreg:$0x2];
	[bflag:$0x3] =	sbarrier.arrive $0xFFFF;
	s2 =	simm.s32 @!p0 $0x1C09  }
0x93: {  	[timem:s3], [sflag:s2] =	dma.local @!p0 [hbm:s0], s1  }
0x94: {  	s0 =	simm.s32 @!p0 $0x9  }
0x95: {  	_ =	swait.ge @!p0 [sflag:s0], s1  }
0x96: {  	s1 =	ssub.s32 @!p0 $0x0, s1;
	[sflag:s0] =	ssyncset.done @!p0 $0x0  }
0x97: {  	[sflag:s0] =	ssyncadd.s32 @!p0 s1  }
0x98: {  	[bflag:$0x3] =	sbarrier.arrive $0xFFFF  }
0x99: {  	_ =	shalt  }

// kernel: kernel.14.cloned.1.call-start
scs
__scs_entry_jumppad:
0x0: {  	(pc) =	sbr.rel $0x88, $3  }
0x1: {  	(tag) =	ssettag $0x0;
	lr =	simm.s32 $0x1  }
0x2: {  	[smem:$0x3F97] =	sst lr;
	_ =	strace $0xD0000000  }
0x3: {  	_ = 	snop  }
0x4: {  	_ = 	snop  }
0x5: {  	_ = 	snop  }
0x6: {  	_ = 	snop  }
0x7: {  	_ = 	snop  }
__scs_overlays_trampoline_lowered:
0x8: {  	[smem:$0x3FA6] =	sst s0  }
0x9: {  	[smem:$0x3FA7] =	sst s1  }
0xa: {  	[smem:$0x3FA8] =	sst s2  }
0xb: {  	[smem:$0x3FA9] =	sst s3  }
0xc: {  	[smem:$0x3FAA] =	sst s4  }
0xd: {  	[smem:$0x3FAB] =	sst s5  }
0xe: {  	[smem:$0x3FAC] =	sst s6  }
0xf: {  	[smem:$0x3FAD] =	sst s7  }
0x10: {  	[smem:$0x3FAE] =	sst s8  }
0x11: {  	[smem:$0x3FAF] =	sst s9;
	s0 =	simm.s32 @!p0 $0x0  }
0x12: {  	s1 =	sld [smem:$0x3F95];
	s0 =	simm.s32 @p0 $0x1  }
0x13: {  	[smem:$0x3FB0] =	sst s0;
	s0 =	simm.s32 @!p1 $0x0  }
0x14: {  	s2 =	sld [smem:$0x3F94];
	s0 =	simm.s32 @p1 $0x1  }
0x15: {  	[smem:$0x3FB1] =	sst s0;
	s0 =	simm.s32 @!p2 $0x0  }
0x16: {  	s3 =	sld [smem:$0x3FDB];
	s0 =	simm.s32 @p2 $0x1  }
0x17: {  	s4 =	simm.s32 $0x1BF5;
	[smem:$0x3FB3] =	sst s0  }
0x18: {  	s0 =	sld [smem:$0x3F96];
	_ =	swait.ge [sflag:s4], $0x0  }
0x19: {  	s7 =	sld [smem:$0x3F97]  }
0x1a: {  	s8 =	sadd.s32 $0xFFFFE003, lr  }
0x1b: {  	s9 =	sadd.s32 $0xFFFFFEF7, lr;
	s5 =	simm.s32 $0xFFFFFFFF;
	p2 =	slt.u32 s8, $0xFFFFF086  }
0x1c: {  	p1 =	slt.u32 s9, $0xF7A;
	s5 =	simm.s32 @!p2 $0x0  }
0x1d: {  	s5 =	simm.s32 @p1 $0x1;
	p0 =	seq.s32 s7, s2  }
0x1e: {  	s7 =	smul.u32 @!p0 $0xF7A, s2;
	p2 =	seq.s32 @!p0 s5, $0x0  }
0x1f: {  	s9 =	smul.u32 $0xF7A, s1;
	s8 =	simm.s32 @!p0 $0x1BF5;
	p2 =	por !p2, p0  }
0x20: {  	[sflag:s8] =	ssyncset.s32 @!p0 $0xFFFFF086;
	s6 =	sadd.s32 @!p0 s3, s7;
	s7 =	simm.s32 @!p0 $0x108  }
0x21: {  	s3 =	sadd.s32 s3, s9;
	s6 =	sadd.s32 @!p0 $0x88, s6;
	s7 =	simm.s32 @p2 $0x1082  }
0x22: {  	[simem:s7], [sflag:s8] =	dma.local @!p0 [hbm:s6], $0xF7A  }
0x23: {  	s9 =	sor.u32 $0xD0000000, s2;
	s6 =	simm.s32 $0x108;
	_ =	swait.ge @!p0 [sflag:s8], $0x0  }
0x24: {  	s3 =	sadd.s32 $0x88, s3;
	s6 =	simm.s32 @!p1 $0x1082;
	[sflag:s4] =	ssyncset.s32 $0xFFFFF086  }
0x25: {  	[simem:s6], [sflag:s4] =	dma.local [hbm:s3], $0xF7A  }
0x26: {  	[smem:$0x3F97] =	sst s1;
	(tag) =	ssettag s2;
	_ =	strace s9  }
0x27: {  	s1 =	sld [smem:$0x3FA7]  }
0x28: {  	s2 =	sld [smem:$0x3FA8]  }
0x29: {  	s4 =	sld [smem:$0x3FAA]  }
0x2a: {  	p0 =	seq.s32 s5, $0x0;
	s5 =	sld [smem:$0x3FAB]  }
0x2b: {  	s6 =	sld [smem:$0x3FAC]  }
0x2c: {  	s7 =	sld [smem:$0x3FAD]  }
0x2d: {  	s3 =	simm.s32 $0x108;
	s8 =	sld [smem:$0x3FAE]  }
0x2e: {  	s3 =	simm.s32 @!p0 $0x1082;
	s9 =	sld [smem:$0x3FAF]  }
0x2f: {  	lr =	sadd.s32 s0, s3;
	s0 =	sld [smem:$0x3FA6]  }
0x30: {  	s3 =	sld [smem:$0x3FA9]  }
0x31: {  	[smem:$0x3FB2] =	sst s10  }
0x32: {  	s10 =	sld [smem:$0x3FB0];
	_ =	sdelay $0x3  }
0x33: {  	p0 =	seq.s32 s10, $0x1;
	s10 =	sld [smem:$0x3FB2];
	_ =	sdelay $0x3  }
0x34: {  	[smem:$0x3FB2] =	sst s10  }
0x35: {  	s10 =	sld [smem:$0x3FB1];
	_ =	sdelay $0x3  }
0x36: {  	p1 =	seq.s32 s10, $0x1;
	s10 =	sld [smem:$0x3FB2];
	_ =	sdelay $0x3  }
0x37: {  	[smem:$0x3FB2] =	sst s10  }
0x38: {  	s10 =	sld [smem:$0x3FB3]  }
0x39: {  	_ = 	snop;
	(pc) =	sbr.ind lr, $3  }
0x3a: {  	_ = 	snop  }
0x3b: {  	_ = 	snop  }
0x3c: {  	p2 =	seq.s32 s10, $0x1;
	s10 =	sld [smem:$0x3FB2]  }
0x3d: {  	_ =	shalt  }
0x3e: {  	_ =	shalt  }
0x3f: {  	_ =	shalt  }
0x40: {  	_ =	shalt  }
0x41: {  	_ =	shalt  }
0x42: {  	_ =	shalt  }
0x43: {  	_ =	shalt  }
0x44: {  	_ =	shalt  }
0x45: {  	_ =	shalt  }
0x46: {  	_ =	shalt  }
0x47: {  	_ =	shalt  }
0x48: {  	_ =	shalt  }
0x49: {  	_ =	shalt  }
0x4a: {  	_ =	shalt  }
0x4b: {  	_ =	shalt  }
0x4c: {  	_ =	shalt  }
0x4d: {  	_ =	shalt  }
0x4e: {  	_ =	shalt  }
0x4f: {  	_ =	shalt  }
0x50: {  	_ =	shalt  }
0x51: {  	_ =	shalt  }
0x52: {  	_ =	shalt  }
0x53: {  	_ =	shalt  }
0x54: {  	_ =	shalt  }
0x55: {  	_ =	shalt  }
0x56: {  	_ =	shalt  }
0x57: {  	_ =	shalt  }
0x58: {  	_ =	shalt  }
0x59: {  	_ =	shalt  }
0x5a: {  	_ =	shalt  }
0x5b: {  	_ =	shalt  }
0x5c: {  	_ =	shalt  }
0x5d: {  	_ =	shalt  }
0x5e: {  	_ =	shalt  }
0x5f: {  	_ =	shalt  }
0x60: {  	_ =	shalt  }
0x61: {  	_ =	shalt  }
0x62: {  	_ =	shalt  }
0x63: {  	_ =	shalt  }
0x64: {  	_ =	shalt  }
0x65: {  	_ =	shalt  }
0x66: {  	_ =	shalt  }
0x67: {  	_ =	shalt  }
0x68: {  	_ =	shalt  }
0x69: {  	_ =	shalt  }
0x6a: {  	_ =	shalt  }
0x6b: {  	_ =	shalt  }
0x6c: {  	_ =	shalt  }
0x6d: {  	_ =	shalt  }
0x6e: {  	_ =	shalt  }
0x6f: {  	_ =	shalt  }
0x70: {  	_ =	shalt  }
0x71: {  	_ =	shalt  }
0x72: {  	_ =	shalt  }
0x73: {  	_ =	shalt  }
0x74: {  	_ =	shalt  }
0x75: {  	_ =	shalt  }
0x76: {  	_ =	shalt  }
0x77: {  	_ =	shalt  }
0x78: {  	_ =	shalt  }
0x79: {  	_ =	shalt  }
0x7a: {  	_ =	shalt  }
0x7b: {  	_ =	shalt  }
0x7c: {  	_ =	shalt  }
0x7d: {  	_ =	shalt  }
0x7e: {  	_ =	shalt  }
0x7f: {  	_ =	shalt  }
0x80: {  	_ =	shalt  }
0x81: {  	_ =	shalt  }
0x82: {  	_ =	shalt  }
0x83: {  	_ =	shalt  }
0x84: {  	_ =	shalt  }
0x85: {  	_ =	shalt  }
0x86: {  	_ =	shalt  }
0x87: {  	_ =	shalt  }
.Lfunc_end0:
.L_simem_size_0:
called_computation.1_lowered:
.L_overlay_start_0:
0x88: {  	s2 =	sld [smem:$0x3FD9]  }
0x89: {  	s3 =	sld [smem:$0x3FFE];
	_ =	sdelay $0x1  }
0x8a: {  	s1 =	srdreg.scid  }
0x8b: {  	s0 =	sand.u32 $0x1, s1  }
0x8c: {  	s16 =	sshll.u32 s0, $0xA;
	s2 =	sadd.s32 s3, s2  }
0x8d: {  	s2 =	sadd.s32 s2, s16  }
0x8e: {  	[smem:$0x3FBE] =	sst s2  }
0x8f: {  	_ = 	snop  }
0x90: {  	(tm) =	ssettm $0x1  }
0x91: {  	s17 =	sld [smem:$0x3FFB];
	_ =	sdelay $0x3  }
0x92: {  	_ =	strace s17  }
0x93: {  	s2 =	sld [smem:$0x3FFC];
	_ =	sdelay $0x3  }
0x94: {  	_ =	strace s2  }
0x95: {  	s2 =	sld [smem:$0x3FFD];
	_ =	sdelay $0x3  }
0x96: {  	_ =	strace s2  }
0x97: {  	_ =	strace $0x8FFFFFFF  }
0x98: {  	s18 =	sld [smem:$0x3FDB];
	_ =	sdelay $0x1  }
0x99: {  	s19 =	simm.s32 $_scs_section_size  }
0x9a: {  	s4 =	simm.s32 $_size__tile_overlayer_lowered;
	s5 =	simm.s32 $_tile_overlayer_lowered  }
0x9b: {  	s22 =	simm.s32 $0x1BFF;
	s21 =	sshll.u32 s5, $0x1;
	s2 =	sadd.s32 s19, s18  }
0x9c: {  	s6 =	simm.s32 $0x0;
	s20 =	sshll.u32 s4, $0x1;
	s4 =	sadd.s32 s21, s2  }
0x9d: {  	[timem:s6], [sflag:s22] =	dma.local [hbm:s4], s20  }
0x9e: {  	_ =	swait.ge [sflag:s22], s20  }
0x9f: {  	s3 =	ssub.s32 $0x0, s20;
	[sflag:s22] =	ssyncset.done $0x0  }
0xa0: {  	[sflag:s22] =	ssyncadd.s32 s3;
	_ =	sdelay $0x1  }
0xa1: {  	s23 =	simm.s32 $0x1B8B  }
0xa2: {  	_ =	swait.ge [sflag:s23], $0x1  }
0xa3: {  	[sflag:s23] =	ssyncset.done $0x0  }
0xa4: {  	s25 =	simm.s32 $0x1B8E;
	s24 =	sld [smem:$0x3FFE];
	[sflag:s23] =	ssyncadd.s32 $0xFFFFFFFF  }
0xa5: {  	s26 =	simm.s32 $execute0_lowered;
	[smem:$0x3FD2] =	sst s25  }
0xa6: {  	s4 =	sshll.u32 s26, $0x1;
	_ =	strace $0x80000049;
	[dreg:$0x1] =	wrdreg $0xFFFFFFFF  }
0xa7: {  	s28 =	simm.s32 $_size_execute0_lowered;
	s2 =	sadd.s32 s2, s4;
	[dreg:$0x0] =	wrdreg $0x0  }
0xa8: {  	s4 =	sshll.u32 s28, $0x1;
	[dreg:$0x2] =	wrdreg s2  }
0xa9: {  	[dreg:$0x3] =	wrdreg s4  }
0xaa: {  	[dreg:$0x4] =	wrdreg $0xC0  }
0xab: {  	_ =	task [dreg:s6], $0x5FFFF  }
0xac: {  	[dreg:$0x1] =	wrdreg $0xFFFFFFFF  }
0xad: {  	[dreg:$0x0] =	wrdreg $0x60  }
0xae: {  	[dreg:$0x2] =	wrdreg s24  }
0xaf: {  	[dreg:$0x3] =	wrdreg $0x90000  }
0xb0: {  	[dreg:$0x4] =	wrdreg $0x9  }
0xb1: {  	_ =	task.clear_ibuf [dreg:s6], $0x5FFFF;
	_ =	strace $0x90000049  }
0xb2: {  	s29 =	simm.s32 $0x9;
	_ =	strace $0x8000004B  }
0xb3: {  	_ =	swait.ge [sflag:s29], $0x1  }
0xb4: {  	[sflag:s29] =	ssyncadd.s32 $0xFFFFFFFF  }
0xb5: {  	_ =	strace $0x9000004B  }
0xb6: {  	_ =	sfence  }
0xb7: {  	s30 =	sld [smem:$0x0];
	_ =	sdelay $0x2  }
0xb8: {  	s31 =	sshll.u32 s1, $0xD;
	s1 =	sshrl.u32 s1, $0x2  }
0xb9: {  	s3 =	sand.u32 $0x4000, s31;
	s1 =	sadd.s32 s1, s30  }
0xba: {  	s0 =	sor.u32 s3, s0;
	s1 =	sshll.u32 s1, $0x11  }
0xbb: {  	s0 =	sor.u32 s1, s0  }
0xbc: {  	s0 =	sadd.s32 $0x8F2B, s0  }
0xbd: {  	[sflag:s0] =	ssyncadd.remote.s32 $0x1  }
0xbe: {  	_ =	sfence.sel $0xFFFF  }
0xbf: {  	[dreg:$0x0] =	wrdreg $0xFFFFFFFF;
	(pc) =	sbr.abs _section_cstart, $3  }
0xc0: {  	[dreg:$0x1] =	wrdreg $0xFFFFFFFF  }
0xc1: {  	_ =	task.clear_ibuf [dreg:s6], $0x2FFFF;
	_ =	strace $0x9FFFFFFF  }
0xc2: {  	(tm) =	ssettm $0x7FFFFFFF  }
0xc3: {  	_ =	shalt  }
tec
execute0_lowered:
.L_overlay_start_1:
0x0: {  	(tag) =	ssettag $0x1  }
0x1: {  	s0 =	srdreg.scid;
	s1 =	rddreg [dreg:$0x0]  }
0x2: {  	s9 =	stileid.u32;
	s2 =	rddreg [dreg:$0x1]  }
0x3: {  	s11 =	simm.s32 $0x9;
	s13 =	simm.s32 $0x80;
	s14 =	simm.s32 $0x5000  }
0x4: {  	s15 =	simm.s32 $0x6000;
	s17 =	simm.s32 $0x7000;
	s19 =	simm.s32 $0x8000  }
0x5: {  	s20 =	simm.s32 $0x1;
	s21 =	simm.s32 $0x2;
	s22 =	simm.s32 $0x3  }
0x6: {  	s23 =	simm.s32 $0x4;
	s28 =	simm.s32 $0x7;
	s29 =	simm.s32 $0x8  }
0x7: {  	s31 =	simm.s32 $0x4E80;
	s0 =	sand.u32 $0x1, s0;
	s6 =	smul.u32 $0x4F00, s9  }
0x8: {  	s30 =	sshll.u32 s9, $0x6;
	s3 =	sshll.u32 s0, $0x4;
	s7 =	smul.u32 $0x9E00, s0  }
0x9: {  	s0 =	ssub.s32 $0x2, s0;
	s4 =	sor.u32 s9, s3;
	s3 =	simm.s32 $0x0  }
0xa: {  	s12 =	sshrl.u32 s6, $0x3;
	s26 =	sshrl.u32 s0, $0x1;
	s10 =	sadd.s32 s6, s2  }
0xb: {  	s6 =	sor.u32 $0x1C09, s30;
	s5 =	smul.u32 $0x500, s4;
	[smem:$0x7FF] =	sst s3  }
0xc: {  	s4 =	sadd.s32 $0x65200, s1;
	s25 =	sadd.s32 s12, s1;
	s0 =	ssub.s32 s0, s26  }
0xd: {  	s10 =	sshrl.u32 s10, $0x3;
	s26 =	simm.s32 $0x6;
	_ =	strace $0x8000004A  }
0xe: {  	s9 =	smax.u32 s0, $0x1;
	s0 =	simm.s32 $0x4F80;
	s8 =	sadd.s32 s5, s1  }
0xf: {  	s1 =	sadd.s32 s7, s1;
	s5 =	sadd.s32 $0x6F000, s25;
	s25 =	simm.s32 $0x5  }
0x10: {  	s7 =	sadd.s32 $0xC200, s8;
	s8 =	sadd.s32 $0x2200, s8;
	s1 =	sadd.s32 $0x78E00, s1  }
0x11: {  	s24 =	sadd.s32 s12, s1;
	s1 =	simm.s32 $0x4F00;
	s12 =	simm.s32 $0x0  }
.LBB2_1:
0x12: {  	[spmem:s10], [sflag:s6] =	dma.local [hbm:s5], $0x9E0  }
0x13: {  	_ =	swait.ge [sflag:s11], $0x9E0  }
0x14: {  	[sflag:s11] =	ssyncset.done $0x0  }
0x15: {  	[sflag:s11] =	ssyncadd.s32 $0xFFFFF620  }
0x16: {  	[tilespmem:s3], [sflag:$0x9] =	stream.linear.gather [hbm4b:s7+s3], $0x2800, $0x38;
	[tilespmem:$0xDF00] =	vst v63  }
0x17: {  	_ =	swait.ge [sflag:s11], $0x2800  }
0x18: {  	[sflag:s11] =	ssyncset.done $0x0  }
0x19: {  	s16 =	simm.s32 $0x2800;
	[sflag:s11] =	ssyncadd.s32 $0xFFFFD800  }
0x1a: {  	[tilespmem:s16], [sflag:$0x9] =	stream.linear.gather [hbm4b:s8+s3], $0x2800, $0x38;
	[tilespmem:$0xDF00] =	vst v63  }
0x1b: {  	_ =	swait.ge [sflag:s11], $0x2800  }
0x1c: {  	[sflag:s11] =	ssyncset.done $0x0  }
0x1d: {  	[sflag:s11] =	ssyncadd.s32 $0xFFFFD800  }
0x1e: {  	[bflag:$0x0] =	sbarrier.arrive $0xFFFF  }
0x1f: {  	[tilespmem:s14], [sflag:$0x1] =	stream.indirect.gather [hbm4b:s4+s13], $0x20, s3, s13, $0xb8;
	[tilespmem:$0xDF00] =	vst v63  }
0x20: {  	_ = 	snop  }
0x21: {  	[tilespmem:s15], [sflag:$0x2] =	stream.indirect.gather [hbm4b:s4+s13], $0x20, s13, s13, $0xb8;
	[tilespmem:$0xDF00] =	vst v63  }
0x22: {  	s30 =	simm.s32 $0x100  }
0x23: {  	[tilespmem:s17], [sflag:$0x3] =	stream.indirect.gather [hbm4b:s4+s13], $0x20, s30, s13, $0xb8;
	[tilespmem:$0xDF00] =	vst v63  }
0x24: {  	s18 =	simm.s32 $0x180  }
0x25: {  	[tilespmem:s19], [sflag:$0x4] =	stream.indirect.gather [hbm4b:s4+s13], $0x20, s18, s13, $0xb8;
	[tilespmem:$0xDF00] =	vst v63  }
0x26: {  	_ =	swait.ge [sflag:s20], $0x1000  }
0x27: {  	[sflag:s20] =	ssyncset.done $0x0  }
0x28: {  	s30 =	simm.s32 $0x2800;
	[sflag:s20] =	ssyncadd.s32 $0xFFFFF000  }
0x29: {  	[spmem:s2] =	stream.indirect.scatter.add.f32 [tilespmem:s14], [sflag:$0x5], $0x20, s30, s13, $0xb8;
	[tilespmem:$0xDF00] =	vst v63  }
0x2a: {  	_ =	swait.ge [sflag:s21], $0x1000  }
0x2b: {  	[sflag:s21] =	ssyncset.done $0x0  }
0x2c: {  	s18 =	simm.s32 $0x2880;
	[sflag:s21] =	ssyncadd.s32 $0xFFFFF000  }
0x2d: {  	[spmem:s2] =	stream.indirect.scatter.add.f32 [tilespmem:s15], [sflag:$0x6], $0x20, s18, s13, $0xb8;
	[tilespmem:$0xDF00] =	vst v63  }
0x2e: {  	_ =	swait.ge [sflag:s22], $0x1000  }
0x2f: {  	[sflag:s22] =	ssyncset.done $0x0  }
0x30: {  	s30 =	simm.s32 $0x2900;
	[sflag:s22] =	ssyncadd.s32 $0xFFFFF000  }
0x31: {  	[spmem:s2] =	stream.indirect.scatter.add.f32 [tilespmem:s17], [sflag:$0x7], $0x20, s30, s13, $0xb8;
	[tilespmem:$0xDF00] =	vst v63  }
0x32: {  	_ =	swait.ge [sflag:s23], $0x1000  }
0x33: {  	[sflag:s23] =	ssyncset.done $0x0  }
0x34: {  	s18 =	simm.s32 $0x2980;
	[sflag:s23] =	ssyncadd.s32 $0xFFFFF000  }
0x35: {  	[spmem:s2] =	stream.indirect.scatter.add.f32 [tilespmem:s19], [sflag:$0x8], $0x20, s18, s13, $0xb8;
	[tilespmem:$0xDF00] =	vst v63  }
0x36: {  	_ =	swait.ge [sflag:s25], $0x1000  }
0x37: {  	[sflag:s25] =	ssyncset.done $0x0  }
0x38: {  	s30 =	simm.s32 $0x200;
	[sflag:s25] =	ssyncadd.s32 $0xFFFFF000  }
0x39: {  	[tilespmem:s14], [sflag:$0x1] =	stream.indirect.gather [hbm4b:s4+s13], $0x20, s30, s13, $0xb8;
	[tilespmem:$0xDF00] =	vst v63  }
0x3a: {  	_ =	swait.ge [sflag:s26], $0x1000  }
0x3b: {  	[sflag:s26] =	ssyncset.done $0x0  }
0x3c: {  	s18 =	simm.s32 $0x280;
	[sflag:s26] =	ssyncadd.s32 $0xFFFFF000  }
0x3d: {  	[tilespmem:s15], [sflag:$0x2] =	stream.indirect.gather [hbm4b:s4+s13], $0x20, s18, s13, $0xb8;
	[tilespmem:$0xDF00] =	vst v63  }
0x3e: {  	_ =	swait.ge [sflag:s28], $0x1000  }
0x3f: {  	[sflag:s28] =	ssyncset.done $0x0  }
0x40: {  	s30 =	simm.s32 $0x300;
	[sflag:s28] =	ssyncadd.s32 $0xFFFFF000  }
0x41: {  	[tilespmem:s17], [sflag:$0x3] =	stream.indirect.gather [hbm4b:s4+s13], $0x20, s30, s13, $0xb8;
	[tilespmem:$0xDF00] =	vst v63  }
0x42: {  	_ =	swait.ge [sflag:s29], $0x1000  }
0x43: {  	[sflag:s29] =	ssyncset.done $0x0  }
0x44: {  	s16 =	simm.s32 $0x800;
	s18 =	simm.s32 $0x380;
	[sflag:s29] =	ssyncadd.s32 $0xFFFFF000  }
.LBB2_2:
0x45: {  	[tilespmem:s19], [sflag:$0x4] =	stream.indirect.gather [hbm4b:s4+s13], $0x20, s18, s13, $0xb8;
	[tilespmem:$0xDF00] =	vst v63  }
0x46: {  	s18 =	smov.u32 s16  }
0x47: {  	p0 =	sne.s32 s16, $0x9000;
	s16 =	sadd.s32 $0x800, s16;
	_ =	swait.ge [sflag:s20], $0x1000  }
0x48: {  	s18 =	sshra.s32 s18, $0x2;
	[sflag:s20] =	ssyncset.done $0x0  }
0x49: {  	s30 =	sadd.s32 $0x2800, s18;
	[sflag:s20] =	ssyncadd.s32 $0xFFFFF000  }
0x4a: {  	[spmem:s2] =	stream.indirect.scatter.add.f32 [tilespmem:s14], [sflag:$0x5], $0x20, s30, s13, $0xb8;
	[tilespmem:$0xDF00] =	vst v63  }
0x4b: {  	_ =	swait.ge [sflag:s21], $0x1000  }
0x4c: {  	[sflag:s21] =	ssyncset.done $0x0  }
0x4d: {  	s30 =	sadd.s32 $0x2880, s18;
	[sflag:s21] =	ssyncadd.s32 $0xFFFFF000  }
0x4e: {  	[spmem:s2] =	stream.indirect.scatter.add.f32 [tilespmem:s15], [sflag:$0x6], $0x20, s30, s13, $0xb8;
	[tilespmem:$0xDF00] =	vst v63  }
0x4f: {  	_ =	swait.ge [sflag:s22], $0x1000  }
0x50: {  	[sflag:s22] =	ssyncset.done $0x0  }
0x51: {  	s30 =	sadd.s32 $0x2900, s18;
	[sflag:s22] =	ssyncadd.s32 $0xFFFFF000  }
0x52: {  	[spmem:s2] =	stream.indirect.scatter.add.f32 [tilespmem:s17], [sflag:$0x7], $0x20, s30, s13, $0xb8;
	[tilespmem:$0xDF00] =	vst v63  }
0x53: {  	_ =	swait.ge [sflag:s23], $0x1000  }
0x54: {  	[sflag:s23] =	ssyncset.done $0x0  }
0x55: {  	s30 =	sadd.s32 $0x2980, s18;
	[sflag:s23] =	ssyncadd.s32 $0xFFFFF000  }
0x56: {  	[spmem:s2] =	stream.indirect.scatter.add.f32 [tilespmem:s19], [sflag:$0x8], $0x20, s30, s13, $0xb8;
	[tilespmem:$0xDF00] =	vst v63  }
0x57: {  	_ =	swait.ge [sflag:s25], $0x1000  }
0x58: {  	[sflag:s25] =	ssyncset.done $0x0  }
0x59: {  	s30 =	sadd.s32 $0x200, s18;
	[sflag:s25] =	ssyncadd.s32 $0xFFFFF000  }
0x5a: {  	[tilespmem:s14], [sflag:$0x1] =	stream.indirect.gather [hbm4b:s4+s13], $0x20, s30, s13, $0xb8;
	[tilespmem:$0xDF00] =	vst v63  }
0x5b: {  	_ =	swait.ge [sflag:s26], $0x1000  }
0x5c: {  	[sflag:s26] =	ssyncset.done $0x0  }
0x5d: {  	s30 =	sadd.s32 $0x280, s18;
	[sflag:s26] =	ssyncadd.s32 $0xFFFFF000  }
0x5e: {  	[tilespmem:s15], [sflag:$0x2] =	stream.indirect.gather [hbm4b:s4+s13], $0x20, s30, s13, $0xb8;
	[tilespmem:$0xDF00] =	vst v63  }
0x5f: {  	_ =	swait.ge [sflag:s28], $0x1000  }
0x60: {  	[sflag:s28] =	ssyncset.done $0x0  }
.Ltmp0:
0x61: {  	s30 =	sadd.s32 $0x300, s18;
	[sflag:s28] =	ssyncadd.s32 $0xFFFFF000;
	(pc) =	sbr.rel @p0 .LBB2_2-.Ltmp0, $4  }
0x62: {  	[tilespmem:s17], [sflag:$0x3] =	stream.indirect.gather [hbm4b:s4+s13], $0x20, s30, s13, $0xb8;
	[tilespmem:$0xDF00] =	vst v63  }
0x63: {  	_ =	swait.ge [sflag:s29], $0x1000  }
0x64: {  	[sflag:s29] =	ssyncset.done $0x0  }
0x65: {  	s18 =	sadd.s32 $0x380, s18;
	[sflag:s29] =	ssyncadd.s32 $0xFFFFF000  }
0x66: {  	[tilespmem:s19], [sflag:$0x4] =	stream.indirect.gather [hbm4b:s4+s13], $0x20, s18, s13, $0xb8;
	[tilespmem:$0xDF00] =	vst v63  }
0x67: {  	_ =	swait.ge [sflag:s20], $0x1000  }
0x68: {  	[sflag:s20] =	ssyncset.done $0x0  }
0x69: {  	s16 =	simm.s32 $0x4E00;
	[sflag:s20] =	ssyncadd.s32 $0xFFFFF000  }
0x6a: {  	[spmem:s2] =	stream.indirect.scatter.add.f32 [tilespmem:s14], [sflag:$0x5], $0x20, s16, s13, $0xb8;
	[tilespmem:$0xDF00] =	vst v63  }
0x6b: {  	_ =	swait.ge [sflag:s21], $0x1000  }
0x6c: {  	[sflag:s21] =	ssyncset.done $0x0  }
0x6d: {  	[sflag:s21] =	ssyncadd.s32 $0xFFFFF000  }
0x6e: {  	[spmem:s2] =	stream.indirect.scatter.add.f32 [tilespmem:s15], [sflag:$0x6], $0x20, s31, s13, $0xb8;
	[tilespmem:$0xDF00] =	vst v63  }
0x6f: {  	_ =	swait.ge [sflag:s22], $0x1000  }
0x70: {  	[sflag:s22] =	ssyncset.done $0x0  }
0x71: {  	[sflag:s22] =	ssyncadd.s32 $0xFFFFF000  }
0x72: {  	[spmem:s2] =	stream.indirect.scatter.add.f32 [tilespmem:s17], [sflag:$0x7], $0x20, s1, s13, $0xb8;
	[tilespmem:$0xDF00] =	vst v63  }
0x73: {  	_ =	swait.ge [sflag:s23], $0x1000  }
0x74: {  	[sflag:s23] =	ssyncset.done $0x0  }
0x75: {  	[sflag:s23] =	ssyncadd.s32 $0xFFFFF000  }
0x76: {  	[spmem:s2] =	stream.indirect.scatter.add.f32 [tilespmem:s19], [sflag:$0x8], $0x20, s0, s13, $0xb8;
	[tilespmem:$0xDF00] =	vst v63  }
0x77: {  	_ =	swait.ge [sflag:s25], $0x1000  }
0x78: {  	[sflag:s25] =	ssyncset.done $0x0  }
0x79: {  	[sflag:s25] =	ssyncadd.s32 $0xFFFFF000  }
0x7a: {  	_ =	swait.ge [sflag:s26], $0x1000  }
0x7b: {  	[sflag:s26] =	ssyncset.done $0x0  }
0x7c: {  	[sflag:s26] =	ssyncadd.s32 $0xFFFFF000  }
0x7d: {  	_ =	swait.ge [sflag:s28], $0x1000  }
0x7e: {  	[sflag:s28] =	ssyncset.done $0x0  }
0x7f: {  	[sflag:s28] =	ssyncadd.s32 $0xFFFFF000  }
0x80: {  	_ =	swait.ge [sflag:s29], $0x1000  }
0x81: {  	s12 =	sadd.s32 $0x1, s12;
	[sflag:s29] =	ssyncset.done $0x0  }
0x82: {  	p0 =	sne.s32 s12, s9;
	[sflag:s29] =	ssyncadd.s32 $0xFFFFF000  }
.Ltmp1:
0x83: {  	[bflag:$0x0] =	sbarrier.arrive $0xFFFF;
	(pc) =	sbr.rel @p0 .LBB2_1-.Ltmp1, $4  }
0x84: {  	[hbm:s24], [sflag:s6] =	dma.local [spmem:s10], $0x9E0  }
0x85: {  	_ =	swait.ge [sflag:s11], $0x9E0  }
0x86: {  	[sflag:s11] =	ssyncset.done $0x0  }
0x87: {  	[sflag:s11] =	ssyncadd.s32 $0xFFFFF620  }
0x88: {  	_ =	sfence.sel $0x180000  }
0x89: {  	[bflag:$0x0] =	sbarrier.arrive $0xFFFF  }
0x8a: {  	_ =	strace $0x9000004A  }
0x8b: {  	s0 =	stileid.u32;
	[bflag:$0x2] =	sbarrier.arrive $0xFFFF  }
0x8c: {  	p0 =	sne.s32 s0, $0x0;
	s0 =	rddreg [dreg:$0x2]  }
0x8d: {  	s0 =	sadd.s32 @!p0 $0x100000, s0  }
0x8e: {  	[sflag:s0] =	ssyncadd.tile.s32 @!p0 $0x1;
	_ =	shalt  }
.Lfunc_end2:
_tile_overlayer_lowered:
.L_overlay_start_2:
0x8f: {  	(tag) =	ssettag $0x2  }
0x90: {  	s0 =	rddreg [dreg:$0x0];
	s2 =	stileid.u32  }
0x91: {  	s1 =	rddreg [dreg:$0x1];
	p0 =	sne.s32 s2, $0x0  }
0x92: {  	s3 =	rddreg [dreg:$0x2];
	[bflag:$0x3] =	sbarrier.arrive $0xFFFF;
	s2 =	simm.s32 @!p0 $0x1C09  }
0x93: {  	[timem:s3], [sflag:s2] =	dma.local @!p0 [hbm:s0], s1  }
0x94: {  	s0 =	simm.s32 @!p0 $0x9  }
0x95: {  	_ =	swait.ge @!p0 [sflag:s0], s1  }
0x96: {  	s1 =	ssub.s32 @!p0 $0x0, s1;
	[sflag:s0] =	ssyncset.done @!p0 $0x0  }
0x97: {  	[sflag:s0] =	ssyncadd.s32 @!p0 s1  }
0x98: {  	[bflag:$0x3] =	sbarrier.arrive $0xFFFF  }
0x99: {  	_ =	shalt  }

// kernel: kernel.17.cloned.1.call-start
scs
__scs_entry_jumppad:
0x0: {  	(pc) =	sbr.rel $0x88, $3  }
0x1: {  	(tag) =	ssettag $0x0;
	lr =	simm.s32 $0x1  }
0x2: {  	[smem:$0x3F97] =	sst lr;
	_ =	strace $0xD0000000  }
0x3: {  	_ = 	snop  }
0x4: {  	_ = 	snop  }
0x5: {  	_ = 	snop  }
0x6: {  	_ = 	snop  }
0x7: {  	_ = 	snop  }
__scs_overlays_trampoline_lowered:
0x8: {  	[smem:$0x3FA6] =	sst s0  }
0x9: {  	[smem:$0x3FA7] =	sst s1  }
0xa: {  	[smem:$0x3FA8] =	sst s2  }
0xb: {  	[smem:$0x3FA9] =	sst s3  }
0xc: {  	[smem:$0x3FAA] =	sst s4  }
0xd: {  	[smem:$0x3FAB] =	sst s5  }
0xe: {  	[smem:$0x3FAC] =	sst s6  }
0xf: {  	[smem:$0x3FAD] =	sst s7  }
0x10: {  	[smem:$0x3FAE] =	sst s8  }
0x11: {  	[smem:$0x3FAF] =	sst s9;
	s0 =	simm.s32 @!p0 $0x0  }
0x12: {  	s1 =	sld [smem:$0x3F95];
	s0 =	simm.s32 @p0 $0x1  }
0x13: {  	[smem:$0x3FB0] =	sst s0;
	s0 =	simm.s32 @!p1 $0x0  }
0x14: {  	s2 =	sld [smem:$0x3F94];
	s0 =	simm.s32 @p1 $0x1  }
0x15: {  	[smem:$0x3FB1] =	sst s0;
	s0 =	simm.s32 @!p2 $0x0  }
0x16: {  	s3 =	sld [smem:$0x3FDB];
	s0 =	simm.s32 @p2 $0x1  }
0x17: {  	s4 =	simm.s32 $0x1BF5;
	[smem:$0x3FB3] =	sst s0  }
0x18: {  	s0 =	sld [smem:$0x3F96];
	_ =	swait.ge [sflag:s4], $0x0  }
0x19: {  	s7 =	sld [smem:$0x3F97]  }
0x1a: {  	s8 =	sadd.s32 $0xFFFFE003, lr  }
0x1b: {  	s9 =	sadd.s32 $0xFFFFFEF7, lr;
	s5 =	simm.s32 $0xFFFFFFFF;
	p2 =	slt.u32 s8, $0xFFFFF086  }
0x1c: {  	p1 =	slt.u32 s9, $0xF7A;
	s5 =	simm.s32 @!p2 $0x0  }
0x1d: {  	s5 =	simm.s32 @p1 $0x1;
	p0 =	seq.s32 s7, s2  }
0x1e: {  	s7 =	smul.u32 @!p0 $0xF7A, s2;
	p2 =	seq.s32 @!p0 s5, $0x0  }
0x1f: {  	s9 =	smul.u32 $0xF7A, s1;
	s8 =	simm.s32 @!p0 $0x1BF5;
	p2 =	por !p2, p0  }
0x20: {  	[sflag:s8] =	ssyncset.s32 @!p0 $0xFFFFF086;
	s6 =	sadd.s32 @!p0 s3, s7;
	s7 =	simm.s32 @!p0 $0x108  }
0x21: {  	s3 =	sadd.s32 s3, s9;
	s6 =	sadd.s32 @!p0 $0x88, s6;
	s7 =	simm.s32 @p2 $0x1082  }
0x22: {  	[simem:s7], [sflag:s8] =	dma.local @!p0 [hbm:s6], $0xF7A  }
0x23: {  	s9 =	sor.u32 $0xD0000000, s2;
	s6 =	simm.s32 $0x108;
	_ =	swait.ge @!p0 [sflag:s8], $0x0  }
0x24: {  	s3 =	sadd.s32 $0x88, s3;
	s6 =	simm.s32 @!p1 $0x1082;
	[sflag:s4] =	ssyncset.s32 $0xFFFFF086  }
0x25: {  	[simem:s6], [sflag:s4] =	dma.local [hbm:s3], $0xF7A  }
0x26: {  	[smem:$0x3F97] =	sst s1;
	(tag) =	ssettag s2;
	_ =	strace s9  }
0x27: {  	s1 =	sld [smem:$0x3FA7]  }
0x28: {  	s2 =	sld [smem:$0x3FA8]  }
0x29: {  	s4 =	sld [smem:$0x3FAA]  }
0x2a: {  	p0 =	seq.s32 s5, $0x0;
	s5 =	sld [smem:$0x3FAB]  }
0x2b: {  	s6 =	sld [smem:$0x3FAC]  }
0x2c: {  	s7 =	sld [smem:$0x3FAD]  }
0x2d: {  	s3 =	simm.s32 $0x108;
	s8 =	sld [smem:$0x3FAE]  }
0x2e: {  	s3 =	simm.s32 @!p0 $0x1082;
	s9 =	sld [smem:$0x3FAF]  }
0x2f: {  	lr =	sadd.s32 s0, s3;
	s0 =	sld [smem:$0x3FA6]  }
0x30: {  	s3 =	sld [smem:$0x3FA9]  }
0x31: {  	[smem:$0x3FB2] =	sst s10  }
0x32: {  	s10 =	sld [smem:$0x3FB0];
	_ =	sdelay $0x3  }
0x33: {  	p0 =	seq.s32 s10, $0x1;
	s10 =	sld [smem:$0x3FB2];
	_ =	sdelay $0x3  }
0x34: {  	[smem:$0x3FB2] =	sst s10  }
0x35: {  	s10 =	sld [smem:$0x3FB1];
	_ =	sdelay $0x3  }
0x36: {  	p1 =	seq.s32 s10, $0x1;
	s10 =	sld [smem:$0x3FB2];
	_ =	sdelay $0x3  }
0x37: {  	[smem:$0x3FB2] =	sst s10  }
0x38: {  	s10 =	sld [smem:$0x3FB3]  }
0x39: {  	_ = 	snop;
	(pc) =	sbr.ind lr, $3  }
0x3a: {  	_ = 	snop  }
0x3b: {  	_ = 	snop  }
0x3c: {  	p2 =	seq.s32 s10, $0x1;
	s10 =	sld [smem:$0x3FB2]  }
0x3d: {  	_ =	shalt  }
0x3e: {  	_ =	shalt  }
0x3f: {  	_ =	shalt  }
0x40: {  	_ =	shalt  }
0x41: {  	_ =	shalt  }
0x42: {  	_ =	shalt  }
0x43: {  	_ =	shalt  }
0x44: {  	_ =	shalt  }
0x45: {  	_ =	shalt  }
0x46: {  	_ =	shalt  }
0x47: {  	_ =	shalt  }
0x48: {  	_ =	shalt  }
0x49: {  	_ =	shalt  }
0x4a: {  	_ =	shalt  }
0x4b: {  	_ =	shalt  }
0x4c: {  	_ =	shalt  }
0x4d: {  	_ =	shalt  }
0x4e: {  	_ =	shalt  }
0x4f: {  	_ =	shalt  }
0x50: {  	_ =	shalt  }
0x51: {  	_ =	shalt  }
0x52: {  	_ =	shalt  }
0x53: {  	_ =	shalt  }
0x54: {  	_ =	shalt  }
0x55: {  	_ =	shalt  }
0x56: {  	_ =	shalt  }
0x57: {  	_ =	shalt  }
0x58: {  	_ =	shalt  }
0x59: {  	_ =	shalt  }
0x5a: {  	_ =	shalt  }
0x5b: {  	_ =	shalt  }
0x5c: {  	_ =	shalt  }
0x5d: {  	_ =	shalt  }
0x5e: {  	_ =	shalt  }
0x5f: {  	_ =	shalt  }
0x60: {  	_ =	shalt  }
0x61: {  	_ =	shalt  }
0x62: {  	_ =	shalt  }
0x63: {  	_ =	shalt  }
0x64: {  	_ =	shalt  }
0x65: {  	_ =	shalt  }
0x66: {  	_ =	shalt  }
0x67: {  	_ =	shalt  }
0x68: {  	_ =	shalt  }
0x69: {  	_ =	shalt  }
0x6a: {  	_ =	shalt  }
0x6b: {  	_ =	shalt  }
0x6c: {  	_ =	shalt  }
0x6d: {  	_ =	shalt  }
0x6e: {  	_ =	shalt  }
0x6f: {  	_ =	shalt  }
0x70: {  	_ =	shalt  }
0x71: {  	_ =	shalt  }
0x72: {  	_ =	shalt  }
0x73: {  	_ =	shalt  }
0x74: {  	_ =	shalt  }
0x75: {  	_ =	shalt  }
0x76: {  	_ =	shalt  }
0x77: {  	_ =	shalt  }
0x78: {  	_ =	shalt  }
0x79: {  	_ =	shalt  }
0x7a: {  	_ =	shalt  }
0x7b: {  	_ =	shalt  }
0x7c: {  	_ =	shalt  }
0x7d: {  	_ =	shalt  }
0x7e: {  	_ =	shalt  }
0x7f: {  	_ =	shalt  }
0x80: {  	_ =	shalt  }
0x81: {  	_ =	shalt  }
0x82: {  	_ =	shalt  }
0x83: {  	_ =	shalt  }
0x84: {  	_ =	shalt  }
0x85: {  	_ =	shalt  }
0x86: {  	_ =	shalt  }
0x87: {  	_ =	shalt  }
.Lfunc_end0:
.L_simem_size_0:
called_computation.2_lowered:
.L_overlay_start_0:
0x88: {  	s2 =	sld [smem:$0x3FD9]  }
0x89: {  	s3 =	sld [smem:$0x3FFE];
	_ =	sdelay $0x1  }
0x8a: {  	s1 =	srdreg.scid  }
0x8b: {  	s0 =	sand.u32 $0x1, s1  }
0x8c: {  	s16 =	sshll.u32 s0, $0xA;
	s2 =	sadd.s32 s3, s2  }
0x8d: {  	s2 =	sadd.s32 s2, s16  }
0x8e: {  	[smem:$0x3FBE] =	sst s2  }
0x8f: {  	_ = 	snop  }
0x90: {  	(tm) =	ssettm $0x1  }
0x91: {  	s17 =	sld [smem:$0x3FFB];
	_ =	sdelay $0x3  }
0x92: {  	_ =	strace s17  }
0x93: {  	s2 =	sld [smem:$0x3FFC];
	_ =	sdelay $0x3  }
0x94: {  	_ =	strace s2  }
0x95: {  	s2 =	sld [smem:$0x3FFD];
	_ =	sdelay $0x3  }
0x96: {  	_ =	strace s2  }
0x97: {  	_ =	strace $0x8FFFFFFF  }
0x98: {  	s18 =	sld [smem:$0x3FDB];
	_ =	sdelay $0x1  }
0x99: {  	s19 =	simm.s32 $_scs_section_size  }
0x9a: {  	s4 =	simm.s32 $_size__tile_overlayer_lowered;
	s5 =	simm.s32 $_tile_overlayer_lowered  }
0x9b: {  	s22 =	simm.s32 $0x1BFF;
	s21 =	sshll.u32 s5, $0x1;
	s2 =	sadd.s32 s19, s18  }
0x9c: {  	s6 =	simm.s32 $0x0;
	s20 =	sshll.u32 s4, $0x1;
	s4 =	sadd.s32 s21, s2  }
0x9d: {  	[timem:s6], [sflag:s22] =	dma.local [hbm:s4], s20  }
0x9e: {  	_ =	swait.ge [sflag:s22], s20  }
0x9f: {  	s3 =	ssub.s32 $0x0, s20;
	[sflag:s22] =	ssyncset.done $0x0  }
0xa0: {  	[sflag:s22] =	ssyncadd.s32 s3;
	_ =	sdelay $0x1  }
0xa1: {  	s23 =	simm.s32 $0x1B8B  }
0xa2: {  	_ =	swait.ge [sflag:s23], $0x1  }
0xa3: {  	[sflag:s23] =	ssyncset.done $0x0  }
0xa4: {  	s25 =	simm.s32 $0x1B8E;
	s24 =	sld [smem:$0x3FFE];
	[sflag:s23] =	ssyncadd.s32 $0xFFFFFFFF  }
0xa5: {  	s26 =	simm.s32 $execute0_lowered;
	[smem:$0x3FD2] =	sst s25  }
0xa6: {  	s4 =	sshll.u32 s26, $0x1;
	_ =	strace $0x8000004C;
	[dreg:$0x1] =	wrdreg $0xFFFFFFFF  }
0xa7: {  	s28 =	simm.s32 $_size_execute0_lowered;
	s2 =	sadd.s32 s2, s4;
	[dreg:$0x0] =	wrdreg $0x0  }
0xa8: {  	s4 =	sshll.u32 s28, $0x1;
	[dreg:$0x2] =	wrdreg s2  }
0xa9: {  	[dreg:$0x3] =	wrdreg s4  }
0xaa: {  	[dreg:$0x4] =	wrdreg $0xC0  }
0xab: {  	_ =	task [dreg:s6], $0x5FFFF  }
0xac: {  	[dreg:$0x1] =	wrdreg $0xFFFFFFFF  }
0xad: {  	[dreg:$0x0] =	wrdreg $0x60  }
0xae: {  	[dreg:$0x2] =	wrdreg s24  }
0xaf: {  	[dreg:$0x3] =	wrdreg $0x90000  }
0xb0: {  	[dreg:$0x4] =	wrdreg $0x9  }
0xb1: {  	_ =	task.clear_ibuf [dreg:s6], $0x5FFFF;
	_ =	strace $0x9000004C  }
0xb2: {  	s29 =	simm.s32 $0x9;
	_ =	strace $0x8000004E  }
0xb3: {  	_ =	swait.ge [sflag:s29], $0x1  }
0xb4: {  	[sflag:s29] =	ssyncadd.s32 $0xFFFFFFFF  }
0xb5: {  	_ =	strace $0x9000004E  }
0xb6: {  	_ =	sfence  }
0xb7: {  	s30 =	sld [smem:$0x0];
	_ =	sdelay $0x2  }
0xb8: {  	s31 =	sshll.u32 s1, $0xD;
	s1 =	sshrl.u32 s1, $0x2  }
0xb9: {  	s3 =	sand.u32 $0x4000, s31;
	s1 =	sadd.s32 s1, s30  }
0xba: {  	s0 =	sor.u32 s3, s0;
	s1 =	sshll.u32 s1, $0x11  }
0xbb: {  	s0 =	sor.u32 s1, s0  }
0xbc: {  	s0 =	sadd.s32 $0x8F2B, s0  }
0xbd: {  	[sflag:s0] =	ssyncadd.remote.s32 $0x1  }
0xbe: {  	_ =	sfence.sel $0xFFFF  }
0xbf: {  	[dreg:$0x0] =	wrdreg $0xFFFFFFFF;
	(pc) =	sbr.abs _section_cstart, $3  }
0xc0: {  	[dreg:$0x1] =	wrdreg $0xFFFFFFFF  }
0xc1: {  	_ =	task.clear_ibuf [dreg:s6], $0x2FFFF;
	_ =	strace $0x9FFFFFFF  }
0xc2: {  	(tm) =	ssettm $0x7FFFFFFF  }
0xc3: {  	_ =	shalt  }
tec
execute0_lowered:
.L_overlay_start_1:
0x0: {  	(tag) =	ssettag $0x1  }
0x1: {  	s0 =	srdreg.scid;
	s1 =	rddreg [dreg:$0x0]  }
0x2: {  	s9 =	stileid.u32;
	s2 =	rddreg [dreg:$0x1]  }
0x3: {  	s11 =	simm.s32 $0x9;
	s13 =	simm.s32 $0x80;
	s14 =	simm.s32 $0x5000  }
0x4: {  	s15 =	simm.s32 $0x6000;
	s17 =	simm.s32 $0x7000;
	s19 =	simm.s32 $0x8000  }
0x5: {  	s20 =	simm.s32 $0x1;
	s21 =	simm.s32 $0x2;
	s22 =	simm.s32 $0x3  }
0x6: {  	s23 =	simm.s32 $0x4;
	s28 =	simm.s32 $0x7;
	s29 =	simm.s32 $0x8  }
0x7: {  	s31 =	simm.s32 $0x4E80;
	s0 =	sand.u32 $0x1, s0;
	s6 =	smul.u32 $0x4F00, s9  }
0x8: {  	s30 =	sshll.u32 s9, $0x6;
	s3 =	sshll.u32 s0, $0x4;
	s7 =	smul.u32 $0x9E00, s0  }
0x9: {  	s0 =	ssub.s32 $0x2, s0;
	s4 =	sor.u32 s9, s3;
	s3 =	simm.s32 $0x0  }
0xa: {  	s12 =	sshrl.u32 s6, $0x3;
	s26 =	sshrl.u32 s0, $0x1;
	s10 =	sadd.s32 s6, s2  }
0xb: {  	s6 =	sor.u32 $0x1C09, s30;
	s5 =	smul.u32 $0x500, s4;
	[smem:$0x7FF] =	sst s3  }
0xc: {  	s4 =	sadd.s32 $0x65200, s1;
	s25 =	sadd.s32 s12, s1;
	s0 =	ssub.s32 s0, s26  }
0xd: {  	s10 =	sshrl.u32 s10, $0x3;
	s26 =	simm.s32 $0x6;
	_ =	strace $0x8000004D  }
0xe: {  	s9 =	smax.u32 s0, $0x1;
	s0 =	simm.s32 $0x4F80;
	s8 =	sadd.s32 s5, s1  }
0xf: {  	s1 =	sadd.s32 s7, s1;
	s5 =	sadd.s32 $0x6F000, s25;
	s25 =	simm.s32 $0x5  }
0x10: {  	s7 =	sadd.s32 $0xC200, s8;
	s8 =	sadd.s32 $0x2200, s8;
	s1 =	sadd.s32 $0x78E00, s1  }
0x11: {  	s24 =	sadd.s32 s12, s1;
	s1 =	simm.s32 $0x4F00;
	s12 =	simm.s32 $0x0  }
.LBB2_1:
0x12: {  	[spmem:s10], [sflag:s6] =	dma.local [hbm:s5], $0x9E0  }
0x13: {  	_ =	swait.ge [sflag:s11], $0x9E0  }
0x14: {  	[sflag:s11] =	ssyncset.done $0x0  }
0x15: {  	[sflag:s11] =	ssyncadd.s32 $0xFFFFF620  }
0x16: {  	[tilespmem:s3], [sflag:$0x9] =	stream.linear.gather [hbm4b:s7+s3], $0x2800, $0x38;
	[tilespmem:$0xDF00] =	vst v63  }
0x17: {  	_ =	swait.ge [sflag:s11], $0x2800  }
0x18: {  	[sflag:s11] =	ssyncset.done $0x0  }
0x19: {  	s16 =	simm.s32 $0x2800;
	[sflag:s11] =	ssyncadd.s32 $0xFFFFD800  }
0x1a: {  	[tilespmem:s16], [sflag:$0x9] =	stream.linear.gather [hbm4b:s8+s3], $0x2800, $0x38;
	[tilespmem:$0xDF00] =	vst v63  }
0x1b: {  	_ =	swait.ge [sflag:s11], $0x2800  }
0x1c: {  	[sflag:s11] =	ssyncset.done $0x0  }
0x1d: {  	[sflag:s11] =	ssyncadd.s32 $0xFFFFD800  }
0x1e: {  	[bflag:$0x0] =	sbarrier.arrive $0xFFFF  }
0x1f: {  	[tilespmem:s14], [sflag:$0x1] =	stream.indirect.gather [hbm4b:s4+s13], $0x20, s3, s13, $0xb8;
	[tilespmem:$0xDF00] =	vst v63  }
0x20: {  	_ = 	snop  }
0x21: {  	[tilespmem:s15], [sflag:$0x2] =	stream.indirect.gather [hbm4b:s4+s13], $0x20, s13, s13, $0xb8;
	[tilespmem:$0xDF00] =	vst v63  }
0x22: {  	s30 =	simm.s32 $0x100  }
0x23: {  	[tilespmem:s17], [sflag:$0x3] =	stream.indirect.gather [hbm4b:s4+s13], $0x20, s30, s13, $0xb8;
	[tilespmem:$0xDF00] =	vst v63  }
0x24: {  	s18 =	simm.s32 $0x180  }
0x25: {  	[tilespmem:s19], [sflag:$0x4] =	stream.indirect.gather [hbm4b:s4+s13], $0x20, s18, s13, $0xb8;
	[tilespmem:$0xDF00] =	vst v63  }
0x26: {  	_ =	swait.ge [sflag:s20], $0x1000  }
0x27: {  	[sflag:s20] =	ssyncset.done $0x0  }
0x28: {  	s30 =	simm.s32 $0x2800;
	[sflag:s20] =	ssyncadd.s32 $0xFFFFF000  }
0x29: {  	[spmem:s2] =	stream.indirect.scatter.add.f32 [tilespmem:s14], [sflag:$0x5], $0x20, s30, s13, $0xb8;
	[tilespmem:$0xDF00] =	vst v63  }
0x2a: {  	_ =	swait.ge [sflag:s21], $0x1000  }
0x2b: {  	[sflag:s21] =	ssyncset.done $0x0  }
0x2c: {  	s18 =	simm.s32 $0x2880;
	[sflag:s21] =	ssyncadd.s32 $0xFFFFF000  }
0x2d: {  	[spmem:s2] =	stream.indirect.scatter.add.f32 [tilespmem:s15], [sflag:$0x6], $0x20, s18, s13, $0xb8;
	[tilespmem:$0xDF00] =	vst v63  }
0x2e: {  	_ =	swait.ge [sflag:s22], $0x1000  }
0x2f: {  	[sflag:s22] =	ssyncset.done $0x0  }
0x30: {  	s30 =	simm.s32 $0x2900;
	[sflag:s22] =	ssyncadd.s32 $0xFFFFF000  }
0x31: {  	[spmem:s2] =	stream.indirect.scatter.add.f32 [tilespmem:s17], [sflag:$0x7], $0x20, s30, s13, $0xb8;
	[tilespmem:$0xDF00] =	vst v63  }
0x32: {  	_ =	swait.ge [sflag:s23], $0x1000  }
0x33: {  	[sflag:s23] =	ssyncset.done $0x0  }
0x34: {  	s18 =	simm.s32 $0x2980;
	[sflag:s23] =	ssyncadd.s32 $0xFFFFF000  }
0x35: {  	[spmem:s2] =	stream.indirect.scatter.add.f32 [tilespmem:s19], [sflag:$0x8], $0x20, s18, s13, $0xb8;
	[tilespmem:$0xDF00] =	vst v63  }
0x36: {  	_ =	swait.ge [sflag:s25], $0x1000  }
0x37: {  	[sflag:s25] =	ssyncset.done $0x0  }
0x38: {  	s30 =	simm.s32 $0x200;
	[sflag:s25] =	ssyncadd.s32 $0xFFFFF000  }
0x39: {  	[tilespmem:s14], [sflag:$0x1] =	stream.indirect.gather [hbm4b:s4+s13], $0x20, s30, s13, $0xb8;
	[tilespmem:$0xDF00] =	vst v63  }
0x3a: {  	_ =	swait.ge [sflag:s26], $0x1000  }
0x3b: {  	[sflag:s26] =	ssyncset.done $0x0  }
0x3c: {  	s18 =	simm.s32 $0x280;
	[sflag:s26] =	ssyncadd.s32 $0xFFFFF000  }
0x3d: {  	[tilespmem:s15], [sflag:$0x2] =	stream.indirect.gather [hbm4b:s4+s13], $0x20, s18, s13, $0xb8;
	[tilespmem:$0xDF00] =	vst v63  }
0x3e: {  	_ =	swait.ge [sflag:s28], $0x1000  }
0x3f: {  	[sflag:s28] =	ssyncset.done $0x0  }
0x40: {  	s30 =	simm.s32 $0x300;
	[sflag:s28] =	ssyncadd.s32 $0xFFFFF000  }
0x41: {  	[tilespmem:s17], [sflag:$0x3] =	stream.indirect.gather [hbm4b:s4+s13], $0x20, s30, s13, $0xb8;
	[tilespmem:$0xDF00] =	vst v63  }
0x42: {  	_ =	swait.ge [sflag:s29], $0x1000  }
0x43: {  	[sflag:s29] =	ssyncset.done $0x0  }
0x44: {  	s16 =	simm.s32 $0x800;
	s18 =	simm.s32 $0x380;
	[sflag:s29] =	ssyncadd.s32 $0xFFFFF000  }
.LBB2_2:
0x45: {  	[tilespmem:s19], [sflag:$0x4] =	stream.indirect.gather [hbm4b:s4+s13], $0x20, s18, s13, $0xb8;
	[tilespmem:$0xDF00] =	vst v63  }
0x46: {  	s18 =	smov.u32 s16  }
0x47: {  	p0 =	sne.s32 s16, $0x9000;
	s16 =	sadd.s32 $0x800, s16;
	_ =	swait.ge [sflag:s20], $0x1000  }
0x48: {  	s18 =	sshra.s32 s18, $0x2;
	[sflag:s20] =	ssyncset.done $0x0  }
0x49: {  	s30 =	sadd.s32 $0x2800, s18;
	[sflag:s20] =	ssyncadd.s32 $0xFFFFF000  }
0x4a: {  	[spmem:s2] =	stream.indirect.scatter.add.f32 [tilespmem:s14], [sflag:$0x5], $0x20, s30, s13, $0xb8;
	[tilespmem:$0xDF00] =	vst v63  }
0x4b: {  	_ =	swait.ge [sflag:s21], $0x1000  }
0x4c: {  	[sflag:s21] =	ssyncset.done $0x0  }
0x4d: {  	s30 =	sadd.s32 $0x2880, s18;
	[sflag:s21] =	ssyncadd.s32 $0xFFFFF000  }
0x4e: {  	[spmem:s2] =	stream.indirect.scatter.add.f32 [tilespmem:s15], [sflag:$0x6], $0x20, s30, s13, $0xb8;
	[tilespmem:$0xDF00] =	vst v63  }
0x4f: {  	_ =	swait.ge [sflag:s22], $0x1000  }
0x50: {  	[sflag:s22] =	ssyncset.done $0x0  }
0x51: {  	s30 =	sadd.s32 $0x2900, s18;
	[sflag:s22] =	ssyncadd.s32 $0xFFFFF000  }
0x52: {  	[spmem:s2] =	stream.indirect.scatter.add.f32 [tilespmem:s17], [sflag:$0x7], $0x20, s30, s13, $0xb8;
	[tilespmem:$0xDF00] =	vst v63  }
0x53: {  	_ =	swait.ge [sflag:s23], $0x1000  }
0x54: {  	[sflag:s23] =	ssyncset.done $0x0  }
0x55: {  	s30 =	sadd.s32 $0x2980, s18;
	[sflag:s23] =	ssyncadd.s32 $0xFFFFF000  }
0x56: {  	[spmem:s2] =	stream.indirect.scatter.add.f32 [tilespmem:s19], [sflag:$0x8], $0x20, s30, s13, $0xb8;
	[tilespmem:$0xDF00] =	vst v63  }
0x57: {  	_ =	swait.ge [sflag:s25], $0x1000  }
0x58: {  	[sflag:s25] =	ssyncset.done $0x0  }
0x59: {  	s30 =	sadd.s32 $0x200, s18;
	[sflag:s25] =	ssyncadd.s32 $0xFFFFF000  }
0x5a: {  	[tilespmem:s14], [sflag:$0x1] =	stream.indirect.gather [hbm4b:s4+s13], $0x20, s30, s13, $0xb8;
	[tilespmem:$0xDF00] =	vst v63  }
0x5b: {  	_ =	swait.ge [sflag:s26], $0x1000  }
0x5c: {  	[sflag:s26] =	ssyncset.done $0x0  }
0x5d: {  	s30 =	sadd.s32 $0x280, s18;
	[sflag:s26] =	ssyncadd.s32 $0xFFFFF000  }
0x5e: {  	[tilespmem:s15], [sflag:$0x2] =	stream.indirect.gather [hbm4b:s4+s13], $0x20, s30, s13, $0xb8;
	[tilespmem:$0xDF00] =	vst v63  }
0x5f: {  	_ =	swait.ge [sflag:s28], $0x1000  }
0x60: {  	[sflag:s28] =	ssyncset.done $0x0  }
.Ltmp0:
0x61: {  	s30 =	sadd.s32 $0x300, s18;
	[sflag:s28] =	ssyncadd.s32 $0xFFFFF000;
	(pc) =	sbr.rel @p0 .LBB2_2-.Ltmp0, $4  }
0x62: {  	[tilespmem:s17], [sflag:$0x3] =	stream.indirect.gather [hbm4b:s4+s13], $0x20, s30, s13, $0xb8;
	[tilespmem:$0xDF00] =	vst v63  }
0x63: {  	_ =	swait.ge [sflag:s29], $0x1000  }
0x64: {  	[sflag:s29] =	ssyncset.done $0x0  }
0x65: {  	s18 =	sadd.s32 $0x380, s18;
	[sflag:s29] =	ssyncadd.s32 $0xFFFFF000  }
0x66: {  	[tilespmem:s19], [sflag:$0x4] =	stream.indirect.gather [hbm4b:s4+s13], $0x20, s18, s13, $0xb8;
	[tilespmem:$0xDF00] =	vst v63  }
0x67: {  	_ =	swait.ge [sflag:s20], $0x1000  }
0x68: {  	[sflag:s20] =	ssyncset.done $0x0  }
0x69: {  	s16 =	simm.s32 $0x4E00;
	[sflag:s20] =	ssyncadd.s32 $0xFFFFF000  }
0x6a: {  	[spmem:s2] =	stream.indirect.scatter.add.f32 [tilespmem:s14], [sflag:$0x5], $0x20, s16, s13, $0xb8;
	[tilespmem:$0xDF00] =	vst v63  }
0x6b: {  	_ =	swait.ge [sflag:s21], $0x1000  }
0x6c: {  	[sflag:s21] =	ssyncset.done $0x0  }
0x6d: {  	[sflag:s21] =	ssyncadd.s32 $0xFFFFF000  }
0x6e: {  	[spmem:s2] =	stream.indirect.scatter.add.f32 [tilespmem:s15], [sflag:$0x6], $0x20, s31, s13, $0xb8;
	[tilespmem:$0xDF00] =	vst v63  }
0x6f: {  	_ =	swait.ge [sflag:s22], $0x1000  }
0x70: {  	[sflag:s22] =	ssyncset.done $0x0  }
0x71: {  	[sflag:s22] =	ssyncadd.s32 $0xFFFFF000  }
0x72: {  	[spmem:s2] =	stream.indirect.scatter.add.f32 [tilespmem:s17], [sflag:$0x7], $0x20, s1, s13, $0xb8;
	[tilespmem:$0xDF00] =	vst v63  }
0x73: {  	_ =	swait.ge [sflag:s23], $0x1000  }
0x74: {  	[sflag:s23] =	ssyncset.done $0x0  }
0x75: {  	[sflag:s23] =	ssyncadd.s32 $0xFFFFF000  }
0x76: {  	[spmem:s2] =	stream.indirect.scatter.add.f32 [tilespmem:s19], [sflag:$0x8], $0x20, s0, s13, $0xb8;
	[tilespmem:$0xDF00] =	vst v63  }
0x77: {  	_ =	swait.ge [sflag:s25], $0x1000  }
0x78: {  	[sflag:s25] =	ssyncset.done $0x0  }
0x79: {  	[sflag:s25] =	ssyncadd.s32 $0xFFFFF000  }
0x7a: {  	_ =	swait.ge [sflag:s26], $0x1000  }
0x7b: {  	[sflag:s26] =	ssyncset.done $0x0  }
0x7c: {  	[sflag:s26] =	ssyncadd.s32 $0xFFFFF000  }
0x7d: {  	_ =	swait.ge [sflag:s28], $0x1000  }
0x7e: {  	[sflag:s28] =	ssyncset.done $0x0  }
0x7f: {  	[sflag:s28] =	ssyncadd.s32 $0xFFFFF000  }
0x80: {  	_ =	swait.ge [sflag:s29], $0x1000  }
0x81: {  	s12 =	sadd.s32 $0x1, s12;
	[sflag:s29] =	ssyncset.done $0x0  }
0x82: {  	p0 =	sne.s32 s12, s9;
	[sflag:s29] =	ssyncadd.s32 $0xFFFFF000  }
.Ltmp1:
0x83: {  	[bflag:$0x0] =	sbarrier.arrive $0xFFFF;
	(pc) =	sbr.rel @p0 .LBB2_1-.Ltmp1, $4  }
0x84: {  	[hbm:s24], [sflag:s6] =	dma.local [spmem:s10], $0x9E0  }
0x85: {  	_ =	swait.ge [sflag:s11], $0x9E0  }
0x86: {  	[sflag:s11] =	ssyncset.done $0x0  }
0x87: {  	[sflag:s11] =	ssyncadd.s32 $0xFFFFF620  }
0x88: {  	_ =	sfence.sel $0x180000  }
0x89: {  	[bflag:$0x0] =	sbarrier.arrive $0xFFFF  }
0x8a: {  	_ =	strace $0x9000004D  }
0x8b: {  	s0 =	stileid.u32;
	[bflag:$0x2] =	sbarrier.arrive $0xFFFF  }
0x8c: {  	p0 =	sne.s32 s0, $0x0;
	s0 =	rddreg [dreg:$0x2]  }
0x8d: {  	s0 =	sadd.s32 @!p0 $0x100000, s0  }
0x8e: {  	[sflag:s0] =	ssyncadd.tile.s32 @!p0 $0x1;
	_ =	shalt  }
.Lfunc_end2:
_tile_overlayer_lowered:
.L_overlay_start_2:
0x8f: {  	(tag) =	ssettag $0x2  }
0x90: {  	s0 =	rddreg [dreg:$0x0];
	s2 =	stileid.u32  }
0x91: {  	s1 =	rddreg [dreg:$0x1];
	p0 =	sne.s32 s2, $0x0  }
0x92: {  	s3 =	rddreg [dreg:$0x2];
	[bflag:$0x3] =	sbarrier.arrive $0xFFFF;
	s2 =	simm.s32 @!p0 $0x1C09  }
0x93: {  	[timem:s3], [sflag:s2] =	dma.local @!p0 [hbm:s0], s1  }
0x94: {  	s0 =	simm.s32 @!p0 $0x9  }
0x95: {  	_ =	swait.ge @!p0 [sflag:s0], s1  }
0x96: {  	s1 =	ssub.s32 @!p0 $0x0, s1;
	[sflag:s0] =	ssyncset.done @!p0 $0x0  }
0x97: {  	[sflag:s0] =	ssyncadd.s32 @!p0 s1  }
0x98: {  	[bflag:$0x3] =	sbarrier.arrive $0xFFFF  }
0x99: {  	_ =	shalt  }

// kernel: kernel.20.cloned.1.call-start
scs
__scs_entry_jumppad:
0x0: {  	(pc) =	sbr.rel $0x88, $3  }
0x1: {  	(tag) =	ssettag $0x0;
	lr =	simm.s32 $0x1  }
0x2: {  	[smem:$0x3F97] =	sst lr;
	_ =	strace $0xD0000000  }
0x3: {  	_ = 	snop  }
0x4: {  	_ = 	snop  }
0x5: {  	_ = 	snop  }
0x6: {  	_ = 	snop  }
0x7: {  	_ = 	snop  }
__scs_overlays_trampoline_lowered:
0x8: {  	[smem:$0x3FA6] =	sst s0  }
0x9: {  	[smem:$0x3FA7] =	sst s1  }
0xa: {  	[smem:$0x3FA8] =	sst s2  }
0xb: {  	[smem:$0x3FA9] =	sst s3  }
0xc: {  	[smem:$0x3FAA] =	sst s4  }
0xd: {  	[smem:$0x3FAB] =	sst s5  }
0xe: {  	[smem:$0x3FAC] =	sst s6  }
0xf: {  	[smem:$0x3FAD] =	sst s7  }
0x10: {  	[smem:$0x3FAE] =	sst s8  }
0x11: {  	[smem:$0x3FAF] =	sst s9;
	s0 =	simm.s32 @!p0 $0x0  }
0x12: {  	s1 =	sld [smem:$0x3F95];
	s0 =	simm.s32 @p0 $0x1  }
0x13: {  	[smem:$0x3FB0] =	sst s0;
	s0 =	simm.s32 @!p1 $0x0  }
0x14: {  	s2 =	sld [smem:$0x3F94];
	s0 =	simm.s32 @p1 $0x1  }
0x15: {  	[smem:$0x3FB1] =	sst s0;
	s0 =	simm.s32 @!p2 $0x0  }
0x16: {  	s3 =	sld [smem:$0x3FDB];
	s0 =	simm.s32 @p2 $0x1  }
0x17: {  	s4 =	simm.s32 $0x1BF5;
	[smem:$0x3FB3] =	sst s0  }
0x18: {  	s0 =	sld [smem:$0x3F96];
	_ =	swait.ge [sflag:s4], $0x0  }
0x19: {  	s7 =	sld [smem:$0x3F97]  }
0x1a: {  	s8 =	sadd.s32 $0xFFFFE003, lr  }
0x1b: {  	s9 =	sadd.s32 $0xFFFFFEF7, lr;
	s5 =	simm.s32 $0xFFFFFFFF;
	p2 =	slt.u32 s8, $0xFFFFF086  }
0x1c: {  	p1 =	slt.u32 s9, $0xF7A;
	s5 =	simm.s32 @!p2 $0x0  }
0x1d: {  	s5 =	simm.s32 @p1 $0x1;
	p0 =	seq.s32 s7, s2  }
0x1e: {  	s7 =	smul.u32 @!p0 $0xF7A, s2;
	p2 =	seq.s32 @!p0 s5, $0x0  }
0x1f: {  	s9 =	smul.u32 $0xF7A, s1;
	s8 =	simm.s32 @!p0 $0x1BF5;
	p2 =	por !p2, p0  }
0x20: {  	[sflag:s8] =	ssyncset.s32 @!p0 $0xFFFFF086;
	s6 =	sadd.s32 @!p0 s3, s7;
	s7 =	simm.s32 @!p0 $0x108  }
0x21: {  	s3 =	sadd.s32 s3, s9;
	s6 =	sadd.s32 @!p0 $0x88, s6;
	s7 =	simm.s32 @p2 $0x1082  }
0x22: {  	[simem:s7], [sflag:s8] =	dma.local @!p0 [hbm:s6], $0xF7A  }
0x23: {  	s9 =	sor.u32 $0xD0000000, s2;
	s6 =	simm.s32 $0x108;
	_ =	swait.ge @!p0 [sflag:s8], $0x0  }
0x24: {  	s3 =	sadd.s32 $0x88, s3;
	s6 =	simm.s32 @!p1 $0x1082;
	[sflag:s4] =	ssyncset.s32 $0xFFFFF086  }
0x25: {  	[simem:s6], [sflag:s4] =	dma.local [hbm:s3], $0xF7A  }
0x26: {  	[smem:$0x3F97] =	sst s1;
	(tag) =	ssettag s2;
	_ =	strace s9  }
0x27: {  	s1 =	sld [smem:$0x3FA7]  }
0x28: {  	s2 =	sld [smem:$0x3FA8]  }
0x29: {  	s4 =	sld [smem:$0x3FAA]  }
0x2a: {  	p0 =	seq.s32 s5, $0x0;
	s5 =	sld [smem:$0x3FAB]  }
0x2b: {  	s6 =	sld [smem:$0x3FAC]  }
0x2c: {  	s7 =	sld [smem:$0x3FAD]  }
0x2d: {  	s3 =	simm.s32 $0x108;
	s8 =	sld [smem:$0x3FAE]  }
0x2e: {  	s3 =	simm.s32 @!p0 $0x1082;
	s9 =	sld [smem:$0x3FAF]  }
0x2f: {  	lr =	sadd.s32 s0, s3;
	s0 =	sld [smem:$0x3FA6]  }
0x30: {  	s3 =	sld [smem:$0x3FA9]  }
0x31: {  	[smem:$0x3FB2] =	sst s10  }
0x32: {  	s10 =	sld [smem:$0x3FB0];
	_ =	sdelay $0x3  }
0x33: {  	p0 =	seq.s32 s10, $0x1;
	s10 =	sld [smem:$0x3FB2];
	_ =	sdelay $0x3  }
0x34: {  	[smem:$0x3FB2] =	sst s10  }
0x35: {  	s10 =	sld [smem:$0x3FB1];
	_ =	sdelay $0x3  }
0x36: {  	p1 =	seq.s32 s10, $0x1;
	s10 =	sld [smem:$0x3FB2];
	_ =	sdelay $0x3  }
0x37: {  	[smem:$0x3FB2] =	sst s10  }
0x38: {  	s10 =	sld [smem:$0x3FB3]  }
0x39: {  	_ = 	snop;
	(pc) =	sbr.ind lr, $3  }
0x3a: {  	_ = 	snop  }
0x3b: {  	_ = 	snop  }
0x3c: {  	p2 =	seq.s32 s10, $0x1;
	s10 =	sld [smem:$0x3FB2]  }
0x3d: {  	_ =	shalt  }
0x3e: {  	_ =	shalt  }
0x3f: {  	_ =	shalt  }
0x40: {  	_ =	shalt  }
0x41: {  	_ =	shalt  }
0x42: {  	_ =	shalt  }
0x43: {  	_ =	shalt  }
0x44: {  	_ =	shalt  }
0x45: {  	_ =	shalt  }
0x46: {  	_ =	shalt  }
0x47: {  	_ =	shalt  }
0x48: {  	_ =	shalt  }
0x49: {  	_ =	shalt  }
0x4a: {  	_ =	shalt  }
0x4b: {  	_ =	shalt  }
0x4c: {  	_ =	shalt  }
0x4d: {  	_ =	shalt  }
0x4e: {  	_ =	shalt  }
0x4f: {  	_ =	shalt  }
0x50: {  	_ =	shalt  }
0x51: {  	_ =	shalt  }
0x52: {  	_ =	shalt  }
0x53: {  	_ =	shalt  }
0x54: {  	_ =	shalt  }
0x55: {  	_ =	shalt  }
0x56: {  	_ =	shalt  }
0x57: {  	_ =	shalt  }
0x58: {  	_ =	shalt  }
0x59: {  	_ =	shalt  }
0x5a: {  	_ =	shalt  }
0x5b: {  	_ =	shalt  }
0x5c: {  	_ =	shalt  }
0x5d: {  	_ =	shalt  }
0x5e: {  	_ =	shalt  }
0x5f: {  	_ =	shalt  }
0x60: {  	_ =	shalt  }
0x61: {  	_ =	shalt  }
0x62: {  	_ =	shalt  }
0x63: {  	_ =	shalt  }
0x64: {  	_ =	shalt  }
0x65: {  	_ =	shalt  }
0x66: {  	_ =	shalt  }
0x67: {  	_ =	shalt  }
0x68: {  	_ =	shalt  }
0x69: {  	_ =	shalt  }
0x6a: {  	_ =	shalt  }
0x6b: {  	_ =	shalt  }
0x6c: {  	_ =	shalt  }
0x6d: {  	_ =	shalt  }
0x6e: {  	_ =	shalt  }
0x6f: {  	_ =	shalt  }
0x70: {  	_ =	shalt  }
0x71: {  	_ =	shalt  }
0x72: {  	_ =	shalt  }
0x73: {  	_ =	shalt  }
0x74: {  	_ =	shalt  }
0x75: {  	_ =	shalt  }
0x76: {  	_ =	shalt  }
0x77: {  	_ =	shalt  }
0x78: {  	_ =	shalt  }
0x79: {  	_ =	shalt  }
0x7a: {  	_ =	shalt  }
0x7b: {  	_ =	shalt  }
0x7c: {  	_ =	shalt  }
0x7d: {  	_ =	shalt  }
0x7e: {  	_ =	shalt  }
0x7f: {  	_ =	shalt  }
0x80: {  	_ =	shalt  }
0x81: {  	_ =	shalt  }
0x82: {  	_ =	shalt  }
0x83: {  	_ =	shalt  }
0x84: {  	_ =	shalt  }
0x85: {  	_ =	shalt  }
0x86: {  	_ =	shalt  }
0x87: {  	_ =	shalt  }
.Lfunc_end0:
.L_simem_size_0:
called_computation.3_lowered:
.L_overlay_start_0:
0x88: {  	s2 =	sld [smem:$0x3FD9]  }
0x89: {  	s3 =	sld [smem:$0x3FFE];
	_ =	sdelay $0x1  }
0x8a: {  	s1 =	srdreg.scid  }
0x8b: {  	s0 =	sand.u32 $0x1, s1  }
0x8c: {  	s16 =	sshll.u32 s0, $0xA;
	s2 =	sadd.s32 s3, s2  }
0x8d: {  	s2 =	sadd.s32 s2, s16  }
0x8e: {  	[smem:$0x3FBE] =	sst s2  }
0x8f: {  	_ = 	snop  }
0x90: {  	(tm) =	ssettm $0x1  }
0x91: {  	s17 =	sld [smem:$0x3FFB];
	_ =	sdelay $0x3  }
0x92: {  	_ =	strace s17  }
0x93: {  	s2 =	sld [smem:$0x3FFC];
	_ =	sdelay $0x3  }
0x94: {  	_ =	strace s2  }
0x95: {  	s2 =	sld [smem:$0x3FFD];
	_ =	sdelay $0x3  }
0x96: {  	_ =	strace s2  }
0x97: {  	_ =	strace $0x8FFFFFFF  }
0x98: {  	s18 =	sld [smem:$0x3FDB];
	_ =	sdelay $0x1  }
0x99: {  	s19 =	simm.s32 $_scs_section_size  }
0x9a: {  	s4 =	simm.s32 $_size__tile_overlayer_lowered;
	s5 =	simm.s32 $_tile_overlayer_lowered  }
0x9b: {  	s22 =	simm.s32 $0x1BFF;
	s21 =	sshll.u32 s5, $0x1;
	s2 =	sadd.s32 s19, s18  }
0x9c: {  	s6 =	simm.s32 $0x0;
	s20 =	sshll.u32 s4, $0x1;
	s4 =	sadd.s32 s21, s2  }
0x9d: {  	[timem:s6], [sflag:s22] =	dma.local [hbm:s4], s20  }
0x9e: {  	_ =	swait.ge [sflag:s22], s20  }
0x9f: {  	s3 =	ssub.s32 $0x0, s20;
	[sflag:s22] =	ssyncset.done $0x0  }
0xa0: {  	[sflag:s22] =	ssyncadd.s32 s3;
	_ =	sdelay $0x1  }
0xa1: {  	s23 =	simm.s32 $0x1B8B  }
0xa2: {  	_ =	swait.ge [sflag:s23], $0x1  }
0xa3: {  	[sflag:s23] =	ssyncset.done $0x0  }
0xa4: {  	s25 =	simm.s32 $0x1B8E;
	s24 =	sld [smem:$0x3FFE];
	[sflag:s23] =	ssyncadd.s32 $0xFFFFFFFF  }
0xa5: {  	s26 =	simm.s32 $execute0_lowered;
	[smem:$0x3FD2] =	sst s25  }
0xa6: {  	s4 =	sshll.u32 s26, $0x1;
	_ =	strace $0x8000004F;
	[dreg:$0x1] =	wrdreg $0xFFFFFFFF  }
0xa7: {  	s28 =	simm.s32 $_size_execute0_lowered;
	s2 =	sadd.s32 s2, s4;
	[dreg:$0x0] =	wrdreg $0x0  }
0xa8: {  	s4 =	sshll.u32 s28, $0x1;
	[dreg:$0x2] =	wrdreg s2  }
0xa9: {  	[dreg:$0x3] =	wrdreg s4  }
0xaa: {  	[dreg:$0x4] =	wrdreg $0xC0  }
0xab: {  	_ =	task [dreg:s6], $0x5FFFF  }
0xac: {  	[dreg:$0x1] =	wrdreg $0xFFFFFFFF  }
0xad: {  	[dreg:$0x0] =	wrdreg $0x60  }
0xae: {  	[dreg:$0x2] =	wrdreg s24  }
0xaf: {  	[dreg:$0x3] =	wrdreg $0x90000  }
0xb0: {  	[dreg:$0x4] =	wrdreg $0x9  }
0xb1: {  	_ =	task.clear_ibuf [dreg:s6], $0x5FFFF;
	_ =	strace $0x9000004F  }
0xb2: {  	s29 =	simm.s32 $0x9;
	_ =	strace $0x80000051  }
0xb3: {  	_ =	swait.ge [sflag:s29], $0x1  }
0xb4: {  	[sflag:s29] =	ssyncadd.s32 $0xFFFFFFFF  }
0xb5: {  	_ =	strace $0x90000051  }
0xb6: {  	_ =	sfence  }
0xb7: {  	s30 =	sld [smem:$0x0];
	_ =	sdelay $0x2  }
0xb8: {  	s31 =	sshll.u32 s1, $0xD;
	s1 =	sshrl.u32 s1, $0x2  }
0xb9: {  	s3 =	sand.u32 $0x4000, s31;
	s1 =	sadd.s32 s1, s30  }
0xba: {  	s0 =	sor.u32 s3, s0;
	s1 =	sshll.u32 s1, $0x11  }
0xbb: {  	s0 =	sor.u32 s1, s0  }
0xbc: {  	s0 =	sadd.s32 $0x8F2B, s0  }
0xbd: {  	[sflag:s0] =	ssyncadd.remote.s32 $0x1  }
0xbe: {  	_ =	sfence.sel $0xFFFF  }
0xbf: {  	[dreg:$0x0] =	wrdreg $0xFFFFFFFF;
	(pc) =	sbr.abs _section_cstart, $3  }
0xc0: {  	[dreg:$0x1] =	wrdreg $0xFFFFFFFF  }
0xc1: {  	_ =	task.clear_ibuf [dreg:s6], $0x2FFFF;
	_ =	strace $0x9FFFFFFF  }
0xc2: {  	(tm) =	ssettm $0x7FFFFFFF  }
0xc3: {  	_ =	shalt  }
tec
execute0_lowered:
.L_overlay_start_1:
0x0: {  	(tag) =	ssettag $0x1  }
0x1: {  	s0 =	srdreg.scid;
	s1 =	rddreg [dreg:$0x0]  }
0x2: {  	s9 =	stileid.u32;
	s2 =	rddreg [dreg:$0x1]  }
0x3: {  	s11 =	simm.s32 $0x9;
	s13 =	simm.s32 $0x80;
	s14 =	simm.s32 $0x5000  }
0x4: {  	s15 =	simm.s32 $0x6000;
	s17 =	simm.s32 $0x7000;
	s19 =	simm.s32 $0x8000  }
0x5: {  	s20 =	simm.s32 $0x1;
	s21 =	simm.s32 $0x2;
	s22 =	simm.s32 $0x3  }
0x6: {  	s23 =	simm.s32 $0x4;
	s28 =	simm.s32 $0x7;
	s29 =	simm.s32 $0x8  }
0x7: {  	s31 =	simm.s32 $0x4E80;
	s0 =	sand.u32 $0x1, s0;
	s6 =	smul.u32 $0x4F00, s9  }
0x8: {  	s30 =	sshll.u32 s9, $0x6;
	s3 =	sshll.u32 s0, $0x4;
	s7 =	smul.u32 $0x9E00, s0  }
0x9: {  	s0 =	ssub.s32 $0x2, s0;
	s4 =	sor.u32 s9, s3;
	s3 =	simm.s32 $0x0  }
0xa: {  	s12 =	sshrl.u32 s6, $0x3;
	s26 =	sshrl.u32 s0, $0x1;
	s10 =	sadd.s32 s6, s2  }
0xb: {  	s6 =	sor.u32 $0x1C09, s30;
	s5 =	smul.u32 $0x500, s4;
	[smem:$0x7FF] =	sst s3  }
0xc: {  	s4 =	sadd.s32 $0x65200, s1;
	s25 =	sadd.s32 s12, s1;
	s0 =	ssub.s32 s0, s26  }
0xd: {  	s10 =	sshrl.u32 s10, $0x3;
	s26 =	simm.s32 $0x6;
	_ =	strace $0x80000050  }
0xe: {  	s9 =	smax.u32 s0, $0x1;
	s0 =	simm.s32 $0x4F80;
	s8 =	sadd.s32 s5, s1  }
0xf: {  	s1 =	sadd.s32 s7, s1;
	s5 =	sadd.s32 $0x6F000, s25;
	s25 =	simm.s32 $0x5  }
0x10: {  	s7 =	sadd.s32 $0xC200, s8;
	s8 =	sadd.s32 $0x2200, s8;
	s1 =	sadd.s32 $0x78E00, s1  }
0x11: {  	s24 =	sadd.s32 s12, s1;
	s1 =	simm.s32 $0x4F00;
	s12 =	simm.s32 $0x0  }
.LBB2_1:
0x12: {  	[spmem:s10], [sflag:s6] =	dma.local [hbm:s5], $0x9E0  }
0x13: {  	_ =	swait.ge [sflag:s11], $0x9E0  }
0x14: {  	[sflag:s11] =	ssyncset.done $0x0  }
0x15: {  	[sflag:s11] =	ssyncadd.s32 $0xFFFFF620  }
0x16: {  	[tilespmem:s3], [sflag:$0x9] =	stream.linear.gather [hbm4b:s7+s3], $0x2800, $0x38;
	[tilespmem:$0xDF00] =	vst v63  }
0x17: {  	_ =	swait.ge [sflag:s11], $0x2800  }
0x18: {  	[sflag:s11] =	ssyncset.done $0x0  }
0x19: {  	s16 =	simm.s32 $0x2800;
	[sflag:s11] =	ssyncadd.s32 $0xFFFFD800  }
0x1a: {  	[tilespmem:s16], [sflag:$0x9] =	stream.linear.gather [hbm4b:s8+s3], $0x2800, $0x38;
	[tilespmem:$0xDF00] =	vst v63  }
0x1b: {  	_ =	swait.ge [sflag:s11], $0x2800  }
0x1c: {  	[sflag:s11] =	ssyncset.done $0x0  }
0x1d: {  	[sflag:s11] =	ssyncadd.s32 $0xFFFFD800  }
0x1e: {  	[bflag:$0x0] =	sbarrier.arrive $0xFFFF  }
0x1f: {  	[tilespmem:s14], [sflag:$0x1] =	stream.indirect.gather [hbm4b:s4+s13], $0x20, s3, s13, $0xb8;
	[tilespmem:$0xDF00] =	vst v63  }
0x20: {  	_ = 	snop  }
0x21: {  	[tilespmem:s15], [sflag:$0x2] =	stream.indirect.gather [hbm4b:s4+s13], $0x20, s13, s13, $0xb8;
	[tilespmem:$0xDF00] =	vst v63  }
0x22: {  	s30 =	simm.s32 $0x100  }
0x23: {  	[tilespmem:s17], [sflag:$0x3] =	stream.indirect.gather [hbm4b:s4+s13], $0x20, s30, s13, $0xb8;
	[tilespmem:$0xDF00] =	vst v63  }
0x24: {  	s18 =	simm.s32 $0x180  }
0x25: {  	[tilespmem:s19], [sflag:$0x4] =	stream.indirect.gather [hbm4b:s4+s13], $0x20, s18, s13, $0xb8;
	[tilespmem:$0xDF00] =	vst v63  }
0x26: {  	_ =	swait.ge [sflag:s20], $0x1000  }
0x27: {  	[sflag:s20] =	ssyncset.done $0x0  }
0x28: {  	s30 =	simm.s32 $0x2800;
	[sflag:s20] =	ssyncadd.s32 $0xFFFFF000  }
0x29: {  	[spmem:s2] =	stream.indirect.scatter.add.f32 [tilespmem:s14], [sflag:$0x5], $0x20, s30, s13, $0xb8;
	[tilespmem:$0xDF00] =	vst v63  }
0x2a: {  	_ =	swait.ge [sflag:s21], $0x1000  }
0x2b: {  	[sflag:s21] =	ssyncset.done $0x0  }
0x2c: {  	s18 =	simm.s32 $0x2880;
	[sflag:s21] =	ssyncadd.s32 $0xFFFFF000  }
0x2d: {  	[spmem:s2] =	stream.indirect.scatter.add.f32 [tilespmem:s15], [sflag:$0x6], $0x20, s18, s13, $0xb8;
	[tilespmem:$0xDF00] =	vst v63  }
0x2e: {  	_ =	swait.ge [sflag:s22], $0x1000  }
0x2f: {  	[sflag:s22] =	ssyncset.done $0x0  }
0x30: {  	s30 =	simm.s32 $0x2900;
	[sflag:s22] =	ssyncadd.s32 $0xFFFFF000  }
0x31: {  	[spmem:s2] =	stream.indirect.scatter.add.f32 [tilespmem:s17], [sflag:$0x7], $0x20, s30, s13, $0xb8;
	[tilespmem:$0xDF00] =	vst v63  }
0x32: {  	_ =	swait.ge [sflag:s23], $0x1000  }
0x33: {  	[sflag:s23] =	ssyncset.done $0x0  }
0x34: {  	s18 =	simm.s32 $0x2980;
	[sflag:s23] =	ssyncadd.s32 $0xFFFFF000  }
0x35: {  	[spmem:s2] =	stream.indirect.scatter.add.f32 [tilespmem:s19], [sflag:$0x8], $0x20, s18, s13, $0xb8;
	[tilespmem:$0xDF00] =	vst v63  }
0x36: {  	_ =	swait.ge [sflag:s25], $0x1000  }
0x37: {  	[sflag:s25] =	ssyncset.done $0x0  }
0x38: {  	s30 =	simm.s32 $0x200;
	[sflag:s25] =	ssyncadd.s32 $0xFFFFF000  }
0x39: {  	[tilespmem:s14], [sflag:$0x1] =	stream.indirect.gather [hbm4b:s4+s13], $0x20, s30, s13, $0xb8;
	[tilespmem:$0xDF00] =	vst v63  }
0x3a: {  	_ =	swait.ge [sflag:s26], $0x1000  }
0x3b: {  	[sflag:s26] =	ssyncset.done $0x0  }
0x3c: {  	s18 =	simm.s32 $0x280;
	[sflag:s26] =	ssyncadd.s32 $0xFFFFF000  }
0x3d: {  	[tilespmem:s15], [sflag:$0x2] =	stream.indirect.gather [hbm4b:s4+s13], $0x20, s18, s13, $0xb8;
	[tilespmem:$0xDF00] =	vst v63  }
0x3e: {  	_ =	swait.ge [sflag:s28], $0x1000  }
0x3f: {  	[sflag:s28] =	ssyncset.done $0x0  }
0x40: {  	s30 =	simm.s32 $0x300;
	[sflag:s28] =	ssyncadd.s32 $0xFFFFF000  }
0x41: {  	[tilespmem:s17], [sflag:$0x3] =	stream.indirect.gather [hbm4b:s4+s13], $0x20, s30, s13, $0xb8;
	[tilespmem:$0xDF00] =	vst v63  }
0x42: {  	_ =	swait.ge [sflag:s29], $0x1000  }
0x43: {  	[sflag:s29] =	ssyncset.done $0x0  }
0x44: {  	s16 =	simm.s32 $0x800;
	s18 =	simm.s32 $0x380;
	[sflag:s29] =	ssyncadd.s32 $0xFFFFF000  }
.LBB2_2:
0x45: {  	[tilespmem:s19], [sflag:$0x4] =	stream.indirect.gather [hbm4b:s4+s13], $0x20, s18, s13, $0xb8;
	[tilespmem:$0xDF00] =	vst v63  }
0x46: {  	s18 =	smov.u32 s16  }
0x47: {  	p0 =	sne.s32 s16, $0x9000;
	s16 =	sadd.s32 $0x800, s16;
	_ =	swait.ge [sflag:s20], $0x1000  }
0x48: {  	s18 =	sshra.s32 s18, $0x2;
	[sflag:s20] =	ssyncset.done $0x0  }
0x49: {  	s30 =	sadd.s32 $0x2800, s18;
	[sflag:s20] =	ssyncadd.s32 $0xFFFFF000  }
0x4a: {  	[spmem:s2] =	stream.indirect.scatter.add.f32 [tilespmem:s14], [sflag:$0x5], $0x20, s30, s13, $0xb8;
	[tilespmem:$0xDF00] =	vst v63  }
0x4b: {  	_ =	swait.ge [sflag:s21], $0x1000  }
0x4c: {  	[sflag:s21] =	ssyncset.done $0x0  }
0x4d: {  	s30 =	sadd.s32 $0x2880, s18;
	[sflag:s21] =	ssyncadd.s32 $0xFFFFF000  }
0x4e: {  	[spmem:s2] =	stream.indirect.scatter.add.f32 [tilespmem:s15], [sflag:$0x6], $0x20, s30, s13, $0xb8;
	[tilespmem:$0xDF00] =	vst v63  }
0x4f: {  	_ =	swait.ge [sflag:s22], $0x1000  }
0x50: {  	[sflag:s22] =	ssyncset.done $0x0  }
0x51: {  	s30 =	sadd.s32 $0x2900, s18;
	[sflag:s22] =	ssyncadd.s32 $0xFFFFF000  }
0x52: {  	[spmem:s2] =	stream.indirect.scatter.add.f32 [tilespmem:s17], [sflag:$0x7], $0x20, s30, s13, $0xb8;
	[tilespmem:$0xDF00] =	vst v63  }
0x53: {  	_ =	swait.ge [sflag:s23], $0x1000  }
0x54: {  	[sflag:s23] =	ssyncset.done $0x0  }
0x55: {  	s30 =	sadd.s32 $0x2980, s18;
	[sflag:s23] =	ssyncadd.s32 $0xFFFFF000  }
0x56: {  	[spmem:s2] =	stream.indirect.scatter.add.f32 [tilespmem:s19], [sflag:$0x8], $0x20, s30, s13, $0xb8;
	[tilespmem:$0xDF00] =	vst v63  }
0x57: {  	_ =	swait.ge [sflag:s25], $0x1000  }
0x58: {  	[sflag:s25] =	ssyncset.done $0x0  }
0x59: {  	s30 =	sadd.s32 $0x200, s18;
	[sflag:s25] =	ssyncadd.s32 $0xFFFFF000  }
0x5a: {  	[tilespmem:s14], [sflag:$0x1] =	stream.indirect.gather [hbm4b:s4+s13], $0x20, s30, s13, $0xb8;
	[tilespmem:$0xDF00] =	vst v63  }
0x5b: {  	_ =	swait.ge [sflag:s26], $0x1000  }
0x5c: {  	[sflag:s26] =	ssyncset.done $0x0  }
0x5d: {  	s30 =	sadd.s32 $0x280, s18;
	[sflag:s26] =	ssyncadd.s32 $0xFFFFF000  }
0x5e: {  	[tilespmem:s15], [sflag:$0x2] =	stream.indirect.gather [hbm4b:s4+s13], $0x20, s30, s13, $0xb8;
	[tilespmem:$0xDF00] =	vst v63  }
0x5f: {  	_ =	swait.ge [sflag:s28], $0x1000  }
0x60: {  	[sflag:s28] =	ssyncset.done $0x0  }
.Ltmp0:
0x61: {  	s30 =	sadd.s32 $0x300, s18;
	[sflag:s28] =	ssyncadd.s32 $0xFFFFF000;
	(pc) =	sbr.rel @p0 .LBB2_2-.Ltmp0, $4  }
0x62: {  	[tilespmem:s17], [sflag:$0x3] =	stream.indirect.gather [hbm4b:s4+s13], $0x20, s30, s13, $0xb8;
	[tilespmem:$0xDF00] =	vst v63  }
0x63: {  	_ =	swait.ge [sflag:s29], $0x1000  }
0x64: {  	[sflag:s29] =	ssyncset.done $0x0  }
0x65: {  	s18 =	sadd.s32 $0x380, s18;
	[sflag:s29] =	ssyncadd.s32 $0xFFFFF000  }
0x66: {  	[tilespmem:s19], [sflag:$0x4] =	stream.indirect.gather [hbm4b:s4+s13], $0x20, s18, s13, $0xb8;
	[tilespmem:$0xDF00] =	vst v63  }
0x67: {  	_ =	swait.ge [sflag:s20], $0x1000  }
0x68: {  	[sflag:s20] =	ssyncset.done $0x0  }
0x69: {  	s16 =	simm.s32 $0x4E00;
	[sflag:s20] =	ssyncadd.s32 $0xFFFFF000  }
0x6a: {  	[spmem:s2] =	stream.indirect.scatter.add.f32 [tilespmem:s14], [sflag:$0x5], $0x20, s16, s13, $0xb8;
	[tilespmem:$0xDF00] =	vst v63  }
0x6b: {  	_ =	swait.ge [sflag:s21], $0x1000  }
0x6c: {  	[sflag:s21] =	ssyncset.done $0x0  }
0x6d: {  	[sflag:s21] =	ssyncadd.s32 $0xFFFFF000  }
0x6e: {  	[spmem:s2] =	stream.indirect.scatter.add.f32 [tilespmem:s15], [sflag:$0x6], $0x20, s31, s13, $0xb8;
	[tilespmem:$0xDF00] =	vst v63  }
0x6f: {  	_ =	swait.ge [sflag:s22], $0x1000  }
0x70: {  	[sflag:s22] =	ssyncset.done $0x0  }
0x71: {  	[sflag:s22] =	ssyncadd.s32 $0xFFFFF000  }
0x72: {  	[spmem:s2] =	stream.indirect.scatter.add.f32 [tilespmem:s17], [sflag:$0x7], $0x20, s1, s13, $0xb8;
	[tilespmem:$0xDF00] =	vst v63  }
0x73: {  	_ =	swait.ge [sflag:s23], $0x1000  }
0x74: {  	[sflag:s23] =	ssyncset.done $0x0  }
0x75: {  	[sflag:s23] =	ssyncadd.s32 $0xFFFFF000  }
0x76: {  	[spmem:s2] =	stream.indirect.scatter.add.f32 [tilespmem:s19], [sflag:$0x8], $0x20, s0, s13, $0xb8;
	[tilespmem:$0xDF00] =	vst v63  }
0x77: {  	_ =	swait.ge [sflag:s25], $0x1000  }
0x78: {  	[sflag:s25] =	ssyncset.done $0x0  }
0x79: {  	[sflag:s25] =	ssyncadd.s32 $0xFFFFF000  }
0x7a: {  	_ =	swait.ge [sflag:s26], $0x1000  }
0x7b: {  	[sflag:s26] =	ssyncset.done $0x0  }
0x7c: {  	[sflag:s26] =	ssyncadd.s32 $0xFFFFF000  }
0x7d: {  	_ =	swait.ge [sflag:s28], $0x1000  }
0x7e: {  	[sflag:s28] =	ssyncset.done $0x0  }
0x7f: {  	[sflag:s28] =	ssyncadd.s32 $0xFFFFF000  }
0x80: {  	_ =	swait.ge [sflag:s29], $0x1000  }
0x81: {  	s12 =	sadd.s32 $0x1, s12;
	[sflag:s29] =	ssyncset.done $0x0  }
0x82: {  	p0 =	sne.s32 s12, s9;
	[sflag:s29] =	ssyncadd.s32 $0xFFFFF000  }
.Ltmp1:
0x83: {  	[bflag:$0x0] =	sbarrier.arrive $0xFFFF;
	(pc) =	sbr.rel @p0 .LBB2_1-.Ltmp1, $4  }
0x84: {  	[hbm:s24], [sflag:s6] =	dma.local [spmem:s10], $0x9E0  }
0x85: {  	_ =	swait.ge [sflag:s11], $0x9E0  }
0x86: {  	[sflag:s11] =	ssyncset.done $0x0  }
0x87: {  	[sflag:s11] =	ssyncadd.s32 $0xFFFFF620  }
0x88: {  	_ =	sfence.sel $0x180000  }
0x89: {  	[bflag:$0x0] =	sbarrier.arrive $0xFFFF  }
0x8a: {  	_ =	strace $0x90000050  }
0x8b: {  	s0 =	stileid.u32;
	[bflag:$0x2] =	sbarrier.arrive $0xFFFF  }
0x8c: {  	p0 =	sne.s32 s0, $0x0;
	s0 =	rddreg [dreg:$0x2]  }
0x8d: {  	s0 =	sadd.s32 @!p0 $0x100000, s0  }
0x8e: {  	[sflag:s0] =	ssyncadd.tile.s32 @!p0 $0x1;
	_ =	shalt  }
.Lfunc_end2:
_tile_overlayer_lowered:
.L_overlay_start_2:
0x8f: {  	(tag) =	ssettag $0x2  }
0x90: {  	s0 =	rddreg [dreg:$0x0];
	s2 =	stileid.u32  }
0x91: {  	s1 =	rddreg [dreg:$0x1];
	p0 =	sne.s32 s2, $0x0  }
0x92: {  	s3 =	rddreg [dreg:$0x2];
	[bflag:$0x3] =	sbarrier.arrive $0xFFFF;
	s2 =	simm.s32 @!p0 $0x1C09  }
0x93: {  	[timem:s3], [sflag:s2] =	dma.local @!p0 [hbm:s0], s1  }
0x94: {  	s0 =	simm.s32 @!p0 $0x9  }
0x95: {  	_ =	swait.ge @!p0 [sflag:s0], s1  }
0x96: {  	s1 =	ssub.s32 @!p0 $0x0, s1;
	[sflag:s0] =	ssyncset.done @!p0 $0x0  }
0x97: {  	[sflag:s0] =	ssyncadd.s32 @!p0 s1  }
0x98: {  	[bflag:$0x3] =	sbarrier.arrive $0xFFFF  }
0x99: {  	_ =	shalt  }

</sc_bundles>
